<compile_context>
chip_gen: v7x
topology: tpu7x:2x2x1
jax: 0.10.2.dev20260603
libtpu: 0.0.44.dev20260713+nightly
codegen_flags: <defaults>
</compile_context>

<pallas_src>
import functools

import jax
import jax.numpy as jnp
from jax import lax
from jax.experimental import pallas as pl
from jax.experimental.pallas import tpu as pltpu
from jax.experimental.pallas import tpu_sc as plsc

_SC_FRAC = 0.45
_PN = 32
_NW = 32


def _pick_block(n, cap=2048):
    for b in range(cap - cap % 8, 0, -8):
        if n % b == 0:
            return b
    for b in range(min(n, cap), 0, -1):
        if n % b == 0:
            return b
    return n


def _pass1_kernel(h_ref, w_ref, bl_ref, a_ref, wexp_ref,
                  acc_ref, comp_ref, bd_ref):
    i = pl.program_id(0)
    c, bn, f = h_ref.shape

    @pl.when(i == 0)
    def _():
        acc_ref[...] = jnp.zeros_like(acc_ref)
        comp_ref[...] = jnp.zeros_like(comp_ref)
        row = lax.broadcasted_iota(jnp.int32, (c, c * bn), 0)
        col = lax.broadcasted_iota(jnp.int32, (c, c * bn), 1)
        bd_ref[...] = (col // bn == row).astype(jnp.bfloat16)

    x = h_ref[...].reshape(c * bn, f)
    s = jnp.tanh(
        jnp.dot(x, w_ref[...], preferred_element_type=jnp.float32) + bl_ref[...]
    )
    colsum = jnp.dot(bd_ref[...], s.astype(jnp.bfloat16),
                     preferred_element_type=jnp.float32)
    a_r = a_ref[...].astype(jnp.bfloat16).astype(jnp.float32)
    t = jnp.sum(colsum * a_r, axis=1)
    tb = jnp.broadcast_to(t[:, None], acc_ref.shape)
    y = tb - comp_ref[...]
    tot = acc_ref[...] + y
    comp_ref[...] = (tot - acc_ref[...]) - y
    acc_ref[...] = tot

    @pl.when(i == pl.num_programs(0) - 1)
    def _():
        b = acc_ref[...] * (1.0 / c)
        m = jnp.max(b, axis=0, keepdims=True)
        e = jnp.exp(b - m)
        wexp_ref[...] = e / jnp.sum(e, axis=0, keepdims=True)


def _pass2_tc_kernel(wexp_ref, h_ref, out_ref):
    c = h_ref.shape[0]
    w = wexp_ref[...]
    hb = h_ref[...]
    acc = hb[0] * w[0]
    for i in range(1, c):
        acc = acc + hb[i] * w[i]
    out_ref[...] = acc


def _make_sc_pass2(c, f, node0, npw, pieces, pn):
    mesh = plsc.VectorSubcoreMesh(core_axis_name="c", subcore_axis_name="s")
    nc = 2
    lanes = f // 16

    @functools.partial(
        pl.kernel,
        out_type=jax.ShapeDtypeStruct((npw * _NW, f), jnp.float32),
        mesh=mesh,
        scratch_types=[
            pltpu.VMEM((c, f), jnp.float32),
            [pltpu.VMEM((c, pn, f), jnp.float32) for _ in range(2)],
            pltpu.VMEM((pn, f), jnp.float32),
            [pltpu.SemaphoreType.DMA for _ in range(2)],
        ],
    )
    def sc_pass2(h_ref, wexp_ref, out_ref, wbuf, hbufs, accbuf, sems):
        wid = lax.axis_index("s") * nc + lax.axis_index("c")
        base = node0 + wid * npw
        obase = wid * npw
        pltpu.sync_copy(wexp_ref, wbuf)
        wv = [wbuf[i, 0:16] for i in range(c)]

        def copy(slot, p):
            src = base + p * pn
            hb, sem = hbufs[slot], sems[slot]

            class _Batch:
                def start(self):
                    for i in range(c):
                        pltpu.make_async_copy(
                            h_ref.at[i, pl.ds(src, pn), :], hb.at[i], sem
                        ).start()

                def wait(self):
                    for i in range(c):
                        pltpu.make_async_copy(
                            h_ref.at[i, pl.ds(src, pn), :], hb.at[i], sem
                        ).wait()

            return _Batch()

        def compute(slot, p):
            bufs = hbufs[slot]

            def row(r, _):
                for l in range(lanes):
                    sl = pl.ds(l * 16, 16)
                    a = wv[0] * bufs[0, r, sl]
                    for i in range(1, c):
                        a = a + wv[i] * bufs[i, r, sl]
                    accbuf[r, sl] = a
                return 0

            lax.fori_loop(0, pn, row, 0)
            pltpu.sync_copy(accbuf, out_ref.at[pl.ds(obase + p * pn, pn), :])

        copy(0, 0).start()

        def pair(p2, _):
            p = p2 * 2

            copy(1, p + 1).start()
            copy(0, p).wait()
            compute(0, p)

            @pl.when(p + 2 < pieces)
            def _():
                copy(0, p + 2).start()

            copy(1, p + 1).wait()
            compute(1, p + 1)
            return 0

        lax.fori_loop(0, pieces // 2, pair, 0)

    return sc_pass2


def kernel(h, W, b_lin, attn_vector, num_confs):
    del num_confs
    c, n, f = h.shape
    fo = W.shape[1]

    bn1 = _pick_block(n, 2048)
    nb1 = n // bn1
    wexp = pl.pallas_call(
        _pass1_kernel,
        grid=(nb1,),
        in_specs=[
            pl.BlockSpec((c, bn1, f), lambda i: (0, i, 0)),
            pl.BlockSpec((f, fo), lambda i: (0, 0)),
            pl.BlockSpec((1, fo), lambda i: (0, 0)),
            pl.BlockSpec((1, fo), lambda i: (0, 0)),
        ],
        out_specs=pl.BlockSpec((c, fo), lambda i: (0, 0)),
        out_shape=jax.ShapeDtypeStruct((c, fo), jnp.float32),
        scratch_shapes=[pltpu.VMEM((c, fo), jnp.float32),
                        pltpu.VMEM((c, fo), jnp.float32),
                        pltpu.VMEM((c, c * bn1), jnp.bfloat16)],
        compiler_params=pltpu.CompilerParams(
            dimension_semantics=("arbitrary",),
        ),
    )(h, W, b_lin.reshape(1, fo), attn_vector.reshape(1, fo))

    gran = _NW * _PN * 2
    n_sc = int(n * _SC_FRAC) // gran * gran
    n1 = n - n_sc

    out_sc = None
    if n_sc:
        npw = n_sc // _NW
        pieces = npw // _PN
        sc_fn = _make_sc_pass2(c, f, n1, npw, pieces, _PN)
        out_sc = sc_fn(h, wexp)

    if n1 == 0:
        return out_sc

    bn2 = _pick_block(n, 2048)
    nb2 = -(-n1 // bn2)
    out_tc = pl.pallas_call(
        _pass2_tc_kernel,
        grid=(nb2,),
        in_specs=[
            pl.BlockSpec((c, fo), lambda i: (0, 0)),
            pl.BlockSpec((c, bn2, f), lambda i: (0, i, 0)),
        ],
        out_specs=pl.BlockSpec((bn2, f), lambda i: (i, 0)),
        out_shape=jax.ShapeDtypeStruct((n, f), jnp.float32),
        compiler_params=pltpu.CompilerParams(
            dimension_semantics=("arbitrary",),
        ),
    )(wexp, h)

    if out_sc is None:
        return out_tc
    return lax.dynamic_update_slice(out_tc, out_sc, (n1, 0))

# --- scband reference (transcript-rebuilt; emitter-appended) ---
"""Pipeline reference for scband-slot-gattest2-90031104459544 (READ-ONLY COPY).

The authoritative reference and input builder live on the scoring server;
editing this copy changes nothing except your own understanding.
"""

import jax, jax.numpy as jnp
import numpy as np

IN_FEAT = 128
OUT_FEAT = 128
NUM_CONFS = 8
NUM_NODES = 50000


def setup_inputs(seed: int = 0) -> dict:
    key = jax.random.key(seed)
    k1, k2, k3, k4, k5 = jax.random.split(key, 5)
    h = jax.random.normal(k1, (NUM_CONFS, NUM_NODES, IN_FEAT), dtype=jnp.float32)
    # nn.Linear(in_feat, out_feat) weight/bias
    W = jax.random.normal(k2, (IN_FEAT, OUT_FEAT), dtype=jnp.float32) * (1.0 / np.sqrt(IN_FEAT))
    b_lin = jax.random.normal(k3, (OUT_FEAT,), dtype=jnp.float32) * 0.05
    # attn_vector ~ randn(in_feat); note einsum contracts it against the MLP output (out_feat),
    # so in_feat == out_feat is required, matching the original module's implicit assumption.
    attn_vector = jax.random.normal(k4, (IN_FEAT,), dtype=jnp.float32)
    return {"h": h, "W": W, "b_lin": b_lin, "attn_vector": attn_vector, "num_confs": NUM_CONFS}


def reference(h, W, b_lin, attn_vector, num_confs):
    # s = Tanh(Linear(h)) : (c, n, out_feat)
    s = jnp.tanh(jnp.einsum('cni,io->cno', h, W) + b_lin)
    # b = einsum('cni,i->cn', s, attn_vector)
    b = jnp.einsum('cno,o->cn', s, attn_vector)
    # b = b.sum(dim=1) / num_confs : (c,)
    b = jnp.sum(b, axis=1) / num_confs
    # softmax over conformer dim (dim=0)
    b = jax.nn.softmax(b, axis=0)
    # broadcast weights and aggregate over conformers
    b = b[:, None, None]
    out = jnp.sum(h * b, axis=0)  # (num_nodes, in_feat)
    return out

if __name__ == "__main__":
    import jax
    _d = setup_inputs()
    print(jax.jit(kernel)(*tuple(_d.values())))

</pallas_src>

<mosaic_0001>
#map = affine_map<(d0, d1) -> (0, 0, 0)>
#map1 = affine_map<(d0, d1) -> (0, 0)>
module attributes {stable_mosaic.version = 14 : i64} {
  func.func @sc_pass2(%arg0: i32, %arg1: i32, %arg2: memref<8x50000x128xf32, #tpu.memory_space<hbm>>, %arg3: memref<8x128xf32, #tpu.memory_space<hbm>>, %arg4: memref<20480x128xf32, #tpu.memory_space<hbm>>, %arg5: memref<8x128xf32, #tpu.memory_space<vmem>>, %arg6: memref<8x32x128xf32, #tpu.memory_space<vmem>>, %arg7: memref<8x32x128xf32, #tpu.memory_space<vmem>>, %arg8: memref<32x128xf32, #tpu.memory_space<vmem>>, %arg9: memref<!tpu.dma_semaphore, #tpu.memory_space<semaphore_mem>>, %arg10: memref<!tpu.dma_semaphore, #tpu.memory_space<semaphore_mem>>) attributes {dimension_semantics = [#tpu.dimension_semantics<core_parallel>, #tpu.dimension_semantics<subcore_parallel>], iteration_bounds = array<i64: 2, 16>, scalar_prefetch = 0 : i64, scratch_operands = 6 : i64, tpu.core_type = #tpu.core_type<sc_vector_subcore>, window_params = [{transform_indices = #map}, {transform_indices = #map1}, {transform_indices = #map1}]} {
    %mul3A = arith.constant 2 : i32
    %mul3A_0 = arith.muli %arg1, %mul3A : i32
    %add3A = arith.addi %mul3A_0, %arg0 : i32
    %mul3A_1 = arith.constant 640 : i32
    %mul3A_2 = arith.muli %add3A, %mul3A_1 : i32
    %add3A_3 = arith.constant 29520 : i32
    %add3A_4 = arith.addi %add3A_3, %mul3A_2 : i32
    %mul3A_5 = arith.constant 640 : i32
    %mul3A_6 = arith.muli %add3A, %mul3A_5 : i32
    "tpu.region"() ({
      %run_scoped3A = tpu.sem_alloc : memref<!tpu.dma_semaphore, #tpu.memory_space<semaphore_mem>>
      tpu.enqueue_dma source(%arg3 : memref<8x128xf32, #tpu.memory_space<hbm>>) target(%arg5 : memref<8x128xf32, #tpu.memory_space<vmem>>) target_semaphore(%run_scoped3A : memref<!tpu.dma_semaphore, #tpu.memory_space<semaphore_mem>>)
      tpu.wait_dma2 semaphore(%run_scoped3A : memref<!tpu.dma_semaphore, #tpu.memory_space<semaphore_mem>>) src(%arg3 : memref<8x128xf32, #tpu.memory_space<hbm>>) dst(%arg5 : memref<8x128xf32, #tpu.memory_space<vmem>>)
      tpu.yield
    }) : () -> ()
    %get3A = arith.constant 0 : i32
    %get3A_7 = arith.index_cast %get3A : i32 to index
    %get3A_8 = arith.constant 0 : index
    %get3A_9 = tpu.vector_load %arg5[%get3A_7, %get3A_8] {strides = array<i32>} : memref<8x128xf32, #tpu.memory_space<vmem>>, vector<1x16xf32>,
    %get3A_10 = vector.shape_cast %get3A_9 : vector<1x16xf32> to vector<16xf32>
    %get3A_11 = arith.constant 1 : i32
    %get3A_12 = arith.index_cast %get3A_11 : i32 to index
    %get3A_13 = arith.constant 0 : index
    %get3A_14 = tpu.vector_load %arg5[%get3A_12, %get3A_13] {strides = array<i32>} : memref<8x128xf32, #tpu.memory_space<vmem>>, vector<1x16xf32>,
    %get3A_15 = vector.shape_cast %get3A_14 : vector<1x16xf32> to vector<16xf32>
    %get3A_16 = arith.constant 2 : i32
    %get3A_17 = arith.index_cast %get3A_16 : i32 to index
    %get3A_18 = arith.constant 0 : index
    %get3A_19 = tpu.vector_load %arg5[%get3A_17, %get3A_18] {strides = array<i32>} : memref<8x128xf32, #tpu.memory_space<vmem>>, vector<1x16xf32>,
    %get3A_20 = vector.shape_cast %get3A_19 : vector<1x16xf32> to vector<16xf32>
    %get3A_21 = arith.constant 3 : i32
    %get3A_22 = arith.index_cast %get3A_21 : i32 to index
    %get3A_23 = arith.constant 0 : index
    %get3A_24 = tpu.vector_load %arg5[%get3A_22, %get3A_23] {strides = array<i32>} : memref<8x128xf32, #tpu.memory_space<vmem>>, vector<1x16xf32>,
    %get3A_25 = vector.shape_cast %get3A_24 : vector<1x16xf32> to vector<16xf32>
    %get3A_26 = arith.constant 4 : i32
    %get3A_27 = arith.index_cast %get3A_26 : i32 to index
    %get3A_28 = arith.constant 0 : index
    %get3A_29 = tpu.vector_load %arg5[%get3A_27, %get3A_28] {strides = array<i32>} : memref<8x128xf32, #tpu.memory_space<vmem>>, vector<1x16xf32>,
    %get3A_30 = vector.shape_cast %get3A_29 : vector<1x16xf32> to vector<16xf32>
    %get3A_31 = arith.constant 5 : i32
    %get3A_32 = arith.index_cast %get3A_31 : i32 to index
    %get3A_33 = arith.constant 0 : index
    %get3A_34 = tpu.vector_load %arg5[%get3A_32, %get3A_33] {strides = array<i32>} : memref<8x128xf32, #tpu.memory_space<vmem>>, vector<1x16xf32>,
    %get3A_35 = vector.shape_cast %get3A_34 : vector<1x16xf32> to vector<16xf32>
    %get3A_36 = arith.constant 6 : i32
    %get3A_37 = arith.index_cast %get3A_36 : i32 to index
    %get3A_38 = arith.constant 0 : index
    %get3A_39 = tpu.vector_load %arg5[%get3A_37, %get3A_38] {strides = array<i32>} : memref<8x128xf32, #tpu.memory_space<vmem>>, vector<1x16xf32>,
    %get3A_40 = vector.shape_cast %get3A_39 : vector<1x16xf32> to vector<16xf32>
    %get3A_41 = arith.constant 7 : i32
    %get3A_42 = arith.index_cast %get3A_41 : i32 to index
    %get3A_43 = arith.constant 0 : index
    %get3A_44 = tpu.vector_load %arg5[%get3A_42, %get3A_43] {strides = array<i32>} : memref<8x128xf32, #tpu.memory_space<vmem>>, vector<1x16xf32>,
    %get3A_45 = vector.shape_cast %get3A_44 : vector<1x16xf32> to vector<16xf32>
    %add3A_46 = arith.constant 0 : i32
    %add3A_47 = arith.addi %add3A_4, %add3A_46 : i32
    %dma_start3A = arith.constant 0 : i32
    %dma_start3A_48 = arith.constant 0 : i32
    %dma_start3A_49 = arith.constant 0 : i32
    %dma_start3A_50 = arith.constant 0 : i32
    %dma_start3A_51 = tpu.memref_slice %arg6[%dma_start3A_48, %dma_start3A_49, %dma_start3A_50] : memref<8x32x128xf32, #tpu.memory_space<vmem>> -> memref<1x32x128xf32, #tpu.memory_space<vmem>>
    %dma_start3A_52 = tpu.memref_squeeze %dma_start3A_51 : memref<1x32x128xf32, #tpu.memory_space<vmem>> -> memref<32x128xf32, #tpu.memory_space<vmem>>
    %dma_start3A_53 = arith.constant 0 : i32
    %dma_start3A_54 = tpu.memref_slice %arg2[%dma_start3A, %add3A_47, %dma_start3A_53] : memref<8x50000x128xf32, #tpu.memory_space<hbm>> -> memref<1x32x128xf32, #tpu.memory_space<hbm>>
    %dma_start3A_55 = tpu.memref_squeeze %dma_start3A_54 : memref<1x32x128xf32, #tpu.memory_space<hbm>> -> memref<32x128xf32, #tpu.memory_space<hbm>>
    %dma_start3A_56 = arith.constant 0 : i32
    %dma_start3A_57 = arith.constant 0 : i32
    %dma_start3A_58 = tpu.memref_slice %arg6[%dma_start3A_48, %dma_start3A_56, %dma_start3A_57] : memref<8x32x128xf32, #tpu.memory_space<vmem>> -> memref<1x32x128xf32, #tpu.memory_space<vmem>>
    %dma_start3A_59 = tpu.memref_squeeze %dma_start3A_58 : memref<1x32x128xf32, #tpu.memory_space<vmem>> -> memref<32x128xf32, #tpu.memory_space<vmem>>
    %dma_start3A_60 = arith.constant 0 : i32
    %dma_start3A_61 = tpu.memref_slice %arg2[%dma_start3A, %add3A_47, %dma_start3A_60] : memref<8x50000x128xf32, #tpu.memory_space<hbm>> -> memref<1x32x128xf32, #tpu.memory_space<hbm>>
    %dma_start3A_62 = tpu.memref_squeeze %dma_start3A_61 : memref<1x32x128xf32, #tpu.memory_space<hbm>> -> memref<32x128xf32, #tpu.memory_space<hbm>>
    tpu.enqueue_dma source(%dma_start3A_62 : memref<32x128xf32, #tpu.memory_space<hbm>>) target(%dma_start3A_59 : memref<32x128xf32, #tpu.memory_space<vmem>>) target_semaphore(%arg9 : memref<!tpu.dma_semaphore, #tpu.memory_space<semaphore_mem>>)
    %dma_start3A_63 = arith.constant 1 : i32
    %dma_start3A_64 = arith.constant 1 : i32
    %dma_start3A_65 = arith.constant 0 : i32
    %dma_start3A_66 = arith.constant 0 : i32
    %dma_start3A_67 = tpu.memref_slice %arg6[%dma_start3A_64, %dma_start3A_65, %dma_start3A_66] : memref<8x32x128xf32, #tpu.memory_space<vmem>> -> memref<1x32x128xf32, #tpu.memory_space<vmem>>
    %dma_start3A_68 = tpu.memref_squeeze %dma_start3A_67 : memref<1x32x128xf32, #tpu.memory_space<vmem>> -> memref<32x128xf32, #tpu.memory_space<vmem>>
    %dma_start3A_69 = arith.constant 0 : i32
    %dma_start3A_70 = tpu.memref_slice %arg2[%dma_start3A_63, %add3A_47, %dma_start3A_69] : memref<8x50000x128xf32, #tpu.memory_space<hbm>> -> memref<1x32x128xf32, #tpu.memory_space<hbm>>
    %dma_start3A_71 = tpu.memref_squeeze %dma_start3A_70 : memref<1x32x128xf32, #tpu.memory_space<hbm>> -> memref<32x128xf32, #tpu.memory_space<hbm>>
    %dma_start3A_72 = arith.constant 0 : i32
    %dma_start3A_73 = arith.constant 0 : i32
    %dma_start3A_74 = tpu.memref_slice %arg6[%dma_start3A_64, %dma_start3A_72, %dma_start3A_73] : memref<8x32x128xf32, #tpu.memory_space<vmem>> -> memref<1x32x128xf32, #tpu.memory_space<vmem>>
    %dma_start3A_75 = tpu.memref_squeeze %dma_start3A_74 : memref<1x32x128xf32, #tpu.memory_space<vmem>> -> memref<32x128xf32, #tpu.memory_space<vmem>>
    %dma_start3A_76 = arith.constant 0 : i32
    %dma_start3A_77 = tpu.memref_slice %arg2[%dma_start3A_63, %add3A_47, %dma_start3A_76] : memref<8x50000x128xf32, #tpu.memory_space<hbm>> -> memref<1x32x128xf32, #tpu.memory_space<hbm>>
    %dma_start3A_78 = tpu.memref_squeeze %dma_start3A_77 : memref<1x32x128xf32, #tpu.memory_space<hbm>> -> memref<32x128xf32, #tpu.memory_space<hbm>>
    tpu.enqueue_dma source(%dma_start3A_78 : memref<32x128xf32, #tpu.memory_space<hbm>>) target(%dma_start3A_75 : memref<32x128xf32, #tpu.memory_space<vmem>>) target_semaphore(%arg9 : memref<!tpu.dma_semaphore, #tpu.memory_space<semaphore_mem>>)
    %dma_start3A_79 = arith.constant 2 : i32
    %dma_start3A_80 = arith.constant 2 : i32
    %dma_start3A_81 = arith.constant 0 : i32
    %dma_start3A_82 = arith.constant 0 : i32
    %dma_start3A_83 = tpu.memref_slice %arg6[%dma_start3A_80, %dma_start3A_81, %dma_start3A_82] : memref<8x32x128xf32, #tpu.memory_space<vmem>> -> memref<1x32x128xf32, #tpu.memory_space<vmem>>
    %dma_start3A_84 = tpu.memref_squeeze %dma_start3A_83 : memref<1x32x128xf32, #tpu.memory_space<vmem>> -> memref<32x128xf32, #tpu.memory_space<vmem>>
    %dma_start3A_85 = arith.constant 0 : i32
    %dma_start3A_86 = tpu.memref_slice %arg2[%dma_start3A_79, %add3A_47, %dma_start3A_85] : memref<8x50000x128xf32, #tpu.memory_space<hbm>> -> memref<1x32x128xf32, #tpu.memory_space<hbm>>
    %dma_start3A_87 = tpu.memref_squeeze %dma_start3A_86 : memref<1x32x128xf32, #tpu.memory_space<hbm>> -> memref<32x128xf32, #tpu.memory_space<hbm>>
    %dma_start3A_88 = arith.constant 0 : i32
    %dma_start3A_89 = arith.constant 0 : i32
    %dma_start3A_90 = tpu.memref_slice %arg6[%dma_start3A_80, %dma_start3A_88, %dma_start3A_89] : memref<8x32x128xf32, #tpu.memory_space<vmem>> -> memref<1x32x128xf32, #tpu.memory_space<vmem>>
    %dma_start3A_91 = tpu.memref_squeeze %dma_start3A_90 : memref<1x32x128xf32, #tpu.memory_space<vmem>> -> memref<32x128xf32, #tpu.memory_space<vmem>>
    %dma_start3A_92 = arith.constant 0 : i32
    %dma_start3A_93 = tpu.memref_slice %arg2[%dma_start3A_79, %add3A_47, %dma_start3A_92] : memref<8x50000x128xf32, #tpu.memory_space<hbm>> -> memref<1x32x128xf32, #tpu.memory_space<hbm>>
    %dma_start3A_94 = tpu.memref_squeeze %dma_start3A_93 : memref<1x32x128xf32, #tpu.memory_space<hbm>> -> memref<32x128xf32, #tpu.memory_space<hbm>>
    tpu.enqueue_dma source(%dma_start3A_94 : memref<32x128xf32, #tpu.memory_space<hbm>>) target(%dma_start3A_91 : memref<32x128xf32, #tpu.memory_space<vmem>>) target_semaphore(%arg9 : memref<!tpu.dma_semaphore, #tpu.memory_space<semaphore_mem>>)
    %dma_start3A_95 = arith.constant 3 : i32
    %dma_start3A_96 = arith.constant 3 : i32
    %dma_start3A_97 = arith.constant 0 : i32
    %dma_start3A_98 = arith.constant 0 : i32
    %dma_start3A_99 = tpu.memref_slice %arg6[%dma_start3A_96, %dma_start3A_97, %dma_start3A_98] : memref<8x32x128xf32, #tpu.memory_space<vmem>> -> memref<1x32x128xf32, #tpu.memory_space<vmem>>
    %dma_start3A_100 = tpu.memref_squeeze %dma_start3A_99 : memref<1x32x128xf32, #tpu.memory_space<vmem>> -> memref<32x128xf32, #tpu.memory_space<vmem>>
    %dma_start3A_101 = arith.constant 0 : i32
    %dma_start3A_102 = tpu.memref_slice %arg2[%dma_start3A_95, %add3A_47, %dma_start3A_101] : memref<8x50000x128xf32, #tpu.memory_space<hbm>> -> memref<1x32x128xf32, #tpu.memory_space<hbm>>
    %dma_start3A_103 = tpu.memref_squeeze %dma_start3A_102 : memref<1x32x128xf32, #tpu.memory_space<hbm>> -> memref<32x128xf32, #tpu.memory_space<hbm>>
    %dma_start3A_104 = arith.constant 0 : i32
    %dma_start3A_105 = arith.constant 0 : i32
    %dma_start3A_106 = tpu.memref_slice %arg6[%dma_start3A_96, %dma_start3A_104, %dma_start3A_105] : memref<8x32x128xf32, #tpu.memory_space<vmem>> -> memref<1x32x128xf32, #tpu.memory_space<vmem>>
    %dma_start3A_107 = tpu.memref_squeeze %dma_start3A_106 : memref<1x32x128xf32, #tpu.memory_space<vmem>> -> memref<32x128xf32, #tpu.memory_space<vmem>>
    %dma_start3A_108 = arith.constant 0 : i32
    %dma_start3A_109 = tpu.memref_slice %arg2[%dma_start3A_95, %add3A_47, %dma_start3A_108] : memref<8x50000x128xf32, #tpu.memory_space<hbm>> -> memref<1x32x128xf32, #tpu.memory_space<hbm>>
    %dma_start3A_110 = tpu.memref_squeeze %dma_start3A_109 : memref<1x32x128xf32, #tpu.memory_space<hbm>> -> memref<32x128xf32, #tpu.memory_space<hbm>>
    tpu.enqueue_dma source(%dma_start3A_110 : memref<32x128xf32, #tpu.memory_space<hbm>>) target(%dma_start3A_107 : memref<32x128xf32, #tpu.memory_space<vmem>>) target_semaphore(%arg9 : memref<!tpu.dma_semaphore, #tpu.memory_space<semaphore_mem>>)
    %dma_start3A_111 = arith.constant 4 : i32
    %dma_start3A_112 = arith.constant 4 : i32
    %dma_start3A_113 = arith.constant 0 : i32
    %dma_start3A_114 = arith.constant 0 : i32
    %dma_start3A_115 = tpu.memref_slice %arg6[%dma_start3A_112, %dma_start3A_113, %dma_start3A_114] : memref<8x32x128xf32, #tpu.memory_space<vmem>> -> memref<1x32x128xf32, #tpu.memory_space<vmem>>
    %dma_start3A_116 = tpu.memref_squeeze %dma_start3A_115 : memref<1x32x128xf32, #tpu.memory_space<vmem>> -> memref<32x128xf32, #tpu.memory_space<vmem>>
    %dma_start3A_117 = arith.constant 0 : i32
    %dma_start3A_118 = tpu.memref_slice %arg2[%dma_start3A_111, %add3A_47, %dma_start3A_117] : memref<8x50000x128xf32, #tpu.memory_space<hbm>> -> memref<1x32x128xf32, #tpu.memory_space<hbm>>
    %dma_start3A_119 = tpu.memref_squeeze %dma_start3A_118 : memref<1x32x128xf32, #tpu.memory_space<hbm>> -> memref<32x128xf32, #tpu.memory_space<hbm>>
    %dma_start3A_120 = arith.constant 0 : i32
    %dma_start3A_121 = arith.constant 0 : i32
    %dma_start3A_122 = tpu.memref_slice %arg6[%dma_start3A_112, %dma_start3A_120, %dma_start3A_121] : memref<8x32x128xf32, #tpu.memory_space<vmem>> -> memref<1x32x128xf32, #tpu.memory_space<vmem>>
    %dma_start3A_123 = tpu.memref_squeeze %dma_start3A_122 : memref<1x32x128xf32, #tpu.memory_space<vmem>> -> memref<32x128xf32, #tpu.memory_space<vmem>>
    %dma_start3A_124 = arith.constant 0 : i32
    %dma_start3A_125 = tpu.memref_slice %arg2[%dma_start3A_111, %add3A_47, %dma_start3A_124] : memref<8x50000x128xf32, #tpu.memory_space<hbm>> -> memref<1x32x128xf32, #tpu.memory_space<hbm>>
    %dma_start3A_126 = tpu.memref_squeeze %dma_start3A_125 : memref<1x32x128xf32, #tpu.memory_space<hbm>> -> memref<32x128xf32, #tpu.memory_space<hbm>>
    tpu.enqueue_dma source(%dma_start3A_126 : memref<32x128xf32, #tpu.memory_space<hbm>>) target(%dma_start3A_123 : memref<32x128xf32, #tpu.memory_space<vmem>>) target_semaphore(%arg9 : memref<!tpu.dma_semaphore, #tpu.memory_space<semaphore_mem>>)
    %dma_start3A_127 = arith.constant 5 : i32
    %dma_start3A_128 = arith.constant 5 : i32
    %dma_start3A_129 = arith.constant 0 : i32
    %dma_start3A_130 = arith.constant 0 : i32
    %dma_start3A_131 = tpu.memref_slice %arg6[%dma_start3A_128, %dma_start3A_129, %dma_start3A_130] : memref<8x32x128xf32, #tpu.memory_space<vmem>> -> memref<1x32x128xf32, #tpu.memory_space<vmem>>
    %dma_start3A_132 = tpu.memref_squeeze %dma_start3A_131 : memref<1x32x128xf32, #tpu.memory_space<vmem>> -> memref<32x128xf32, #tpu.memory_space<vmem>>
    %dma_start3A_133 = arith.constant 0 : i32
    %dma_start3A_134 = tpu.memref_slice %arg2[%dma_start3A_127, %add3A_47, %dma_start3A_133] : memref<8x50000x128xf32, #tpu.memory_space<hbm>> -> memref<1x32x128xf32, #tpu.memory_space<hbm>>
    %dma_start3A_135 = tpu.memref_squeeze %dma_start3A_134 : memref<1x32x128xf32, #tpu.memory_space<hbm>> -> memref<32x128xf32, #tpu.memory_space<hbm>>
    %dma_start3A_136 = arith.constant 0 : i32
    %dma_start3A_137 = arith.constant 0 : i32
    %dma_start3A_138 = tpu.memref_slice %arg6[%dma_start3A_128, %dma_start3A_136, %dma_start3A_137] : memref<8x32x128xf32, #tpu.memory_space<vmem>> -> memref<1x32x128xf32, #tpu.memory_space<vmem>>
    %dma_start3A_139 = tpu.memref_squeeze %dma_start3A_138 : memref<1x32x128xf32, #tpu.memory_space<vmem>> -> memref<32x128xf32, #tpu.memory_space<vmem>>
    %dma_start3A_140 = arith.constant 0 : i32
    %dma_start3A_141 = tpu.memref_slice %arg2[%dma_start3A_127, %add3A_47, %dma_start3A_140] : memref<8x50000x128xf32, #tpu.memory_space<hbm>> -> memref<1x32x128xf32, #tpu.memory_space<hbm>>
    %dma_start3A_142 = tpu.memref_squeeze %dma_start3A_141 : memref<1x32x128xf32, #tpu.memory_space<hbm>> -> memref<32x128xf32, #tpu.memory_space<hbm>>
    tpu.enqueue_dma source(%dma_start3A_142 : memref<32x128xf32, #tpu.memory_space<hbm>>) target(%dma_start3A_139 : memref<32x128xf32, #tpu.memory_space<vmem>>) target_semaphore(%arg9 : memref<!tpu.dma_semaphore, #tpu.memory_space<semaphore_mem>>)
    %dma_start3A_143 = arith.constant 6 : i32
    %dma_start3A_144 = arith.constant 6 : i32
    %dma_start3A_145 = arith.constant 0 : i32
    %dma_start3A_146 = arith.constant 0 : i32
    %dma_start3A_147 = tpu.memref_slice %arg6[%dma_start3A_144, %dma_start3A_145, %dma_start3A_146] : memref<8x32x128xf32, #tpu.memory_space<vmem>> -> memref<1x32x128xf32, #tpu.memory_space<vmem>>
    %dma_start3A_148 = tpu.memref_squeeze %dma_start3A_147 : memref<1x32x128xf32, #tpu.memory_space<vmem>> -> memref<32x128xf32, #tpu.memory_space<vmem>>
    %dma_start3A_149 = arith.constant 0 : i32
    %dma_start3A_150 = tpu.memref_slice %arg2[%dma_start3A_143, %add3A_47, %dma_start3A_149] : memref<8x50000x128xf32, #tpu.memory_space<hbm>> -> memref<1x32x128xf32, #tpu.memory_space<hbm>>
    %dma_start3A_151 = tpu.memref_squeeze %dma_start3A_150 : memref<1x32x128xf32, #tpu.memory_space<hbm>> -> memref<32x128xf32, #tpu.memory_space<hbm>>
    %dma_start3A_152 = arith.constant 0 : i32
    %dma_start3A_153 = arith.constant 0 : i32
    %dma_start3A_154 = tpu.memref_slice %arg6[%dma_start3A_144, %dma_start3A_152, %dma_start3A_153] : memref<8x32x128xf32, #tpu.memory_space<vmem>> -> memref<1x32x128xf32, #tpu.memory_space<vmem>>
    %dma_start3A_155 = tpu.memref_squeeze %dma_start3A_154 : memref<1x32x128xf32, #tpu.memory_space<vmem>> -> memref<32x128xf32, #tpu.memory_space<vmem>>
    %dma_start3A_156 = arith.constant 0 : i32
    %dma_start3A_157 = tpu.memref_slice %arg2[%dma_start3A_143, %add3A_47, %dma_start3A_156] : memref<8x50000x128xf32, #tpu.memory_space<hbm>> -> memref<1x32x128xf32, #tpu.memory_space<hbm>>
    %dma_start3A_158 = tpu.memref_squeeze %dma_start3A_157 : memref<1x32x128xf32, #tpu.memory_space<hbm>> -> memref<32x128xf32, #tpu.memory_space<hbm>>
    tpu.enqueue_dma source(%dma_start3A_158 : memref<32x128xf32, #tpu.memory_space<hbm>>) target(%dma_start3A_155 : memref<32x128xf32, #tpu.memory_space<vmem>>) target_semaphore(%arg9 : memref<!tpu.dma_semaphore, #tpu.memory_space<semaphore_mem>>)
    %dma_start3A_159 = arith.constant 7 : i32
    %dma_start3A_160 = arith.constant 7 : i32
    %dma_start3A_161 = arith.constant 0 : i32
    %dma_start3A_162 = arith.constant 0 : i32
    %dma_start3A_163 = tpu.memref_slice %arg6[%dma_start3A_160, %dma_start3A_161, %dma_start3A_162] : memref<8x32x128xf32, #tpu.memory_space<vmem>> -> memref<1x32x128xf32, #tpu.memory_space<vmem>>
    %dma_start3A_164 = tpu.memref_squeeze %dma_start3A_163 : memref<1x32x128xf32, #tpu.memory_space<vmem>> -> memref<32x128xf32, #tpu.memory_space<vmem>>
    %dma_start3A_165 = arith.constant 0 : i32
    %dma_start3A_166 = tpu.memref_slice %arg2[%dma_start3A_159, %add3A_47, %dma_start3A_165] : memref<8x50000x128xf32, #tpu.memory_space<hbm>> -> memref<1x32x128xf32, #tpu.memory_space<hbm>>
    %dma_start3A_167 = tpu.memref_squeeze %dma_start3A_166 : memref<1x32x128xf32, #tpu.memory_space<hbm>> -> memref<32x128xf32, #tpu.memory_space<hbm>>
    %dma_start3A_168 = arith.constant 0 : i32
    %dma_start3A_169 = arith.constant 0 : i32
    %dma_start3A_170 = tpu.memref_slice %arg6[%dma_start3A_160, %dma_start3A_168, %dma_start3A_169] : memref<8x32x128xf32, #tpu.memory_space<vmem>> -> memref<1x32x128xf32, #tpu.memory_space<vmem>>
    %dma_start3A_171 = tpu.memref_squeeze %dma_start3A_170 : memref<1x32x128xf32, #tpu.memory_space<vmem>> -> memref<32x128xf32, #tpu.memory_space<vmem>>
    %dma_start3A_172 = arith.constant 0 : i32
    %dma_start3A_173 = tpu.memref_slice %arg2[%dma_start3A_159, %add3A_47, %dma_start3A_172] : memref<8x50000x128xf32, #tpu.memory_space<hbm>> -> memref<1x32x128xf32, #tpu.memory_space<hbm>>
    %dma_start3A_174 = tpu.memref_squeeze %dma_start3A_173 : memref<1x32x128xf32, #tpu.memory_space<hbm>> -> memref<32x128xf32, #tpu.memory_space<hbm>>
    tpu.enqueue_dma source(%dma_start3A_174 : memref<32x128xf32, #tpu.memory_space<hbm>>) target(%dma_start3A_171 : memref<32x128xf32, #tpu.memory_space<vmem>>) target_semaphore(%arg9 : memref<!tpu.dma_semaphore, #tpu.memory_space<semaphore_mem>>)
    %scan3A = arith.constant 0 : i32
    %scan3A_175 = arith.constant 0 : i32
    %scan3A_176 = arith.constant 10 : i32
    %scan3A_177 = arith.addi %scan3A_175, %scan3A_176 : i32
    %scan3A_178 = arith.constant 1 : i32
    %scan3A_179 = scf.for %scan3A_181 = %scan3A_175 to %scan3A_177 step %scan3A_178 iter_args(%scan3A_182 = %scan3A) -> (i32)  : i32 {
      %mul3A_183 = arith.constant 2 : i32
      %mul3A_184 = arith.muli %scan3A_181, %mul3A_183 : i32
      %add3A_185 = arith.constant 1 : i32
      %add3A_186 = arith.addi %mul3A_184, %add3A_185 : i32
      %mul3A_187 = arith.constant 32 : i32
      %mul3A_188 = arith.muli %add3A_186, %mul3A_187 : i32
      %add3A_189 = arith.addi %add3A_4, %mul3A_188 : i32
      %dma_start3A_190 = arith.constant 0 : i32
      %dma_start3A_191 = arith.constant 0 : i32
      %dma_start3A_192 = arith.constant 0 : i32
      %dma_start3A_193 = arith.constant 0 : i32
      %dma_start3A_194 = tpu.memref_slice %arg7[%dma_start3A_191, %dma_start3A_192, %dma_start3A_193] : memref<8x32x128xf32, #tpu.memory_space<vmem>> -> memref<1x32x128xf32, #tpu.memory_space<vmem>>
      %dma_start3A_195 = tpu.memref_squeeze %dma_start3A_194 : memref<1x32x128xf32, #tpu.memory_space<vmem>> -> memref<32x128xf32, #tpu.memory_space<vmem>>
      %dma_start3A_196 = arith.constant 0 : i32
      %dma_start3A_197 = tpu.memref_slice %arg2[%dma_start3A_190, %add3A_189, %dma_start3A_196] : memref<8x50000x128xf32, #tpu.memory_space<hbm>> -> memref<1x32x128xf32, #tpu.memory_space<hbm>>
      %dma_start3A_198 = tpu.memref_squeeze %dma_start3A_197 : memref<1x32x128xf32, #tpu.memory_space<hbm>> -> memref<32x128xf32, #tpu.memory_space<hbm>>
      %dma_start3A_199 = arith.constant 0 : i32
      %dma_start3A_200 = arith.constant 0 : i32
      %dma_start3A_201 = tpu.memref_slice %arg7[%dma_start3A_191, %dma_start3A_199, %dma_start3A_200] : memref<8x32x128xf32, #tpu.memory_space<vmem>> -> memref<1x32x128xf32, #tpu.memory_space<vmem>>
      %dma_start3A_202 = tpu.memref_squeeze %dma_start3A_201 : memref<1x32x128xf32, #tpu.memory_space<vmem>> -> memref<32x128xf32, #tpu.memory_space<vmem>>
      %dma_start3A_203 = arith.constant 0 : i32
      %dma_start3A_204 = tpu.memref_slice %arg2[%dma_start3A_190, %add3A_189, %dma_start3A_203] : memref<8x50000x128xf32, #tpu.memory_space<hbm>> -> memref<1x32x128xf32, #tpu.memory_space<hbm>>
      %dma_start3A_205 = tpu.memref_squeeze %dma_start3A_204 : memref<1x32x128xf32, #tpu.memory_space<hbm>> -> memref<32x128xf32, #tpu.memory_space<hbm>>
      tpu.enqueue_dma source(%dma_start3A_205 : memref<32x128xf32, #tpu.memory_space<hbm>>) target(%dma_start3A_202 : memref<32x128xf32, #tpu.memory_space<vmem>>) target_semaphore(%arg10 : memref<!tpu.dma_semaphore, #tpu.memory_space<semaphore_mem>>)
      %dma_start3A_206 = arith.constant 1 : i32
      %dma_start3A_207 = arith.constant 1 : i32
      %dma_start3A_208 = arith.constant 0 : i32
      %dma_start3A_209 = arith.constant 0 : i32
      %dma_start3A_210 = tpu.memref_slice %arg7[%dma_start3A_207, %dma_start3A_208, %dma_start3A_209] : memref<8x32x128xf32, #tpu.memory_space<vmem>> -> memref<1x32x128xf32, #tpu.memory_space<vmem>>
      %dma_start3A_211 = tpu.memref_squeeze %dma_start3A_210 : memref<1x32x128xf32, #tpu.memory_space<vmem>> -> memref<32x128xf32, #tpu.memory_space<vmem>>
      %dma_start3A_212 = arith.constant 0 : i32
      %dma_start3A_213 = tpu.memref_slice %arg2[%dma_start3A_206, %add3A_189, %dma_start3A_212] : memref<8x50000x128xf32, #tpu.memory_space<hbm>> -> memref<1x32x128xf32, #tpu.memory_space<hbm>>
      %dma_start3A_214 = tpu.memref_squeeze %dma_start3A_213 : memref<1x32x128xf32, #tpu.memory_space<hbm>> -> memref<32x128xf32, #tpu.memory_space<hbm>>
      %dma_start3A_215 = arith.constant 0 : i32
      %dma_start3A_216 = arith.constant 0 : i32
      %dma_start3A_217 = tpu.memref_slice %arg7[%dma_start3A_207, %dma_start3A_215, %dma_start3A_216] : memref<8x32x128xf32, #tpu.memory_space<vmem>> -> memref<1x32x128xf32, #tpu.memory_space<vmem>>
      %dma_start3A_218 = tpu.memref_squeeze %dma_start3A_217 : memref<1x32x128xf32, #tpu.memory_space<vmem>> -> memref<32x128xf32, #tpu.memory_space<vmem>>
      %dma_start3A_219 = arith.constant 0 : i32
      %dma_start3A_220 = tpu.memref_slice %arg2[%dma_start3A_206, %add3A_189, %dma_start3A_219] : memref<8x50000x128xf32, #tpu.memory_space<hbm>> -> memref<1x32x128xf32, #tpu.memory_space<hbm>>
      %dma_start3A_221 = tpu.memref_squeeze %dma_start3A_220 : memref<1x32x128xf32, #tpu.memory_space<hbm>> -> memref<32x128xf32, #tpu.memory_space<hbm>>
      tpu.enqueue_dma source(%dma_start3A_221 : memref<32x128xf32, #tpu.memory_space<hbm>>) target(%dma_start3A_218 : memref<32x128xf32, #tpu.memory_space<vmem>>) target_semaphore(%arg10 : memref<!tpu.dma_semaphore, #tpu.memory_space<semaphore_mem>>)
      %dma_start3A_222 = arith.constant 2 : i32
      %dma_start3A_223 = arith.constant 2 : i32
      %dma_start3A_224 = arith.constant 0 : i32
      %dma_start3A_225 = arith.constant 0 : i32
      %dma_start3A_226 = tpu.memref_slice %arg7[%dma_start3A_223, %dma_start3A_224, %dma_start3A_225] : memref<8x32x128xf32, #tpu.memory_space<vmem>> -> memref<1x32x128xf32, #tpu.memory_space<vmem>>
      %dma_start3A_227 = tpu.memref_squeeze %dma_start3A_226 : memref<1x32x128xf32, #tpu.memory_space<vmem>> -> memref<32x128xf32, #tpu.memory_space<vmem>>
      %dma_start3A_228 = arith.constant 0 : i32
      %dma_start3A_229 = tpu.memref_slice %arg2[%dma_start3A_222, %add3A_189, %dma_start3A_228] : memref<8x50000x128xf32, #tpu.memory_space<hbm>> -> memref<1x32x128xf32, #tpu.memory_space<hbm>>
      %dma_start3A_230 = tpu.memref_squeeze %dma_start3A_229 : memref<1x32x128xf32, #tpu.memory_space<hbm>> -> memref<32x128xf32, #tpu.memory_space<hbm>>
      %dma_start3A_231 = arith.constant 0 : i32
      %dma_start3A_232 = arith.constant 0 : i32
      %dma_start3A_233 = tpu.memref_slice %arg7[%dma_start3A_223, %dma_start3A_231, %dma_start3A_232] : memref<8x32x128xf32, #tpu.memory_space<vmem>> -> memref<1x32x128xf32, #tpu.memory_space<vmem>>
      %dma_start3A_234 = tpu.memref_squeeze %dma_start3A_233 : memref<1x32x128xf32, #tpu.memory_space<vmem>> -> memref<32x128xf32, #tpu.memory_space<vmem>>
      %dma_start3A_235 = arith.constant 0 : i32
      %dma_start3A_236 = tpu.memref_slice %arg2[%dma_start3A_222, %add3A_189, %dma_start3A_235] : memref<8x50000x128xf32, #tpu.memory_space<hbm>> -> memref<1x32x128xf32, #tpu.memory_space<hbm>>
      %dma_start3A_237 = tpu.memref_squeeze %dma_start3A_236 : memref<1x32x128xf32, #tpu.memory_space<hbm>> -> memref<32x128xf32, #tpu.memory_space<hbm>>
      tpu.enqueue_dma source(%dma_start3A_237 : memref<32x128xf32, #tpu.memory_space<hbm>>) target(%dma_start3A_234 : memref<32x128xf32, #tpu.memory_space<vmem>>) target_semaphore(%arg10 : memref<!tpu.dma_semaphore, #tpu.memory_space<semaphore_mem>>)
      %dma_start3A_238 = arith.constant 3 : i32
      %dma_start3A_239 = arith.constant 3 : i32
      %dma_start3A_240 = arith.constant 0 : i32
      %dma_start3A_241 = arith.constant 0 : i32
      %dma_start3A_242 = tpu.memref_slice %arg7[%dma_start3A_239, %dma_start3A_240, %dma_start3A_241] : memref<8x32x128xf32, #tpu.memory_space<vmem>> -> memref<1x32x128xf32, #tpu.memory_space<vmem>>
      %dma_start3A_243 = tpu.memref_squeeze %dma_start3A_242 : memref<1x32x128xf32, #tpu.memory_space<vmem>> -> memref<32x128xf32, #tpu.memory_space<vmem>>
      %dma_start3A_244 = arith.constant 0 : i32
      %dma_start3A_245 = tpu.memref_slice %arg2[%dma_start3A_238, %add3A_189, %dma_start3A_244] : memref<8x50000x128xf32, #tpu.memory_space<hbm>> -> memref<1x32x128xf32, #tpu.memory_space<hbm>>
      %dma_start3A_246 = tpu.memref_squeeze %dma_start3A_245 : memref<1x32x128xf32, #tpu.memory_space<hbm>> -> memref<32x128xf32, #tpu.memory_space<hbm>>
      %dma_start3A_247 = arith.constant 0 : i32
      %dma_start3A_248 = arith.constant 0 : i32
      %dma_start3A_249 = tpu.memref_slice %arg7[%dma_start3A_239, %dma_start3A_247, %dma_start3A_248] : memref<8x32x128xf32, #tpu.memory_space<vmem>> -> memref<1x32x128xf32, #tpu.memory_space<vmem>>
      %dma_start3A_250 = tpu.memref_squeeze %dma_start3A_249 : memref<1x32x128xf32, #tpu.memory_space<vmem>> -> memref<32x128xf32, #tpu.memory_space<vmem>>
      %dma_start3A_251 = arith.constant 0 : i32
      %dma_start3A_252 = tpu.memref_slice %arg2[%dma_start3A_238, %add3A_189, %dma_start3A_251] : memref<8x50000x128xf32, #tpu.memory_space<hbm>> -> memref<1x32x128xf32, #tpu.memory_space<hbm>>
      %dma_start3A_253 = tpu.memref_squeeze %dma_start3A_252 : memref<1x32x128xf32, #tpu.memory_space<hbm>> -> memref<32x128xf32, #tpu.memory_space<hbm>>
      tpu.enqueue_dma source(%dma_start3A_253 : memref<32x128xf32, #tpu.memory_space<hbm>>) target(%dma_start3A_250 : memref<32x128xf32, #tpu.memory_space<vmem>>) target_semaphore(%arg10 : memref<!tpu.dma_semaphore, #tpu.memory_space<semaphore_mem>>)
      %dma_start3A_254 = arith.constant 4 : i32
      %dma_start3A_255 = arith.constant 4 : i32
      %dma_start3A_256 = arith.constant 0 : i32
      %dma_start3A_257 = arith.constant 0 : i32
      %dma_start3A_258 = tpu.memref_slice %arg7[%dma_start3A_255, %dma_start3A_256, %dma_start3A_257] : memref<8x32x128xf32, #tpu.memory_space<vmem>> -> memref<1x32x128xf32, #tpu.memory_space<vmem>>
      %dma_start3A_259 = tpu.memref_squeeze %dma_start3A_258 : memref<1x32x128xf32, #tpu.memory_space<vmem>> -> memref<32x128xf32, #tpu.memory_space<vmem>>
      %dma_start3A_260 = arith.constant 0 : i32
      %dma_start3A_261 = tpu.memref_slice %arg2[%dma_start3A_254, %add3A_189, %dma_start3A_260] : memref<8x50000x128xf32, #tpu.memory_space<hbm>> -> memref<1x32x128xf32, #tpu.memory_space<hbm>>
      %dma_start3A_262 = tpu.memref_squeeze %dma_start3A_261 : memref<1x32x128xf32, #tpu.memory_space<hbm>> -> memref<32x128xf32, #tpu.memory_space<hbm>>
      %dma_start3A_263 = arith.constant 0 : i32
      %dma_start3A_264 = arith.constant 0 : i32
      %dma_start3A_265 = tpu.memref_slice %arg7[%dma_start3A_255, %dma_start3A_263, %dma_start3A_264] : memref<8x32x128xf32, #tpu.memory_space<vmem>> -> memref<1x32x128xf32, #tpu.memory_space<vmem>>
      %dma_start3A_266 = tpu.memref_squeeze %dma_start3A_265 : memref<1x32x128xf32, #tpu.memory_space<vmem>> -> memref<32x128xf32, #tpu.memory_space<vmem>>
      %dma_start3A_267 = arith.constant 0 : i32
      %dma_start3A_268 = tpu.memref_slice %arg2[%dma_start3A_254, %add3A_189, %dma_start3A_267] : memref<8x50000x128xf32, #tpu.memory_space<hbm>> -> memref<1x32x128xf32, #tpu.memory_space<hbm>>
      %dma_start3A_269 = tpu.memref_squeeze %dma_start3A_268 : memref<1x32x128xf32, #tpu.memory_space<hbm>> -> memref<32x128xf32, #tpu.memory_space<hbm>>
      tpu.enqueue_dma source(%dma_start3A_269 : memref<32x128xf32, #tpu.memory_space<hbm>>) target(%dma_start3A_266 : memref<32x128xf32, #tpu.memory_space<vmem>>) target_semaphore(%arg10 : memref<!tpu.dma_semaphore, #tpu.memory_space<semaphore_mem>>)
      %dma_start3A_270 = arith.constant 5 : i32
      %dma_start3A_271 = arith.constant 5 : i32
      %dma_start3A_272 = arith.constant 0 : i32
      %dma_start3A_273 = arith.constant 0 : i32
      %dma_start3A_274 = tpu.memref_slice %arg7[%dma_start3A_271, %dma_start3A_272, %dma_start3A_273] : memref<8x32x128xf32, #tpu.memory_space<vmem>> -> memref<1x32x128xf32, #tpu.memory_space<vmem>>
      %dma_start3A_275 = tpu.memref_squeeze %dma_start3A_274 : memref<1x32x128xf32, #tpu.memory_space<vmem>> -> memref<32x128xf32, #tpu.memory_space<vmem>>
      %dma_start3A_276 = arith.constant 0 : i32
      %dma_start3A_277 = tpu.memref_slice %arg2[%dma_start3A_270, %add3A_189, %dma_start3A_276] : memref<8x50000x128xf32, #tpu.memory_space<hbm>> -> memref<1x32x128xf32, #tpu.memory_space<hbm>>
      %dma_start3A_278 = tpu.memref_squeeze %dma_start3A_277 : memref<1x32x128xf32, #tpu.memory_space<hbm>> -> memref<32x128xf32, #tpu.memory_space<hbm>>
      %dma_start3A_279 = arith.constant 0 : i32
      %dma_start3A_280 = arith.constant 0 : i32
      %dma_start3A_281 = tpu.memref_slice %arg7[%dma_start3A_271, %dma_start3A_279, %dma_start3A_280] : memref<8x32x128xf32, #tpu.memory_space<vmem>> -> memref<1x32x128xf32, #tpu.memory_space<vmem>>
      %dma_start3A_282 = tpu.memref_squeeze %dma_start3A_281 : memref<1x32x128xf32, #tpu.memory_space<vmem>> -> memref<32x128xf32, #tpu.memory_space<vmem>>
      %dma_start3A_283 = arith.constant 0 : i32
      %dma_start3A_284 = tpu.memref_slice %arg2[%dma_start3A_270, %add3A_189, %dma_start3A_283] : memref<8x50000x128xf32, #tpu.memory_space<hbm>> -> memref<1x32x128xf32, #tpu.memory_space<hbm>>
      %dma_start3A_285 = tpu.memref_squeeze %dma_start3A_284 : memref<1x32x128xf32, #tpu.memory_space<hbm>> -> memref<32x128xf32, #tpu.memory_space<hbm>>
      tpu.enqueue_dma source(%dma_start3A_285 : memref<32x128xf32, #tpu.memory_space<hbm>>) target(%dma_start3A_282 : memref<32x128xf32, #tpu.memory_space<vmem>>) target_semaphore(%arg10 : memref<!tpu.dma_semaphore, #tpu.memory_space<semaphore_mem>>)
      %dma_start3A_286 = arith.constant 6 : i32
      %dma_start3A_287 = arith.constant 6 : i32
      %dma_start3A_288 = arith.constant 0 : i32
      %dma_start3A_289 = arith.constant 0 : i32
      %dma_start3A_290 = tpu.memref_slice %arg7[%dma_start3A_287, %dma_start3A_288, %dma_start3A_289] : memref<8x32x128xf32, #tpu.memory_space<vmem>> -> memref<1x32x128xf32, #tpu.memory_space<vmem>>
      %dma_start3A_291 = tpu.memref_squeeze %dma_start3A_290 : memref<1x32x128xf32, #tpu.memory_space<vmem>> -> memref<32x128xf32, #tpu.memory_space<vmem>>
      %dma_start3A_292 = arith.constant 0 : i32
      %dma_start3A_293 = tpu.memref_slice %arg2[%dma_start3A_286, %add3A_189, %dma_start3A_292] : memref<8x50000x128xf32, #tpu.memory_space<hbm>> -> memref<1x32x128xf32, #tpu.memory_space<hbm>>
      %dma_start3A_294 = tpu.memref_squeeze %dma_start3A_293 : memref<1x32x128xf32, #tpu.memory_space<hbm>> -> memref<32x128xf32, #tpu.memory_space<hbm>>
      %dma_start3A_295 = arith.constant 0 : i32
      %dma_start3A_296 = arith.constant 0 : i32
      %dma_start3A_297 = tpu.memref_slice %arg7[%dma_start3A_287, %dma_start3A_295, %dma_start3A_296] : memref<8x32x128xf32, #tpu.memory_space<vmem>> -> memref<1x32x128xf32, #tpu.memory_space<vmem>>
      %dma_start3A_298 = tpu.memref_squeeze %dma_start3A_297 : memref<1x32x128xf32, #tpu.memory_space<vmem>> -> memref<32x128xf32, #tpu.memory_space<vmem>>
      %dma_start3A_299 = arith.constant 0 : i32
      %dma_start3A_300 = tpu.memref_slice %arg2[%dma_start3A_286, %add3A_189, %dma_start3A_299] : memref<8x50000x128xf32, #tpu.memory_space<hbm>> -> memref<1x32x128xf32, #tpu.memory_space<hbm>>
      %dma_start3A_301 = tpu.memref_squeeze %dma_start3A_300 : memref<1x32x128xf32, #tpu.memory_space<hbm>> -> memref<32x128xf32, #tpu.memory_space<hbm>>
      tpu.enqueue_dma source(%dma_start3A_301 : memref<32x128xf32, #tpu.memory_space<hbm>>) target(%dma_start3A_298 : memref<32x128xf32, #tpu.memory_space<vmem>>) target_semaphore(%arg10 : memref<!tpu.dma_semaphore, #tpu.memory_space<semaphore_mem>>)
      %dma_start3A_302 = arith.constant 7 : i32
      %dma_start3A_303 = arith.constant 7 : i32
      %dma_start3A_304 = arith.constant 0 : i32
      %dma_start3A_305 = arith.constant 0 : i32
      %dma_start3A_306 = tpu.memref_slice %arg7[%dma_start3A_303, %dma_start3A_304, %dma_start3A_305] : memref<8x32x128xf32, #tpu.memory_space<vmem>> -> memref<1x32x128xf32, #tpu.memory_space<vmem>>
      %dma_start3A_307 = tpu.memref_squeeze %dma_start3A_306 : memref<1x32x128xf32, #tpu.memory_space<vmem>> -> memref<32x128xf32, #tpu.memory_space<vmem>>
      %dma_start3A_308 = arith.constant 0 : i32
      %dma_start3A_309 = tpu.memref_slice %arg2[%dma_start3A_302, %add3A_189, %dma_start3A_308] : memref<8x50000x128xf32, #tpu.memory_space<hbm>> -> memref<1x32x128xf32, #tpu.memory_space<hbm>>
      %dma_start3A_310 = tpu.memref_squeeze %dma_start3A_309 : memref<1x32x128xf32, #tpu.memory_space<hbm>> -> memref<32x128xf32, #tpu.memory_space<hbm>>
      %dma_start3A_311 = arith.constant 0 : i32
      %dma_start3A_312 = arith.constant 0 : i32
      %dma_start3A_313 = tpu.memref_slice %arg7[%dma_start3A_303, %dma_start3A_311, %dma_start3A_312] : memref<8x32x128xf32, #tpu.memory_space<vmem>> -> memref<1x32x128xf32, #tpu.memory_space<vmem>>
      %dma_start3A_314 = tpu.memref_squeeze %dma_start3A_313 : memref<1x32x128xf32, #tpu.memory_space<vmem>> -> memref<32x128xf32, #tpu.memory_space<vmem>>
      %dma_start3A_315 = arith.constant 0 : i32
      %dma_start3A_316 = tpu.memref_slice %arg2[%dma_start3A_302, %add3A_189, %dma_start3A_315] : memref<8x50000x128xf32, #tpu.memory_space<hbm>> -> memref<1x32x128xf32, #tpu.memory_space<hbm>>
      %dma_start3A_317 = tpu.memref_squeeze %dma_start3A_316 : memref<1x32x128xf32, #tpu.memory_space<hbm>> -> memref<32x128xf32, #tpu.memory_space<hbm>>
      tpu.enqueue_dma source(%dma_start3A_317 : memref<32x128xf32, #tpu.memory_space<hbm>>) target(%dma_start3A_314 : memref<32x128xf32, #tpu.memory_space<vmem>>) target_semaphore(%arg10 : memref<!tpu.dma_semaphore, #tpu.memory_space<semaphore_mem>>)
      %mul3A_318 = arith.constant 32 : i32
      %mul3A_319 = arith.muli %mul3A_184, %mul3A_318 : i32
      %add3A_320 = arith.addi %add3A_4, %mul3A_319 : i32
      %dma_wait3A = arith.constant 0 : i32
      %dma_wait3A_321 = arith.constant 0 : i32
      %dma_wait3A_322 = arith.constant 0 : i32
      %dma_wait3A_323 = arith.constant 0 : i32
      %dma_wait3A_324 = tpu.memref_slice %arg6[%dma_wait3A_321, %dma_wait3A_322, %dma_wait3A_323] : memref<8x32x128xf32, #tpu.memory_space<vmem>> -> memref<1x32x128xf32, #tpu.memory_space<vmem>>
      %dma_wait3A_325 = tpu.memref_squeeze %dma_wait3A_324 : memref<1x32x128xf32, #tpu.memory_space<vmem>> -> memref<32x128xf32, #tpu.memory_space<vmem>>
      %dma_wait3A_326 = arith.constant 0 : i32
      %dma_wait3A_327 = tpu.memref_slice %arg2[%dma_wait3A, %add3A_320, %dma_wait3A_326] : memref<8x50000x128xf32, #tpu.memory_space<hbm>> -> memref<1x32x128xf32, #tpu.memory_space<hbm>>
      %dma_wait3A_328 = tpu.memref_squeeze %dma_wait3A_327 : memref<1x32x128xf32, #tpu.memory_space<hbm>> -> memref<32x128xf32, #tpu.memory_space<hbm>>
      %dma_wait3A_329 = arith.constant 0 : i32
      %dma_wait3A_330 = arith.constant 0 : i32
      %dma_wait3A_331 = tpu.memref_slice %arg6[%dma_wait3A_321, %dma_wait3A_329, %dma_wait3A_330] : memref<8x32x128xf32, #tpu.memory_space<vmem>> -> memref<1x32x128xf32, #tpu.memory_space<vmem>>
      %dma_wait3A_332 = tpu.memref_squeeze %dma_wait3A_331 : memref<1x32x128xf32, #tpu.memory_space<vmem>> -> memref<32x128xf32, #tpu.memory_space<vmem>>
      %dma_wait3A_333 = arith.constant 0 : i32
      %dma_wait3A_334 = tpu.memref_slice %arg2[%dma_wait3A, %add3A_320, %dma_wait3A_333] : memref<8x50000x128xf32, #tpu.memory_space<hbm>> -> memref<1x32x128xf32, #tpu.memory_space<hbm>>
      %dma_wait3A_335 = tpu.memref_squeeze %dma_wait3A_334 : memref<1x32x128xf32, #tpu.memory_space<hbm>> -> memref<32x128xf32, #tpu.memory_space<hbm>>
      tpu.wait_dma2 semaphore(%arg9 : memref<!tpu.dma_semaphore, #tpu.memory_space<semaphore_mem>>) src(%dma_wait3A_335 : memref<32x128xf32, #tpu.memory_space<hbm>>) dst(%dma_wait3A_332 : memref<32x128xf32, #tpu.memory_space<vmem>>)
      %dma_wait3A_336 = arith.constant 1 : i32
      %dma_wait3A_337 = arith.constant 1 : i32
      %dma_wait3A_338 = arith.constant 0 : i32
      %dma_wait3A_339 = arith.constant 0 : i32
      %dma_wait3A_340 = tpu.memref_slice %arg6[%dma_wait3A_337, %dma_wait3A_338, %dma_wait3A_339] : memref<8x32x128xf32, #tpu.memory_space<vmem>> -> memref<1x32x128xf32, #tpu.memory_space<vmem>>
      %dma_wait3A_341 = tpu.memref_squeeze %dma_wait3A_340 : memref<1x32x128xf32, #tpu.memory_space<vmem>> -> memref<32x128xf32, #tpu.memory_space<vmem>>
      %dma_wait3A_342 = arith.constant 0 : i32
      %dma_wait3A_343 = tpu.memref_slice %arg2[%dma_wait3A_336, %add3A_320, %dma_wait3A_342] : memref<8x50000x128xf32, #tpu.memory_space<hbm>> -> memref<1x32x128xf32, #tpu.memory_space<hbm>>
      %dma_wait3A_344 = tpu.memref_squeeze %dma_wait3A_343 : memref<1x32x128xf32, #tpu.memory_space<hbm>> -> memref<32x128xf32, #tpu.memory_space<hbm>>
      %dma_wait3A_345 = arith.constant 0 : i32
      %dma_wait3A_346 = arith.constant 0 : i32
      %dma_wait3A_347 = tpu.memref_slice %arg6[%dma_wait3A_337, %dma_wait3A_345, %dma_wait3A_346] : memref<8x32x128xf32, #tpu.memory_space<vmem>> -> memref<1x32x128xf32, #tpu.memory_space<vmem>>
      %dma_wait3A_348 = tpu.memref_squeeze %dma_wait3A_347 : memref<1x32x128xf32, #tpu.memory_space<vmem>> -> memref<32x128xf32, #tpu.memory_space<vmem>>
      %dma_wait3A_349 = arith.constant 0 : i32
      %dma_wait3A_350 = tpu.memref_slice %arg2[%dma_wait3A_336, %add3A_320, %dma_wait3A_349] : memref<8x50000x128xf32, #tpu.memory_space<hbm>> -> memref<1x32x128xf32, #tpu.memory_space<hbm>>
      %dma_wait3A_351 = tpu.memref_squeeze %dma_wait3A_350 : memref<1x32x128xf32, #tpu.memory_space<hbm>> -> memref<32x128xf32, #tpu.memory_space<hbm>>
      tpu.wait_dma2 semaphore(%arg9 : memref<!tpu.dma_semaphore, #tpu.memory_space<semaphore_mem>>) src(%dma_wait3A_351 : memref<32x128xf32, #tpu.memory_space<hbm>>) dst(%dma_wait3A_348 : memref<32x128xf32, #tpu.memory_space<vmem>>)
      %dma_wait3A_352 = arith.constant 2 : i32
      %dma_wait3A_353 = arith.constant 2 : i32
      %dma_wait3A_354 = arith.constant 0 : i32
      %dma_wait3A_355 = arith.constant 0 : i32
      %dma_wait3A_356 = tpu.memref_slice %arg6[%dma_wait3A_353, %dma_wait3A_354, %dma_wait3A_355] : memref<8x32x128xf32, #tpu.memory_space<vmem>> -> memref<1x32x128xf32, #tpu.memory_space<vmem>>
      %dma_wait3A_357 = tpu.memref_squeeze %dma_wait3A_356 : memref<1x32x128xf32, #tpu.memory_space<vmem>> -> memref<32x128xf32, #tpu.memory_space<vmem>>
      %dma_wait3A_358 = arith.constant 0 : i32
      %dma_wait3A_359 = tpu.memref_slice %arg2[%dma_wait3A_352, %add3A_320, %dma_wait3A_358] : memref<8x50000x128xf32, #tpu.memory_space<hbm>> -> memref<1x32x128xf32, #tpu.memory_space<hbm>>
      %dma_wait3A_360 = tpu.memref_squeeze %dma_wait3A_359 : memref<1x32x128xf32, #tpu.memory_space<hbm>> -> memref<32x128xf32, #tpu.memory_space<hbm>>
      %dma_wait3A_361 = arith.constant 0 : i32
      %dma_wait3A_362 = arith.constant 0 : i32
      %dma_wait3A_363 = tpu.memref_slice %arg6[%dma_wait3A_353, %dma_wait3A_361, %dma_wait3A_362] : memref<8x32x128xf32, #tpu.memory_space<vmem>> -> memref<1x32x128xf32, #tpu.memory_space<vmem>>
      %dma_wait3A_364 = tpu.memref_squeeze %dma_wait3A_363 : memref<1x32x128xf32, #tpu.memory_space<vmem>> -> memref<32x128xf32, #tpu.memory_space<vmem>>
      %dma_wait3A_365 = arith.constant 0 : i32
      %dma_wait3A_366 = tpu.memref_slice %arg2[%dma_wait3A_352, %add3A_320, %dma_wait3A_365] : memref<8x50000x128xf32, #tpu.memory_space<hbm>> -> memref<1x32x128xf32, #tpu.memory_space<hbm>>
      %dma_wait3A_367 = tpu.memref_squeeze %dma_wait3A_366 : memref<1x32x128xf32, #tpu.memory_space<hbm>> -> memref<32x128xf32, #tpu.memory_space<hbm>>
      tpu.wait_dma2 semaphore(%arg9 : memref<!tpu.dma_semaphore, #tpu.memory_space<semaphore_mem>>) src(%dma_wait3A_367 : memref<32x128xf32, #tpu.memory_space<hbm>>) dst(%dma_wait3A_364 : memref<32x128xf32, #tpu.memory_space<vmem>>)
      %dma_wait3A_368 = arith.constant 3 : i32
      %dma_wait3A_369 = arith.constant 3 : i32
      %dma_wait3A_370 = arith.constant 0 : i32
      %dma_wait3A_371 = arith.constant 0 : i32
      %dma_wait3A_372 = tpu.memref_slice %arg6[%dma_wait3A_369, %dma_wait3A_370, %dma_wait3A_371] : memref<8x32x128xf32, #tpu.memory_space<vmem>> -> memref<1x32x128xf32, #tpu.memory_space<vmem>>
      %dma_wait3A_373 = tpu.memref_squeeze %dma_wait3A_372 : memref<1x32x128xf32, #tpu.memory_space<vmem>> -> memref<32x128xf32, #tpu.memory_space<vmem>>
      %dma_wait3A_374 = arith.constant 0 : i32
      %dma_wait3A_375 = tpu.memref_slice %arg2[%dma_wait3A_368, %add3A_320, %dma_wait3A_374] : memref<8x50000x128xf32, #tpu.memory_space<hbm>> -> memref<1x32x128xf32, #tpu.memory_space<hbm>>
      %dma_wait3A_376 = tpu.memref_squeeze %dma_wait3A_375 : memref<1x32x128xf32, #tpu.memory_space<hbm>> -> memref<32x128xf32, #tpu.memory_space<hbm>>
      %dma_wait3A_377 = arith.constant 0 : i32
      %dma_wait3A_378 = arith.constant 0 : i32
      %dma_wait3A_379 = tpu.memref_slice %arg6[%dma_wait3A_369, %dma_wait3A_377, %dma_wait3A_378] : memref<8x32x128xf32, #tpu.memory_space<vmem>> -> memref<1x32x128xf32, #tpu.memory_space<vmem>>
      %dma_wait3A_380 = tpu.memref_squeeze %dma_wait3A_379 : memref<1x32x128xf32, #tpu.memory_space<vmem>> -> memref<32x128xf32, #tpu.memory_space<vmem>>
      %dma_wait3A_381 = arith.constant 0 : i32
      %dma_wait3A_382 = tpu.memref_slice %arg2[%dma_wait3A_368, %add3A_320, %dma_wait3A_381] : memref<8x50000x128xf32, #tpu.memory_space<hbm>> -> memref<1x32x128xf32, #tpu.memory_space<hbm>>
      %dma_wait3A_383 = tpu.memref_squeeze %dma_wait3A_382 : memref<1x32x128xf32, #tpu.memory_space<hbm>> -> memref<32x128xf32, #tpu.memory_space<hbm>>
      tpu.wait_dma2 semaphore(%arg9 : memref<!tpu.dma_semaphore, #tpu.memory_space<semaphore_mem>>) src(%dma_wait3A_383 : memref<32x128xf32, #tpu.memory_space<hbm>>) dst(%dma_wait3A_380 : memref<32x128xf32, #tpu.memory_space<vmem>>)
      %dma_wait3A_384 = arith.constant 4 : i32
      %dma_wait3A_385 = arith.constant 4 : i32
      %dma_wait3A_386 = arith.constant 0 : i32
      %dma_wait3A_387 = arith.constant 0 : i32
      %dma_wait3A_388 = tpu.memref_slice %arg6[%dma_wait3A_385, %dma_wait3A_386, %dma_wait3A_387] : memref<8x32x128xf32, #tpu.memory_space<vmem>> -> memref<1x32x128xf32, #tpu.memory_space<vmem>>
      %dma_wait3A_389 = tpu.memref_squeeze %dma_wait3A_388 : memref<1x32x128xf32, #tpu.memory_space<vmem>> -> memref<32x128xf32, #tpu.memory_space<vmem>>
      %dma_wait3A_390 = arith.constant 0 : i32
      %dma_wait3A_391 = tpu.memref_slice %arg2[%dma_wait3A_384, %add3A_320, %dma_wait3A_390] : memref<8x50000x128xf32, #tpu.memory_space<hbm>> -> memref<1x32x128xf32, #tpu.memory_space<hbm>>
      %dma_wait3A_392 = tpu.memref_squeeze %dma_wait3A_391 : memref<1x32x128xf32, #tpu.memory_space<hbm>> -> memref<32x128xf32, #tpu.memory_space<hbm>>
      %dma_wait3A_393 = arith.constant 0 : i32
      %dma_wait3A_394 = arith.constant 0 : i32
      %dma_wait3A_395 = tpu.memref_slice %arg6[%dma_wait3A_385, %dma_wait3A_393, %dma_wait3A_394] : memref<8x32x128xf32, #tpu.memory_space<vmem>> -> memref<1x32x128xf32, #tpu.memory_space<vmem>>
      %dma_wait3A_396 = tpu.memref_squeeze %dma_wait3A_395 : memref<1x32x128xf32, #tpu.memory_space<vmem>> -> memref<32x128xf32, #tpu.memory_space<vmem>>
      %dma_wait3A_397 = arith.constant 0 : i32
      %dma_wait3A_398 = tpu.memref_slice %arg2[%dma_wait3A_384, %add3A_320, %dma_wait3A_397] : memref<8x50000x128xf32, #tpu.memory_space<hbm>> -> memref<1x32x128xf32, #tpu.memory_space<hbm>>
      %dma_wait3A_399 = tpu.memref_squeeze %dma_wait3A_398 : memref<1x32x128xf32, #tpu.memory_space<hbm>> -> memref<32x128xf32, #tpu.memory_space<hbm>>
      tpu.wait_dma2 semaphore(%arg9 : memref<!tpu.dma_semaphore, #tpu.memory_space<semaphore_mem>>) src(%dma_wait3A_399 : memref<32x128xf32, #tpu.memory_space<hbm>>) dst(%dma_wait3A_396 : memref<32x128xf32, #tpu.memory_space<vmem>>)
      %dma_wait3A_400 = arith.constant 5 : i32
      %dma_wait3A_401 = arith.constant 5 : i32
      %dma_wait3A_402 = arith.constant 0 : i32
      %dma_wait3A_403 = arith.constant 0 : i32
      %dma_wait3A_404 = tpu.memref_slice %arg6[%dma_wait3A_401, %dma_wait3A_402, %dma_wait3A_403] : memref<8x32x128xf32, #tpu.memory_space<vmem>> -> memref<1x32x128xf32, #tpu.memory_space<vmem>>
      %dma_wait3A_405 = tpu.memref_squeeze %dma_wait3A_404 : memref<1x32x128xf32, #tpu.memory_space<vmem>> -> memref<32x128xf32, #tpu.memory_space<vmem>>
      %dma_wait3A_406 = arith.constant 0 : i32
      %dma_wait3A_407 = tpu.memref_slice %arg2[%dma_wait3A_400, %add3A_320, %dma_wait3A_406] : memref<8x50000x128xf32, #tpu.memory_space<hbm>> -> memref<1x32x128xf32, #tpu.memory_space<hbm>>
      %dma_wait3A_408 = tpu.memref_squeeze %dma_wait3A_407 : memref<1x32x128xf32, #tpu.memory_space<hbm>> -> memref<32x128xf32, #tpu.memory_space<hbm>>
      %dma_wait3A_409 = arith.constant 0 : i32
      %dma_wait3A_410 = arith.constant 0 : i32
      %dma_wait3A_411 = tpu.memref_slice %arg6[%dma_wait3A_401, %dma_wait3A_409, %dma_wait3A_410] : memref<8x32x128xf32, #tpu.memory_space<vmem>> -> memref<1x32x128xf32, #tpu.memory_space<vmem>>
      %dma_wait3A_412 = tpu.memref_squeeze %dma_wait3A_411 : memref<1x32x128xf32, #tpu.memory_space<vmem>> -> memref<32x128xf32, #tpu.memory_space<vmem>>
      %dma_wait3A_413 = arith.constant 0 : i32
      %dma_wait3A_414 = tpu.memref_slice %arg2[%dma_wait3A_400, %add3A_320, %dma_wait3A_413] : memref<8x50000x128xf32, #tpu.memory_space<hbm>> -> memref<1x32x128xf32, #tpu.memory_space<hbm>>
      %dma_wait3A_415 = tpu.memref_squeeze %dma_wait3A_414 : memref<1x32x128xf32, #tpu.memory_space<hbm>> -> memref<32x128xf32, #tpu.memory_space<hbm>>
      tpu.wait_dma2 semaphore(%arg9 : memref<!tpu.dma_semaphore, #tpu.memory_space<semaphore_mem>>) src(%dma_wait3A_415 : memref<32x128xf32, #tpu.memory_space<hbm>>) dst(%dma_wait3A_412 : memref<32x128xf32, #tpu.memory_space<vmem>>)
      %dma_wait3A_416 = arith.constant 6 : i32
      %dma_wait3A_417 = arith.constant 6 : i32
      %dma_wait3A_418 = arith.constant 0 : i32
      %dma_wait3A_419 = arith.constant 0 : i32
      %dma_wait3A_420 = tpu.memref_slice %arg6[%dma_wait3A_417, %dma_wait3A_418, %dma_wait3A_419] : memref<8x32x128xf32, #tpu.memory_space<vmem>> -> memref<1x32x128xf32, #tpu.memory_space<vmem>>
      %dma_wait3A_421 = tpu.memref_squeeze %dma_wait3A_420 : memref<1x32x128xf32, #tpu.memory_space<vmem>> -> memref<32x128xf32, #tpu.memory_space<vmem>>
      %dma_wait3A_422 = arith.constant 0 : i32
      %dma_wait3A_423 = tpu.memref_slice %arg2[%dma_wait3A_416, %add3A_320, %dma_wait3A_422] : memref<8x50000x128xf32, #tpu.memory_space<hbm>> -> memref<1x32x128xf32, #tpu.memory_space<hbm>>
      %dma_wait3A_424 = tpu.memref_squeeze %dma_wait3A_423 : memref<1x32x128xf32, #tpu.memory_space<hbm>> -> memref<32x128xf32, #tpu.memory_space<hbm>>
      %dma_wait3A_425 = arith.constant 0 : i32
      %dma_wait3A_426 = arith.constant 0 : i32
      %dma_wait3A_427 = tpu.memref_slice %arg6[%dma_wait3A_417, %dma_wait3A_425, %dma_wait3A_426] : memref<8x32x128xf32, #tpu.memory_space<vmem>> -> memref<1x32x128xf32, #tpu.memory_space<vmem>>
      %dma_wait3A_428 = tpu.memref_squeeze %dma_wait3A_427 : memref<1x32x128xf32, #tpu.memory_space<vmem>> -> memref<32x128xf32, #tpu.memory_space<vmem>>
      %dma_wait3A_429 = arith.constant 0 : i32
      %dma_wait3A_430 = tpu.memref_slice %arg2[%dma_wait3A_416, %add3A_320, %dma_wait3A_429] : memref<8x50000x128xf32, #tpu.memory_space<hbm>> -> memref<1x32x128xf32, #tpu.memory_space<hbm>>
      %dma_wait3A_431 = tpu.memref_squeeze %dma_wait3A_430 : memref<1x32x128xf32, #tpu.memory_space<hbm>> -> memref<32x128xf32, #tpu.memory_space<hbm>>
      tpu.wait_dma2 semaphore(%arg9 : memref<!tpu.dma_semaphore, #tpu.memory_space<semaphore_mem>>) src(%dma_wait3A_431 : memref<32x128xf32, #tpu.memory_space<hbm>>) dst(%dma_wait3A_428 : memref<32x128xf32, #tpu.memory_space<vmem>>)
      %dma_wait3A_432 = arith.constant 7 : i32
      %dma_wait3A_433 = arith.constant 7 : i32
      %dma_wait3A_434 = arith.constant 0 : i32
      %dma_wait3A_435 = arith.constant 0 : i32
      %dma_wait3A_436 = tpu.memref_slice %arg6[%dma_wait3A_433, %dma_wait3A_434, %dma_wait3A_435] : memref<8x32x128xf32, #tpu.memory_space<vmem>> -> memref<1x32x128xf32, #tpu.memory_space<vmem>>
      %dma_wait3A_437 = tpu.memref_squeeze %dma_wait3A_436 : memref<1x32x128xf32, #tpu.memory_space<vmem>> -> memref<32x128xf32, #tpu.memory_space<vmem>>
      %dma_wait3A_438 = arith.constant 0 : i32
      %dma_wait3A_439 = tpu.memref_slice %arg2[%dma_wait3A_432, %add3A_320, %dma_wait3A_438] : memref<8x50000x128xf32, #tpu.memory_space<hbm>> -> memref<1x32x128xf32, #tpu.memory_space<hbm>>
      %dma_wait3A_440 = tpu.memref_squeeze %dma_wait3A_439 : memref<1x32x128xf32, #tpu.memory_space<hbm>> -> memref<32x128xf32, #tpu.memory_space<hbm>>
      %dma_wait3A_441 = arith.constant 0 : i32
      %dma_wait3A_442 = arith.constant 0 : i32
      %dma_wait3A_443 = tpu.memref_slice %arg6[%dma_wait3A_433, %dma_wait3A_441, %dma_wait3A_442] : memref<8x32x128xf32, #tpu.memory_space<vmem>> -> memref<1x32x128xf32, #tpu.memory_space<vmem>>
      %dma_wait3A_444 = tpu.memref_squeeze %dma_wait3A_443 : memref<1x32x128xf32, #tpu.memory_space<vmem>> -> memref<32x128xf32, #tpu.memory_space<vmem>>
      %dma_wait3A_445 = arith.constant 0 : i32
      %dma_wait3A_446 = tpu.memref_slice %arg2[%dma_wait3A_432, %add3A_320, %dma_wait3A_445] : memref<8x50000x128xf32, #tpu.memory_space<hbm>> -> memref<1x32x128xf32, #tpu.memory_space<hbm>>
      %dma_wait3A_447 = tpu.memref_squeeze %dma_wait3A_446 : memref<1x32x128xf32, #tpu.memory_space<hbm>> -> memref<32x128xf32, #tpu.memory_space<hbm>>
      tpu.wait_dma2 semaphore(%arg9 : memref<!tpu.dma_semaphore, #tpu.memory_space<semaphore_mem>>) src(%dma_wait3A_447 : memref<32x128xf32, #tpu.memory_space<hbm>>) dst(%dma_wait3A_444 : memref<32x128xf32, #tpu.memory_space<vmem>>)
      %scan3A_448 = arith.constant 0 : i32
      %scan3A_449 = arith.constant 0 : i32
      %scan3A_450 = arith.constant 32 : i32
      %scan3A_451 = arith.addi %scan3A_449, %scan3A_450 : i32
      %scan3A_452 = arith.constant 1 : i32
      %scan3A_453 = scf.for %scan3A_608 = %scan3A_449 to %scan3A_451 step %scan3A_452 iter_args(%scan3A_609 = %scan3A_448) -> (i32)  : i32 {
        %get3A_610 = arith.constant 0 : i32
        %get3A_611 = arith.index_cast %get3A_610 : i32 to index
        %get3A_612 = arith.index_cast %scan3A_608 : i32 to index
        %get3A_613 = arith.constant 0 : index
        %get3A_614 = tpu.vector_load %arg6[%get3A_611, %get3A_612, %get3A_613] {strides = array<i32>} : memref<8x32x128xf32, #tpu.memory_space<vmem>>, vector<1x1x16xf32>,
        %get3A_615 = vector.shape_cast %get3A_614 : vector<1x1x16xf32> to vector<16xf32>
        %mul3A_616 = arith.mulf %get3A_10, %get3A_615 : vector<16xf32>
        %get3A_617 = arith.constant 1 : i32
        %get3A_618 = arith.index_cast %get3A_617 : i32 to index
        %get3A_619 = arith.index_cast %scan3A_608 : i32 to index
        %get3A_620 = arith.constant 0 : index
        %get3A_621 = tpu.vector_load %arg6[%get3A_618, %get3A_619, %get3A_620] {strides = array<i32>} : memref<8x32x128xf32, #tpu.memory_space<vmem>>, vector<1x1x16xf32>,
        %get3A_622 = vector.shape_cast %get3A_621 : vector<1x1x16xf32> to vector<16xf32>
        %mul3A_623 = arith.mulf %get3A_15, %get3A_622 : vector<16xf32>
        %add3A_624 = arith.addf %mul3A_616, %mul3A_623 : vector<16xf32>
        %get3A_625 = arith.constant 2 : i32
        %get3A_626 = arith.index_cast %get3A_625 : i32 to index
        %get3A_627 = arith.index_cast %scan3A_608 : i32 to index
        %get3A_628 = arith.constant 0 : index
        %get3A_629 = tpu.vector_load %arg6[%get3A_626, %get3A_627, %get3A_628] {strides = array<i32>} : memref<8x32x128xf32, #tpu.memory_space<vmem>>, vector<1x1x16xf32>,
        %get3A_630 = vector.shape_cast %get3A_629 : vector<1x1x16xf32> to vector<16xf32>
        %mul3A_631 = arith.mulf %get3A_20, %get3A_630 : vector<16xf32>
        %add3A_632 = arith.addf %add3A_624, %mul3A_631 : vector<16xf32>
        %get3A_633 = arith.constant 3 : i32
        %get3A_634 = arith.index_cast %get3A_633 : i32 to index
        %get3A_635 = arith.index_cast %scan3A_608 : i32 to index
        %get3A_636 = arith.constant 0 : index
        %get3A_637 = tpu.vector_load %arg6[%get3A_634, %get3A_635, %get3A_636] {strides = array<i32>} : memref<8x32x128xf32, #tpu.memory_space<vmem>>, vector<1x1x16xf32>,
        %get3A_638 = vector.shape_cast %get3A_637 : vector<1x1x16xf32> to vector<16xf32>
        %mul3A_639 = arith.mulf %get3A_25, %get3A_638 : vector<16xf32>
        %add3A_640 = arith.addf %add3A_632, %mul3A_639 : vector<16xf32>
        %get3A_641 = arith.constant 4 : i32
        %get3A_642 = arith.index_cast %get3A_641 : i32 to index
        %get3A_643 = arith.index_cast %scan3A_608 : i32 to index
        %get3A_644 = arith.constant 0 : index
        %get3A_645 = tpu.vector_load %arg6[%get3A_642, %get3A_643, %get3A_644] {strides = array<i32>} : memref<8x32x128xf32, #tpu.memory_space<vmem>>, vector<1x1x16xf32>,
        %get3A_646 = vector.shape_cast %get3A_645 : vector<1x1x16xf32> to vector<16xf32>
        %mul3A_647 = arith.mulf %get3A_30, %get3A_646 : vector<16xf32>
        %add3A_648 = arith.addf %add3A_640, %mul3A_647 : vector<16xf32>
        %get3A_649 = arith.constant 5 : i32
        %get3A_650 = arith.index_cast %get3A_649 : i32 to index
        %get3A_651 = arith.index_cast %scan3A_608 : i32 to index
        %get3A_652 = arith.constant 0 : index
        %get3A_653 = tpu.vector_load %arg6[%get3A_650, %get3A_651, %get3A_652] {strides = array<i32>} : memref<8x32x128xf32, #tpu.memory_space<vmem>>, vector<1x1x16xf32>,
        %get3A_654 = vector.shape_cast %get3A_653 : vector<1x1x16xf32> to vector<16xf32>
        %mul3A_655 = arith.mulf %get3A_35, %get3A_654 : vector<16xf32>
        %add3A_656 = arith.addf %add3A_648, %mul3A_655 : vector<16xf32>
        %get3A_657 = arith.constant 6 : i32
        %get3A_658 = arith.index_cast %get3A_657 : i32 to index
        %get3A_659 = arith.index_cast %scan3A_608 : i32 to index
        %get3A_660 = arith.constant 0 : index
        %get3A_661 = tpu.vector_load %arg6[%get3A_658, %get3A_659, %get3A_660] {strides = array<i32>} : memref<8x32x128xf32, #tpu.memory_space<vmem>>, vector<1x1x16xf32>,
        %get3A_662 = vector.shape_cast %get3A_661 : vector<1x1x16xf32> to vector<16xf32>
        %mul3A_663 = arith.mulf %get3A_40, %get3A_662 : vector<16xf32>
        %add3A_664 = arith.addf %add3A_656, %mul3A_663 : vector<16xf32>
        %get3A_665 = arith.constant 7 : i32
        %get3A_666 = arith.index_cast %get3A_665 : i32 to index
        %get3A_667 = arith.index_cast %scan3A_608 : i32 to index
        %get3A_668 = arith.constant 0 : index
        %get3A_669 = tpu.vector_load %arg6[%get3A_666, %get3A_667, %get3A_668] {strides = array<i32>} : memref<8x32x128xf32, #tpu.memory_space<vmem>>, vector<1x1x16xf32>,
        %get3A_670 = vector.shape_cast %get3A_669 : vector<1x1x16xf32> to vector<16xf32>
        %mul3A_671 = arith.mulf %get3A_45, %get3A_670 : vector<16xf32>
        %add3A_672 = arith.addf %add3A_664, %mul3A_671 : vector<16xf32>
        %swap3A = arith.index_cast %scan3A_608 : i32 to index
        %swap3A_673 = arith.constant 0 : index
        %swap3A_674 = tpu.vector_load %arg8[%swap3A, %swap3A_673] {strides = array<i32>} : memref<32x128xf32, #tpu.memory_space<vmem>>, vector<1x16xf32>,
        %swap3A_675 = vector.shape_cast %swap3A_674 : vector<1x16xf32> to vector<16xf32>
        %swap3A_676 = vector.shape_cast %add3A_672 : vector<16xf32> to vector<1x16xf32>
        tpu.vector_store %arg8[%swap3A, %swap3A_673], %swap3A_676 {strides = array<i32>} : memref<32x128xf32, #tpu.memory_space<vmem>>, vector<1x16xf32>,
        %get3A_677 = arith.constant 0 : i32
        %get3A_678 = arith.index_cast %get3A_677 : i32 to index
        %get3A_679 = arith.index_cast %scan3A_608 : i32 to index
        %get3A_680 = arith.constant 16 : index
        %get3A_681 = tpu.vector_load %arg6[%get3A_678, %get3A_679, %get3A_680] {strides = array<i32>} : memref<8x32x128xf32, #tpu.memory_space<vmem>>, vector<1x1x16xf32>,
        %get3A_682 = vector.shape_cast %get3A_681 : vector<1x1x16xf32> to vector<16xf32>
        %mul3A_683 = arith.mulf %get3A_10, %get3A_682 : vector<16xf32>
        %get3A_684 = arith.constant 1 : i32
        %get3A_685 = arith.index_cast %get3A_684 : i32 to index
        %get3A_686 = arith.index_cast %scan3A_608 : i32 to index
        %get3A_687 = arith.constant 16 : index
        %get3A_688 = tpu.vector_load %arg6[%get3A_685, %get3A_686, %get3A_687] {strides = array<i32>} : memref<8x32x128xf32, #tpu.memory_space<vmem>>, vector<1x1x16xf32>,
        %get3A_689 = vector.shape_cast %get3A_688 : vector<1x1x16xf32> to vector<16xf32>
        %mul3A_690 = arith.mulf %get3A_15, %get3A_689 : vector<16xf32>
        %add3A_691 = arith.addf %mul3A_683, %mul3A_690 : vector<16xf32>
        %get3A_692 = arith.constant 2 : i32
        %get3A_693 = arith.index_cast %get3A_692 : i32 to index
        %get3A_694 = arith.index_cast %scan3A_608 : i32 to index
        %get3A_695 = arith.constant 16 : index
        %get3A_696 = tpu.vector_load %arg6[%get3A_693, %get3A_694, %get3A_695] {strides = array<i32>} : memref<8x32x128xf32, #tpu.memory_space<vmem>>, vector<1x1x16xf32>,
        %get3A_697 = vector.shape_cast %get3A_696 : vector<1x1x16xf32> to vector<16xf32>
        %mul3A_698 = arith.mulf %get3A_20, %get3A_697 : vector<16xf32>
        %add3A_699 = arith.addf %add3A_691, %mul3A_698 : vector<16xf32>
        %get3A_700 = arith.constant 3 : i32
        %get3A_701 = arith.index_cast %get3A_700 : i32 to index
        %get3A_702 = arith.index_cast %scan3A_608 : i32 to index
        %get3A_703 = arith.constant 16 : index
        %get3A_704 = tpu.vector_load %arg6[%get3A_701, %get3A_702, %get3A_703] {strides = array<i32>} : memref<8x32x128xf32, #tpu.memory_space<vmem>>, vector<1x1x16xf32>,
        %get3A_705 = vector.shape_cast %get3A_704 : vector<1x1x16xf32> to vector<16xf32>
        %mul3A_706 = arith.mulf %get3A_25, %get3A_705 : vector<16xf32>
        %add3A_707 = arith.addf %add3A_699, %mul3A_706 : vector<16xf32>
        %get3A_708 = arith.constant 4 : i32
        %get3A_709 = arith.index_cast %get3A_708 : i32 to index
        %get3A_710 = arith.index_cast %scan3A_608 : i32 to index
        %get3A_711 = arith.constant 16 : index
        %get3A_712 = tpu.vector_load %arg6[%get3A_709, %get3A_710, %get3A_711] {strides = array<i32>} : memref<8x32x128xf32, #tpu.memory_space<vmem>>, vector<1x1x16xf32>,
        %get3A_713 = vector.shape_cast %get3A_712 : vector<1x1x16xf32> to vector<16xf32>
        %mul3A_714 = arith.mulf %get3A_30, %get3A_713 : vector<16xf32>
        %add3A_715 = arith.addf %add3A_707, %mul3A_714 : vector<16xf32>
        %get3A_716 = arith.constant 5 : i32
        %get3A_717 = arith.index_cast %get3A_716 : i32 to index
        %get3A_718 = arith.index_cast %scan3A_608 : i32 to index
        %get3A_719 = arith.constant 16 : index
        %get3A_720 = tpu.vector_load %arg6[%get3A_717, %get3A_718, %get3A_719] {strides = array<i32>} : memref<8x32x128xf32, #tpu.memory_space<vmem>>, vector<1x1x16xf32>,
        %get3A_721 = vector.shape_cast %get3A_720 : vector<1x1x16xf32> to vector<16xf32>
        %mul3A_722 = arith.mulf %get3A_35, %get3A_721 : vector<16xf32>
        %add3A_723 = arith.addf %add3A_715, %mul3A_722 : vector<16xf32>
        %get3A_724 = arith.constant 6 : i32
        %get3A_725 = arith.index_cast %get3A_724 : i32 to index
        %get3A_726 = arith.index_cast %scan3A_608 : i32 to index
        %get3A_727 = arith.constant 16 : index
        %get3A_728 = tpu.vector_load %arg6[%get3A_725, %get3A_726, %get3A_727] {strides = array<i32>} : memref<8x32x128xf32, #tpu.memory_space<vmem>>, vector<1x1x16xf32>,
        %get3A_729 = vector.shape_cast %get3A_728 : vector<1x1x16xf32> to vector<16xf32>
        %mul3A_730 = arith.mulf %get3A_40, %get3A_729 : vector<16xf32>
        %add3A_731 = arith.addf %add3A_723, %mul3A_730 : vector<16xf32>
        %get3A_732 = arith.constant 7 : i32
        %get3A_733 = arith.index_cast %get3A_732 : i32 to index
        %get3A_734 = arith.index_cast %scan3A_608 : i32 to index
        %get3A_735 = arith.constant 16 : index
        %get3A_736 = tpu.vector_load %arg6[%get3A_733, %get3A_734, %get3A_735] {strides = array<i32>} : memref<8x32x128xf32, #tpu.memory_space<vmem>>, vector<1x1x16xf32>,
        %get3A_737 = vector.shape_cast %get3A_736 : vector<1x1x16xf32> to vector<16xf32>
        %mul3A_738 = arith.mulf %get3A_45, %get3A_737 : vector<16xf32>
        %add3A_739 = arith.addf %add3A_731, %mul3A_738 : vector<16xf32>
        %swap3A_740 = arith.index_cast %scan3A_608 : i32 to index
        %swap3A_741 = arith.constant 16 : index
        %swap3A_742 = tpu.vector_load %arg8[%swap3A_740, %swap3A_741] {strides = array<i32>} : memref<32x128xf32, #tpu.memory_space<vmem>>, vector<1x16xf32>,
        %swap3A_743 = vector.shape_cast %swap3A_742 : vector<1x16xf32> to vector<16xf32>
        %swap3A_744 = vector.shape_cast %add3A_739 : vector<16xf32> to vector<1x16xf32>
        tpu.vector_store %arg8[%swap3A_740, %swap3A_741], %swap3A_744 {strides = array<i32>} : memref<32x128xf32, #tpu.memory_space<vmem>>, vector<1x16xf32>,
        %get3A_745 = arith.constant 0 : i32
        %get3A_746 = arith.index_cast %get3A_745 : i32 to index
        %get3A_747 = arith.index_cast %scan3A_608 : i32 to index
        %get3A_748 = arith.constant 32 : index
        %get3A_749 = tpu.vector_load %arg6[%get3A_746, %get3A_747, %get3A_748] {strides = array<i32>} : memref<8x32x128xf32, #tpu.memory_space<vmem>>, vector<1x1x16xf32>,
        %get3A_750 = vector.shape_cast %get3A_749 : vector<1x1x16xf32> to vector<16xf32>
        %mul3A_751 = arith.mulf %get3A_10, %get3A_750 : vector<16xf32>
        %get3A_752 = arith.constant 1 : i32
        %get3A_753 = arith.index_cast %get3A_752 : i32 to index
        %get3A_754 = arith.index_cast %scan3A_608 : i32 to index
        %get3A_755 = arith.constant 32 : index
        %get3A_756 = tpu.vector_load %arg6[%get3A_753, %get3A_754, %get3A_755] {strides = array<i32>} : memref<8x32x128xf32, #tpu.memory_space<vmem>>, vector<1x1x16xf32>,
        %get3A_757 = vector.shape_cast %get3A_756 : vector<1x1x16xf32> to vector<16xf32>
        %mul3A_758 = arith.mulf %get3A_15, %get3A_757 : vector<16xf32>
        %add3A_759 = arith.addf %mul3A_751, %mul3A_758 : vector<16xf32>
        %get3A_760 = arith.constant 2 : i32
        %get3A_761 = arith.index_cast %get3A_760 : i32 to index
        %get3A_762 = arith.index_cast %scan3A_608 : i32 to index
        %get3A_763 = arith.constant 32 : index
        %get3A_764 = tpu.vector_load %arg6[%get3A_761, %get3A_762, %get3A_763] {strides = array<i32>} : memref<8x32x128xf32, #tpu.memory_space<vmem>>, vector<1x1x16xf32>,
        %get3A_765 = vector.shape_cast %get3A_764 : vector<1x1x16xf32> to vector<16xf32>
        %mul3A_766 = arith.mulf %get3A_20, %get3A_765 : vector<16xf32>
        %add3A_767 = arith.addf %add3A_759, %mul3A_766 : vector<16xf32>
        %get3A_768 = arith.constant 3 : i32
        %get3A_769 = arith.index_cast %get3A_768 : i32 to index
        %get3A_770 = arith.index_cast %scan3A_608 : i32 to index
        %get3A_771 = arith.constant 32 : index
        %get3A_772 = tpu.vector_load %arg6[%get3A_769, %get3A_770, %get3A_771] {strides = array<i32>} : memref<8x32x128xf32, #tpu.memory_space<vmem>>, vector<1x1x16xf32>,
        %get3A_773 = vector.shape_cast %get3A_772 : vector<1x1x16xf32> to vector<16xf32>
        %mul3A_774 = arith.mulf %get3A_25, %get3A_773 : vector<16xf32>
        %add3A_775 = arith.addf %add3A_767, %mul3A_774 : vector<16xf32>
        %get3A_776 = arith.constant 4 : i32
        %get3A_777 = arith.index_cast %get3A_776 : i32 to index
        %get3A_778 = arith.index_cast %scan3A_608 : i32 to index
        %get3A_779 = arith.constant 32 : index
        %get3A_780 = tpu.vector_load %arg6[%get3A_777, %get3A_778, %get3A_779] {strides = array<i32>} : memref<8x32x128xf32, #tpu.memory_space<vmem>>, vector<1x1x16xf32>,
        %get3A_781 = vector.shape_cast %get3A_780 : vector<1x1x16xf32> to vector<16xf32>
        %mul3A_782 = arith.mulf %get3A_30, %get3A_781 : vector<16xf32>
        %add3A_783 = arith.addf %add3A_775, %mul3A_782 : vector<16xf32>
        %get3A_784 = arith.constant 5 : i32
        %get3A_785 = arith.index_cast %get3A_784 : i32 to index
        %get3A_786 = arith.index_cast %scan3A_608 : i32 to index
        %get3A_787 = arith.constant 32 : index
        %get3A_788 = tpu.vector_load %arg6[%get3A_785, %get3A_786, %get3A_787] {strides = array<i32>} : memref<8x32x128xf32, #tpu.memory_space<vmem>>, vector<1x1x16xf32>,
        %get3A_789 = vector.shape_cast %get3A_788 : vector<1x1x16xf32> to vector<16xf32>
        %mul3A_790 = arith.mulf %get3A_35, %get3A_789 : vector<16xf32>
        %add3A_791 = arith.addf %add3A_783, %mul3A_790 : vector<16xf32>
        %get3A_792 = arith.constant 6 : i32
        %get3A_793 = arith.index_cast %get3A_792 : i32 to index
        %get3A_794 = arith.index_cast %scan3A_608 : i32 to index
        %get3A_795 = arith.constant 32 : index
        %get3A_796 = tpu.vector_load %arg6[%get3A_793, %get3A_794, %get3A_795] {strides = array<i32>} : memref<8x32x128xf32, #tpu.memory_space<vmem>>, vector<1x1x16xf32>,
        %get3A_797 = vector.shape_cast %get3A_796 : vector<1x1x16xf32> to vector<16xf32>
        %mul3A_798 = arith.mulf %get3A_40, %get3A_797 : vector<16xf32>
        %add3A_799 = arith.addf %add3A_791, %mul3A_798 : vector<16xf32>
        %get3A_800 = arith.constant 7 : i32
        %get3A_801 = arith.index_cast %get3A_800 : i32 to index
        %get3A_802 = arith.index_cast %scan3A_608 : i32 to index
        %get3A_803 = arith.constant 32 : index
        %get3A_804 = tpu.vector_load %arg6[%get3A_801, %get3A_802, %get3A_803] {strides = array<i32>} : memref<8x32x128xf32, #tpu.memory_space<vmem>>, vector<1x1x16xf32>,
        %get3A_805 = vector.shape_cast %get3A_804 : vector<1x1x16xf32> to vector<16xf32>
        %mul3A_806 = arith.mulf %get3A_45, %get3A_805 : vector<16xf32>
        %add3A_807 = arith.addf %add3A_799, %mul3A_806 : vector<16xf32>
        %swap3A_808 = arith.index_cast %scan3A_608 : i32 to index
        %swap3A_809 = arith.constant 32 : index
        %swap3A_810 = tpu.vector_load %arg8[%swap3A_808, %swap3A_809] {strides = array<i32>} : memref<32x128xf32, #tpu.memory_space<vmem>>, vector<1x16xf32>,
        %swap3A_811 = vector.shape_cast %swap3A_810 : vector<1x16xf32> to vector<16xf32>
        %swap3A_812 = vector.shape_cast %add3A_807 : vector<16xf32> to vector<1x16xf32>
        tpu.vector_store %arg8[%swap3A_808, %swap3A_809], %swap3A_812 {strides = array<i32>} : memref<32x128xf32, #tpu.memory_space<vmem>>, vector<1x16xf32>,
        %get3A_813 = arith.constant 0 : i32
        %get3A_814 = arith.index_cast %get3A_813 : i32 to index
        %get3A_815 = arith.index_cast %scan3A_608 : i32 to index
        %get3A_816 = arith.constant 48 : index
        %get3A_817 = tpu.vector_load %arg6[%get3A_814, %get3A_815, %get3A_816] {strides = array<i32>} : memref<8x32x128xf32, #tpu.memory_space<vmem>>, vector<1x1x16xf32>,
        %get3A_818 = vector.shape_cast %get3A_817 : vector<1x1x16xf32> to vector<16xf32>
        %mul3A_819 = arith.mulf %get3A_10, %get3A_818 : vector<16xf32>
        %get3A_820 = arith.constant 1 : i32
        %get3A_821 = arith.index_cast %get3A_820 : i32 to index
        %get3A_822 = arith.index_cast %scan3A_608 : i32 to index
        %get3A_823 = arith.constant 48 : index
        %get3A_824 = tpu.vector_load %arg6[%get3A_821, %get3A_822, %get3A_823] {strides = array<i32>} : memref<8x32x128xf32, #tpu.memory_space<vmem>>, vector<1x1x16xf32>,
        %get3A_825 = vector.shape_cast %get3A_824 : vector<1x1x16xf32> to vector<16xf32>
        %mul3A_826 = arith.mulf %get3A_15, %get3A_825 : vector<16xf32>
        %add3A_827 = arith.addf %mul3A_819, %mul3A_826 : vector<16xf32>
        %get3A_828 = arith.constant 2 : i32
        %get3A_829 = arith.index_cast %get3A_828 : i32 to index
        %get3A_830 = arith.index_cast %scan3A_608 : i32 to index
        %get3A_831 = arith.constant 48 : index
        %get3A_832 = tpu.vector_load %arg6[%get3A_829, %get3A_830, %get3A_831] {strides = array<i32>} : memref<8x32x128xf32, #tpu.memory_space<vmem>>, vector<1x1x16xf32>,
        %get3A_833 = vector.shape_cast %get3A_832 : vector<1x1x16xf32> to vector<16xf32>
        %mul3A_834 = arith.mulf %get3A_20, %get3A_833 : vector<16xf32>
        %add3A_835 = arith.addf %add3A_827, %mul3A_834 : vector<16xf32>
        %get3A_836 = arith.constant 3 : i32
        %get3A_837 = arith.index_cast %get3A_836 : i32 to index
        %get3A_838 = arith.index_cast %scan3A_608 : i32 to index
        %get3A_839 = arith.constant 48 : index
        %get3A_840 = tpu.vector_load %arg6[%get3A_837, %get3A_838, %get3A_839] {strides = array<i32>} : memref<8x32x128xf32, #tpu.memory_space<vmem>>, vector<1x1x16xf32>,
        %get3A_841 = vector.shape_cast %get3A_840 : vector<1x1x16xf32> to vector<16xf32>
        %mul3A_842 = arith.mulf %get3A_25, %get3A_841 : vector<16xf32>
        %add3A_843 = arith.addf %add3A_835, %mul3A_842 : vector<16xf32>
        %get3A_844 = arith.constant 4 : i32
        %get3A_845 = arith.index_cast %get3A_844 : i32 to index
        %get3A_846 = arith.index_cast %scan3A_608 : i32 to index
        %get3A_847 = arith.constant 48 : index
        %get3A_848 = tpu.vector_load %arg6[%get3A_845, %get3A_846, %get3A_847] {strides = array<i32>} : memref<8x32x128xf32, #tpu.memory_space<vmem>>, vector<1x1x16xf32>,
        %get3A_849 = vector.shape_cast %get3A_848 : vector<1x1x16xf32> to vector<16xf32>
        %mul3A_850 = arith.mulf %get3A_30, %get3A_849 : vector<16xf32>
        %add3A_851 = arith.addf %add3A_843, %mul3A_850 : vector<16xf32>
        %get3A_852 = arith.constant 5 : i32
        %get3A_853 = arith.index_cast %get3A_852 : i32 to index
        %get3A_854 = arith.index_cast %scan3A_608 : i32 to index
        %get3A_855 = arith.constant 48 : index
        %get3A_856 = tpu.vector_load %arg6[%get3A_853, %get3A_854, %get3A_855] {strides = array<i32>} : memref<8x32x128xf32, #tpu.memory_space<vmem>>, vector<1x1x16xf32>,
        %get3A_857 = vector.shape_cast %get3A_856 : vector<1x1x16xf32> to vector<16xf32>
        %mul3A_858 = arith.mulf %get3A_35, %get3A_857 : vector<16xf32>
        %add3A_859 = arith.addf %add3A_851, %mul3A_858 : vector<16xf32>
        %get3A_860 = arith.constant 6 : i32
        %get3A_861 = arith.index_cast %get3A_860 : i32 to index
        %get3A_862 = arith.index_cast %scan3A_608 : i32 to index
        %get3A_863 = arith.constant 48 : index
        %get3A_864 = tpu.vector_load %arg6[%get3A_861, %get3A_862, %get3A_863] {strides = array<i32>} : memref<8x32x128xf32, #tpu.memory_space<vmem>>, vector<1x1x16xf32>,
        %get3A_865 = vector.shape_cast %get3A_864 : vector<1x1x16xf32> to vector<16xf32>
        %mul3A_866 = arith.mulf %get3A_40, %get3A_865 : vector<16xf32>
        %add3A_867 = arith.addf %add3A_859, %mul3A_866 : vector<16xf32>
        %get3A_868 = arith.constant 7 : i32
        %get3A_869 = arith.index_cast %get3A_868 : i32 to index
        %get3A_870 = arith.index_cast %scan3A_608 : i32 to index
        %get3A_871 = arith.constant 48 : index
        %get3A_872 = tpu.vector_load %arg6[%get3A_869, %get3A_870, %get3A_871] {strides = array<i32>} : memref<8x32x128xf32, #tpu.memory_space<vmem>>, vector<1x1x16xf32>,
        %get3A_873 = vector.shape_cast %get3A_872 : vector<1x1x16xf32> to vector<16xf32>
        %mul3A_874 = arith.mulf %get3A_45, %get3A_873 : vector<16xf32>
        %add3A_875 = arith.addf %add3A_867, %mul3A_874 : vector<16xf32>
        %swap3A_876 = arith.index_cast %scan3A_608 : i32 to index
        %swap3A_877 = arith.constant 48 : index
        %swap3A_878 = tpu.vector_load %arg8[%swap3A_876, %swap3A_877] {strides = array<i32>} : memref<32x128xf32, #tpu.memory_space<vmem>>, vector<1x16xf32>,
        %swap3A_879 = vector.shape_cast %swap3A_878 : vector<1x16xf32> to vector<16xf32>
        %swap3A_880 = vector.shape_cast %add3A_875 : vector<16xf32> to vector<1x16xf32>
        tpu.vector_store %arg8[%swap3A_876, %swap3A_877], %swap3A_880 {strides = array<i32>} : memref<32x128xf32, #tpu.memory_space<vmem>>, vector<1x16xf32>,
        %get3A_881 = arith.constant 0 : i32
        %get3A_882 = arith.index_cast %get3A_881 : i32 to index
        %get3A_883 = arith.index_cast %scan3A_608 : i32 to index
        %get3A_884 = arith.constant 64 : index
        %get3A_885 = tpu.vector_load %arg6[%get3A_882, %get3A_883, %get3A_884] {strides = array<i32>} : memref<8x32x128xf32, #tpu.memory_space<vmem>>, vector<1x1x16xf32>,
        %get3A_886 = vector.shape_cast %get3A_885 : vector<1x1x16xf32> to vector<16xf32>
        %mul3A_887 = arith.mulf %get3A_10, %get3A_886 : vector<16xf32>
        %get3A_888 = arith.constant 1 : i32
        %get3A_889 = arith.index_cast %get3A_888 : i32 to index
        %get3A_890 = arith.index_cast %scan3A_608 : i32 to index
        %get3A_891 = arith.constant 64 : index
        %get3A_892 = tpu.vector_load %arg6[%get3A_889, %get3A_890, %get3A_891] {strides = array<i32>} : memref<8x32x128xf32, #tpu.memory_space<vmem>>, vector<1x1x16xf32>,
        %get3A_893 = vector.shape_cast %get3A_892 : vector<1x1x16xf32> to vector<16xf32>
        %mul3A_894 = arith.mulf %get3A_15, %get3A_893 : vector<16xf32>
        %add3A_895 = arith.addf %mul3A_887, %mul3A_894 : vector<16xf32>
        %get3A_896 = arith.constant 2 : i32
        %get3A_897 = arith.index_cast %get3A_896 : i32 to index
        %get3A_898 = arith.index_cast %scan3A_608 : i32 to index
        %get3A_899 = arith.constant 64 : index
        %get3A_900 = tpu.vector_load %arg6[%get3A_897, %get3A_898, %get3A_899] {strides = array<i32>} : memref<8x32x128xf32, #tpu.memory_space<vmem>>, vector<1x1x16xf32>,
        %get3A_901 = vector.shape_cast %get3A_900 : vector<1x1x16xf32> to vector<16xf32>
        %mul3A_902 = arith.mulf %get3A_20, %get3A_901 : vector<16xf32>
        %add3A_903 = arith.addf %add3A_895, %mul3A_902 : vector<16xf32>
        %get3A_904 = arith.constant 3 : i32
        %get3A_905 = arith.index_cast %get3A_904 : i32 to index
        %get3A_906 = arith.index_cast %scan3A_608 : i32 to index
        %get3A_907 = arith.constant 64 : index
        %get3A_908 = tpu.vector_load %arg6[%get3A_905, %get3A_906, %get3A_907] {strides = array<i32>} : memref<8x32x128xf32, #tpu.memory_space<vmem>>, vector<1x1x16xf32>,
        %get3A_909 = vector.shape_cast %get3A_908 : vector<1x1x16xf32> to vector<16xf32>
        %mul3A_910 = arith.mulf %get3A_25, %get3A_909 : vector<16xf32>
        %add3A_911 = arith.addf %add3A_903, %mul3A_910 : vector<16xf32>
        %get3A_912 = arith.constant 4 : i32
        %get3A_913 = arith.index_cast %get3A_912 : i32 to index
        %get3A_914 = arith.index_cast %scan3A_608 : i32 to index
        %get3A_915 = arith.constant 64 : index
        %get3A_916 = tpu.vector_load %arg6[%get3A_913, %get3A_914, %get3A_915] {strides = array<i32>} : memref<8x32x128xf32, #tpu.memory_space<vmem>>, vector<1x1x16xf32>,
        %get3A_917 = vector.shape_cast %get3A_916 : vector<1x1x16xf32> to vector<16xf32>
        %mul3A_918 = arith.mulf %get3A_30, %get3A_917 : vector<16xf32>
        %add3A_919 = arith.addf %add3A_911, %mul3A_918 : vector<16xf32>
        %get3A_920 = arith.constant 5 : i32
        %get3A_921 = arith.index_cast %get3A_920 : i32 to index
        %get3A_922 = arith.index_cast %scan3A_608 : i32 to index
        %get3A_923 = arith.constant 64 : index
        %get3A_924 = tpu.vector_load %arg6[%get3A_921, %get3A_922, %get3A_923] {strides = array<i32>} : memref<8x32x128xf32, #tpu.memory_space<vmem>>, vector<1x1x16xf32>,
        %get3A_925 = vector.shape_cast %get3A_924 : vector<1x1x16xf32> to vector<16xf32>
        %mul3A_926 = arith.mulf %get3A_35, %get3A_925 : vector<16xf32>
        %add3A_927 = arith.addf %add3A_919, %mul3A_926 : vector<16xf32>
        %get3A_928 = arith.constant 6 : i32
        %get3A_929 = arith.index_cast %get3A_928 : i32 to index
        %get3A_930 = arith.index_cast %scan3A_608 : i32 to index
        %get3A_931 = arith.constant 64 : index
        %get3A_932 = tpu.vector_load %arg6[%get3A_929, %get3A_930, %get3A_931] {strides = array<i32>} : memref<8x32x128xf32, #tpu.memory_space<vmem>>, vector<1x1x16xf32>,
        %get3A_933 = vector.shape_cast %get3A_932 : vector<1x1x16xf32> to vector<16xf32>
        %mul3A_934 = arith.mulf %get3A_40, %get3A_933 : vector<16xf32>
        %add3A_935 = arith.addf %add3A_927, %mul3A_934 : vector<16xf32>
        %get3A_936 = arith.constant 7 : i32
        %get3A_937 = arith.index_cast %get3A_936 : i32 to index
        %get3A_938 = arith.index_cast %scan3A_608 : i32 to index
        %get3A_939 = arith.constant 64 : index
        %get3A_940 = tpu.vector_load %arg6[%get3A_937, %get3A_938, %get3A_939] {strides = array<i32>} : memref<8x32x128xf32, #tpu.memory_space<vmem>>, vector<1x1x16xf32>,
        %get3A_941 = vector.shape_cast %get3A_940 : vector<1x1x16xf32> to vector<16xf32>
        %mul3A_942 = arith.mulf %get3A_45, %get3A_941 : vector<16xf32>
        %add3A_943 = arith.addf %add3A_935, %mul3A_942 : vector<16xf32>
        %swap3A_944 = arith.index_cast %scan3A_608 : i32 to index
        %swap3A_945 = arith.constant 64 : index
        %swap3A_946 = tpu.vector_load %arg8[%swap3A_944, %swap3A_945] {strides = array<i32>} : memref<32x128xf32, #tpu.memory_space<vmem>>, vector<1x16xf32>,
        %swap3A_947 = vector.shape_cast %swap3A_946 : vector<1x16xf32> to vector<16xf32>
        %swap3A_948 = vector.shape_cast %add3A_943 : vector<16xf32> to vector<1x16xf32>
        tpu.vector_store %arg8[%swap3A_944, %swap3A_945], %swap3A_948 {strides = array<i32>} : memref<32x128xf32, #tpu.memory_space<vmem>>, vector<1x16xf32>,
        %get3A_949 = arith.constant 0 : i32
        %get3A_950 = arith.index_cast %get3A_949 : i32 to index
        %get3A_951 = arith.index_cast %scan3A_608 : i32 to index
        %get3A_952 = arith.constant 80 : index
        %get3A_953 = tpu.vector_load %arg6[%get3A_950, %get3A_951, %get3A_952] {strides = array<i32>} : memref<8x32x128xf32, #tpu.memory_space<vmem>>, vector<1x1x16xf32>,
        %get3A_954 = vector.shape_cast %get3A_953 : vector<1x1x16xf32> to vector<16xf32>
        %mul3A_955 = arith.mulf %get3A_10, %get3A_954 : vector<16xf32>
        %get3A_956 = arith.constant 1 : i32
        %get3A_957 = arith.index_cast %get3A_956 : i32 to index
        %get3A_958 = arith.index_cast %scan3A_608 : i32 to index
        %get3A_959 = arith.constant 80 : index
        %get3A_960 = tpu.vector_load %arg6[%get3A_957, %get3A_958, %get3A_959] {strides = array<i32>} : memref<8x32x128xf32, #tpu.memory_space<vmem>>, vector<1x1x16xf32>,
        %get3A_961 = vector.shape_cast %get3A_960 : vector<1x1x16xf32> to vector<16xf32>
        %mul3A_962 = arith.mulf %get3A_15, %get3A_961 : vector<16xf32>
        %add3A_963 = arith.addf %mul3A_955, %mul3A_962 : vector<16xf32>
        %get3A_964 = arith.constant 2 : i32
        %get3A_965 = arith.index_cast %get3A_964 : i32 to index
        %get3A_966 = arith.index_cast %scan3A_608 : i32 to index
        %get3A_967 = arith.constant 80 : index
        %get3A_968 = tpu.vector_load %arg6[%get3A_965, %get3A_966, %get3A_967] {strides = array<i32>} : memref<8x32x128xf32, #tpu.memory_space<vmem>>, vector<1x1x16xf32>,
        %get3A_969 = vector.shape_cast %get3A_968 : vector<1x1x16xf32> to vector<16xf32>
        %mul3A_970 = arith.mulf %get3A_20, %get3A_969 : vector<16xf32>
        %add3A_971 = arith.addf %add3A_963, %mul3A_970 : vector<16xf32>
        %get3A_972 = arith.constant 3 : i32
        %get3A_973 = arith.index_cast %get3A_972 : i32 to index
        %get3A_974 = arith.index_cast %scan3A_608 : i32 to index
        %get3A_975 = arith.constant 80 : index
        %get3A_976 = tpu.vector_load %arg6[%get3A_973, %get3A_974, %get3A_975] {strides = array<i32>} : memref<8x32x128xf32, #tpu.memory_space<vmem>>, vector<1x1x16xf32>,
        %get3A_977 = vector.shape_cast %get3A_976 : vector<1x1x16xf32> to vector<16xf32>
        %mul3A_978 = arith.mulf %get3A_25, %get3A_977 : vector<16xf32>
        %add3A_979 = arith.addf %add3A_971, %mul3A_978 : vector<16xf32>
        %get3A_980 = arith.constant 4 : i32
        %get3A_981 = arith.index_cast %get3A_980 : i32 to index
        %get3A_982 = arith.index_cast %scan3A_608 : i32 to index
        %get3A_983 = arith.constant 80 : index
        %get3A_984 = tpu.vector_load %arg6[%get3A_981, %get3A_982, %get3A_983] {strides = array<i32>} : memref<8x32x128xf32, #tpu.memory_space<vmem>>, vector<1x1x16xf32>,
        %get3A_985 = vector.shape_cast %get3A_984 : vector<1x1x16xf32> to vector<16xf32>
        %mul3A_986 = arith.mulf %get3A_30, %get3A_985 : vector<16xf32>
        %add3A_987 = arith.addf %add3A_979, %mul3A_986 : vector<16xf32>
        %get3A_988 = arith.constant 5 : i32
        %get3A_989 = arith.index_cast %get3A_988 : i32 to index
        %get3A_990 = arith.index_cast %scan3A_608 : i32 to index
        %get3A_991 = arith.constant 80 : index
        %get3A_992 = tpu.vector_load %arg6[%get3A_989, %get3A_990, %get3A_991] {strides = array<i32>} : memref<8x32x128xf32, #tpu.memory_space<vmem>>, vector<1x1x16xf32>,
        %get3A_993 = vector.shape_cast %get3A_992 : vector<1x1x16xf32> to vector<16xf32>
        %mul3A_994 = arith.mulf %get3A_35, %get3A_993 : vector<16xf32>
        %add3A_995 = arith.addf %add3A_987, %mul3A_994 : vector<16xf32>
        %get3A_996 = arith.constant 6 : i32
        %get3A_997 = arith.index_cast %get3A_996 : i32 to index
        %get3A_998 = arith.index_cast %scan3A_608 : i32 to index
        %get3A_999 = arith.constant 80 : index
        %get3A_1000 = tpu.vector_load %arg6[%get3A_997, %get3A_998, %get3A_999] {strides = array<i32>} : memref<8x32x128xf32, #tpu.memory_space<vmem>>, vector<1x1x16xf32>,
        %get3A_1001 = vector.shape_cast %get3A_1000 : vector<1x1x16xf32> to vector<16xf32>
        %mul3A_1002 = arith.mulf %get3A_40, %get3A_1001 : vector<16xf32>
        %add3A_1003 = arith.addf %add3A_995, %mul3A_1002 : vector<16xf32>
        %get3A_1004 = arith.constant 7 : i32
        %get3A_1005 = arith.index_cast %get3A_1004 : i32 to index
        %get3A_1006 = arith.index_cast %scan3A_608 : i32 to index
        %get3A_1007 = arith.constant 80 : index
        %get3A_1008 = tpu.vector_load %arg6[%get3A_1005, %get3A_1006, %get3A_1007] {strides = array<i32>} : memref<8x32x128xf32, #tpu.memory_space<vmem>>, vector<1x1x16xf32>,
        %get3A_1009 = vector.shape_cast %get3A_1008 : vector<1x1x16xf32> to vector<16xf32>
        %mul3A_1010 = arith.mulf %get3A_45, %get3A_1009 : vector<16xf32>
        %add3A_1011 = arith.addf %add3A_1003, %mul3A_1010 : vector<16xf32>
        %swap3A_1012 = arith.index_cast %scan3A_608 : i32 to index
        %swap3A_1013 = arith.constant 80 : index
        %swap3A_1014 = tpu.vector_load %arg8[%swap3A_1012, %swap3A_1013] {strides = array<i32>} : memref<32x128xf32, #tpu.memory_space<vmem>>, vector<1x16xf32>,
        %swap3A_1015 = vector.shape_cast %swap3A_1014 : vector<1x16xf32> to vector<16xf32>
        %swap3A_1016 = vector.shape_cast %add3A_1011 : vector<16xf32> to vector<1x16xf32>
        tpu.vector_store %arg8[%swap3A_1012, %swap3A_1013], %swap3A_1016 {strides = array<i32>} : memref<32x128xf32, #tpu.memory_space<vmem>>, vector<1x16xf32>,
        %get3A_1017 = arith.constant 0 : i32
        %get3A_1018 = arith.index_cast %get3A_1017 : i32 to index
        %get3A_1019 = arith.index_cast %scan3A_608 : i32 to index
        %get3A_1020 = arith.constant 96 : index
        %get3A_1021 = tpu.vector_load %arg6[%get3A_1018, %get3A_1019, %get3A_1020] {strides = array<i32>} : memref<8x32x128xf32, #tpu.memory_space<vmem>>, vector<1x1x16xf32>,
        %get3A_1022 = vector.shape_cast %get3A_1021 : vector<1x1x16xf32> to vector<16xf32>
        %mul3A_1023 = arith.mulf %get3A_10, %get3A_1022 : vector<16xf32>
        %get3A_1024 = arith.constant 1 : i32
        %get3A_1025 = arith.index_cast %get3A_1024 : i32 to index
        %get3A_1026 = arith.index_cast %scan3A_608 : i32 to index
        %get3A_1027 = arith.constant 96 : index
        %get3A_1028 = tpu.vector_load %arg6[%get3A_1025, %get3A_1026, %get3A_1027] {strides = array<i32>} : memref<8x32x128xf32, #tpu.memory_space<vmem>>, vector<1x1x16xf32>,
        %get3A_1029 = vector.shape_cast %get3A_1028 : vector<1x1x16xf32> to vector<16xf32>
        %mul3A_1030 = arith.mulf %get3A_15, %get3A_1029 : vector<16xf32>
        %add3A_1031 = arith.addf %mul3A_1023, %mul3A_1030 : vector<16xf32>
        %get3A_1032 = arith.constant 2 : i32
        %get3A_1033 = arith.index_cast %get3A_1032 : i32 to index
        %get3A_1034 = arith.index_cast %scan3A_608 : i32 to index
        %get3A_1035 = arith.constant 96 : index
        %get3A_1036 = tpu.vector_load %arg6[%get3A_1033, %get3A_1034, %get3A_1035] {strides = array<i32>} : memref<8x32x128xf32, #tpu.memory_space<vmem>>, vector<1x1x16xf32>,
        %get3A_1037 = vector.shape_cast %get3A_1036 : vector<1x1x16xf32> to vector<16xf32>
        %mul3A_1038 = arith.mulf %get3A_20, %get3A_1037 : vector<16xf32>
        %add3A_1039 = arith.addf %add3A_1031, %mul3A_1038 : vector<16xf32>
        %get3A_1040 = arith.constant 3 : i32
        %get3A_1041 = arith.index_cast %get3A_1040 : i32 to index
        %get3A_1042 = arith.index_cast %scan3A_608 : i32 to index
        %get3A_1043 = arith.constant 96 : index
        %get3A_1044 = tpu.vector_load %arg6[%get3A_1041, %get3A_1042, %get3A_1043] {strides = array<i32>} : memref<8x32x128xf32, #tpu.memory_space<vmem>>, vector<1x1x16xf32>,
        %get3A_1045 = vector.shape_cast %get3A_1044 : vector<1x1x16xf32> to vector<16xf32>
        %mul3A_1046 = arith.mulf %get3A_25, %get3A_1045 : vector<16xf32>
        %add3A_1047 = arith.addf %add3A_1039, %mul3A_1046 : vector<16xf32>
        %get3A_1048 = arith.constant 4 : i32
        %get3A_1049 = arith.index_cast %get3A_1048 : i32 to index
        %get3A_1050 = arith.index_cast %scan3A_608 : i32 to index
        %get3A_1051 = arith.constant 96 : index
        %get3A_1052 = tpu.vector_load %arg6[%get3A_1049, %get3A_1050, %get3A_1051] {strides = array<i32>} : memref<8x32x128xf32, #tpu.memory_space<vmem>>, vector<1x1x16xf32>,
        %get3A_1053 = vector.shape_cast %get3A_1052 : vector<1x1x16xf32> to vector<16xf32>
        %mul3A_1054 = arith.mulf %get3A_30, %get3A_1053 : vector<16xf32>
        %add3A_1055 = arith.addf %add3A_1047, %mul3A_1054 : vector<16xf32>
        %get3A_1056 = arith.constant 5 : i32
        %get3A_1057 = arith.index_cast %get3A_1056 : i32 to index
        %get3A_1058 = arith.index_cast %scan3A_608 : i32 to index
        %get3A_1059 = arith.constant 96 : index
        %get3A_1060 = tpu.vector_load %arg6[%get3A_1057, %get3A_1058, %get3A_1059] {strides = array<i32>} : memref<8x32x128xf32, #tpu.memory_space<vmem>>, vector<1x1x16xf32>,
        %get3A_1061 = vector.shape_cast %get3A_1060 : vector<1x1x16xf32> to vector<16xf32>
        %mul3A_1062 = arith.mulf %get3A_35, %get3A_1061 : vector<16xf32>
        %add3A_1063 = arith.addf %add3A_1055, %mul3A_1062 : vector<16xf32>
        %get3A_1064 = arith.constant 6 : i32
        %get3A_1065 = arith.index_cast %get3A_1064 : i32 to index
        %get3A_1066 = arith.index_cast %scan3A_608 : i32 to index
        %get3A_1067 = arith.constant 96 : index
        %get3A_1068 = tpu.vector_load %arg6[%get3A_1065, %get3A_1066, %get3A_1067] {strides = array<i32>} : memref<8x32x128xf32, #tpu.memory_space<vmem>>, vector<1x1x16xf32>,
        %get3A_1069 = vector.shape_cast %get3A_1068 : vector<1x1x16xf32> to vector<16xf32>
        %mul3A_1070 = arith.mulf %get3A_40, %get3A_1069 : vector<16xf32>
        %add3A_1071 = arith.addf %add3A_1063, %mul3A_1070 : vector<16xf32>
        %get3A_1072 = arith.constant 7 : i32
        %get3A_1073 = arith.index_cast %get3A_1072 : i32 to index
        %get3A_1074 = arith.index_cast %scan3A_608 : i32 to index
        %get3A_1075 = arith.constant 96 : index
        %get3A_1076 = tpu.vector_load %arg6[%get3A_1073, %get3A_1074, %get3A_1075] {strides = array<i32>} : memref<8x32x128xf32, #tpu.memory_space<vmem>>, vector<1x1x16xf32>,
        %get3A_1077 = vector.shape_cast %get3A_1076 : vector<1x1x16xf32> to vector<16xf32>
        %mul3A_1078 = arith.mulf %get3A_45, %get3A_1077 : vector<16xf32>
        %add3A_1079 = arith.addf %add3A_1071, %mul3A_1078 : vector<16xf32>
        %swap3A_1080 = arith.index_cast %scan3A_608 : i32 to index
        %swap3A_1081 = arith.constant 96 : index
        %swap3A_1082 = tpu.vector_load %arg8[%swap3A_1080, %swap3A_1081] {strides = array<i32>} : memref<32x128xf32, #tpu.memory_space<vmem>>, vector<1x16xf32>,
        %swap3A_1083 = vector.shape_cast %swap3A_1082 : vector<1x16xf32> to vector<16xf32>
        %swap3A_1084 = vector.shape_cast %add3A_1079 : vector<16xf32> to vector<1x16xf32>
        tpu.vector_store %arg8[%swap3A_1080, %swap3A_1081], %swap3A_1084 {strides = array<i32>} : memref<32x128xf32, #tpu.memory_space<vmem>>, vector<1x16xf32>,
        %get3A_1085 = arith.constant 0 : i32
        %get3A_1086 = arith.index_cast %get3A_1085 : i32 to index
        %get3A_1087 = arith.index_cast %scan3A_608 : i32 to index
        %get3A_1088 = arith.constant 112 : index
        %get3A_1089 = tpu.vector_load %arg6[%get3A_1086, %get3A_1087, %get3A_1088] {strides = array<i32>} : memref<8x32x128xf32, #tpu.memory_space<vmem>>, vector<1x1x16xf32>,
        %get3A_1090 = vector.shape_cast %get3A_1089 : vector<1x1x16xf32> to vector<16xf32>
        %mul3A_1091 = arith.mulf %get3A_10, %get3A_1090 : vector<16xf32>
        %get3A_1092 = arith.constant 1 : i32
        %get3A_1093 = arith.index_cast %get3A_1092 : i32 to index
        %get3A_1094 = arith.index_cast %scan3A_608 : i32 to index
        %get3A_1095 = arith.constant 112 : index
        %get3A_1096 = tpu.vector_load %arg6[%get3A_1093, %get3A_1094, %get3A_1095] {strides = array<i32>} : memref<8x32x128xf32, #tpu.memory_space<vmem>>, vector<1x1x16xf32>,
        %get3A_1097 = vector.shape_cast %get3A_1096 : vector<1x1x16xf32> to vector<16xf32>
        %mul3A_1098 = arith.mulf %get3A_15, %get3A_1097 : vector<16xf32>
        %add3A_1099 = arith.addf %mul3A_1091, %mul3A_1098 : vector<16xf32>
        %get3A_1100 = arith.constant 2 : i32
        %get3A_1101 = arith.index_cast %get3A_1100 : i32 to index
        %get3A_1102 = arith.index_cast %scan3A_608 : i32 to index
        %get3A_1103 = arith.constant 112 : index
        %get3A_1104 = tpu.vector_load %arg6[%get3A_1101, %get3A_1102, %get3A_1103] {strides = array<i32>} : memref<8x32x128xf32, #tpu.memory_space<vmem>>, vector<1x1x16xf32>,
        %get3A_1105 = vector.shape_cast %get3A_1104 : vector<1x1x16xf32> to vector<16xf32>
        %mul3A_1106 = arith.mulf %get3A_20, %get3A_1105 : vector<16xf32>
        %add3A_1107 = arith.addf %add3A_1099, %mul3A_1106 : vector<16xf32>
        %get3A_1108 = arith.constant 3 : i32
        %get3A_1109 = arith.index_cast %get3A_1108 : i32 to index
        %get3A_1110 = arith.index_cast %scan3A_608 : i32 to index
        %get3A_1111 = arith.constant 112 : index
        %get3A_1112 = tpu.vector_load %arg6[%get3A_1109, %get3A_1110, %get3A_1111] {strides = array<i32>} : memref<8x32x128xf32, #tpu.memory_space<vmem>>, vector<1x1x16xf32>,
        %get3A_1113 = vector.shape_cast %get3A_1112 : vector<1x1x16xf32> to vector<16xf32>
        %mul3A_1114 = arith.mulf %get3A_25, %get3A_1113 : vector<16xf32>
        %add3A_1115 = arith.addf %add3A_1107, %mul3A_1114 : vector<16xf32>
        %get3A_1116 = arith.constant 4 : i32
        %get3A_1117 = arith.index_cast %get3A_1116 : i32 to index
        %get3A_1118 = arith.index_cast %scan3A_608 : i32 to index
        %get3A_1119 = arith.constant 112 : index
        %get3A_1120 = tpu.vector_load %arg6[%get3A_1117, %get3A_1118, %get3A_1119] {strides = array<i32>} : memref<8x32x128xf32, #tpu.memory_space<vmem>>, vector<1x1x16xf32>,
        %get3A_1121 = vector.shape_cast %get3A_1120 : vector<1x1x16xf32> to vector<16xf32>
        %mul3A_1122 = arith.mulf %get3A_30, %get3A_1121 : vector<16xf32>
        %add3A_1123 = arith.addf %add3A_1115, %mul3A_1122 : vector<16xf32>
        %get3A_1124 = arith.constant 5 : i32
        %get3A_1125 = arith.index_cast %get3A_1124 : i32 to index
        %get3A_1126 = arith.index_cast %scan3A_608 : i32 to index
        %get3A_1127 = arith.constant 112 : index
        %get3A_1128 = tpu.vector_load %arg6[%get3A_1125, %get3A_1126, %get3A_1127] {strides = array<i32>} : memref<8x32x128xf32, #tpu.memory_space<vmem>>, vector<1x1x16xf32>,
        %get3A_1129 = vector.shape_cast %get3A_1128 : vector<1x1x16xf32> to vector<16xf32>
        %mul3A_1130 = arith.mulf %get3A_35, %get3A_1129 : vector<16xf32>
        %add3A_1131 = arith.addf %add3A_1123, %mul3A_1130 : vector<16xf32>
        %get3A_1132 = arith.constant 6 : i32
        %get3A_1133 = arith.index_cast %get3A_1132 : i32 to index
        %get3A_1134 = arith.index_cast %scan3A_608 : i32 to index
        %get3A_1135 = arith.constant 112 : index
        %get3A_1136 = tpu.vector_load %arg6[%get3A_1133, %get3A_1134, %get3A_1135] {strides = array<i32>} : memref<8x32x128xf32, #tpu.memory_space<vmem>>, vector<1x1x16xf32>,
        %get3A_1137 = vector.shape_cast %get3A_1136 : vector<1x1x16xf32> to vector<16xf32>
        %mul3A_1138 = arith.mulf %get3A_40, %get3A_1137 : vector<16xf32>
        %add3A_1139 = arith.addf %add3A_1131, %mul3A_1138 : vector<16xf32>
        %get3A_1140 = arith.constant 7 : i32
        %get3A_1141 = arith.index_cast %get3A_1140 : i32 to index
        %get3A_1142 = arith.index_cast %scan3A_608 : i32 to index
        %get3A_1143 = arith.constant 112 : index
        %get3A_1144 = tpu.vector_load %arg6[%get3A_1141, %get3A_1142, %get3A_1143] {strides = array<i32>} : memref<8x32x128xf32, #tpu.memory_space<vmem>>, vector<1x1x16xf32>,
        %get3A_1145 = vector.shape_cast %get3A_1144 : vector<1x1x16xf32> to vector<16xf32>
        %mul3A_1146 = arith.mulf %get3A_45, %get3A_1145 : vector<16xf32>
        %add3A_1147 = arith.addf %add3A_1139, %mul3A_1146 : vector<16xf32>
        %swap3A_1148 = arith.index_cast %scan3A_608 : i32 to index
        %swap3A_1149 = arith.constant 112 : index
        %swap3A_1150 = tpu.vector_load %arg8[%swap3A_1148, %swap3A_1149] {strides = array<i32>} : memref<32x128xf32, #tpu.memory_space<vmem>>, vector<1x16xf32>,
        %swap3A_1151 = vector.shape_cast %swap3A_1150 : vector<1x16xf32> to vector<16xf32>
        %swap3A_1152 = vector.shape_cast %add3A_1147 : vector<16xf32> to vector<1x16xf32>
        tpu.vector_store %arg8[%swap3A_1148, %swap3A_1149], %swap3A_1152 {strides = array<i32>} : memref<32x128xf32, #tpu.memory_space<vmem>>, vector<1x16xf32>,
        %scan3A_1153 = arith.constant 0 : i32
        scf.yield %scan3A_1153 : i32
      }
      %scan3A_454 = arith.constant 32 : i32
      %mul3A_455 = arith.constant 32 : i32
      %mul3A_456 = arith.muli %mul3A_184, %mul3A_455 : i32
      %add3A_457 = arith.addi %mul3A_6, %mul3A_456 : i32
      "tpu.region"() ({
        %run_scoped3A = tpu.sem_alloc : memref<!tpu.dma_semaphore, #tpu.memory_space<semaphore_mem>>
        %dma_start3A_608 = arith.constant 0 : i32
        %dma_start3A_609 = tpu.memref_slice %arg4[%add3A_457, %dma_start3A_608] : memref<20480x128xf32, #tpu.memory_space<hbm>> -> memref<32x128xf32, #tpu.memory_space<hbm>>
        %dma_start3A_610 = arith.constant 0 : i32
        %dma_start3A_611 = tpu.memref_slice %arg4[%add3A_457, %dma_start3A_610] : memref<20480x128xf32, #tpu.memory_space<hbm>> -> memref<32x128xf32, #tpu.memory_space<hbm>>
        tpu.enqueue_dma source(%arg8 : memref<32x128xf32, #tpu.memory_space<vmem>>) target(%dma_start3A_611 : memref<32x128xf32, #tpu.memory_space<hbm>>) target_semaphore(%run_scoped3A : memref<!tpu.dma_semaphore, #tpu.memory_space<semaphore_mem>>)
        %dma_wait3A_612 = arith.constant 0 : i32
        %dma_wait3A_613 = tpu.memref_slice %arg4[%add3A_457, %dma_wait3A_612] : memref<20480x128xf32, #tpu.memory_space<hbm>> -> memref<32x128xf32, #tpu.memory_space<hbm>>
        %dma_wait3A_614 = arith.constant 0 : i32
        %dma_wait3A_615 = tpu.memref_slice %arg4[%add3A_457, %dma_wait3A_614] : memref<20480x128xf32, #tpu.memory_space<hbm>> -> memref<32x128xf32, #tpu.memory_space<hbm>>
        tpu.wait_dma2 semaphore(%run_scoped3A : memref<!tpu.dma_semaphore, #tpu.memory_space<semaphore_mem>>) src(%arg8 : memref<32x128xf32, #tpu.memory_space<vmem>>) dst(%dma_wait3A_615 : memref<32x128xf32, #tpu.memory_space<hbm>>)
        tpu.yield
      }) : () -> ()
      %add3A_458 = arith.constant 2 : i32
      %add3A_459 = arith.addi %mul3A_184, %add3A_458 : i32
      %lt3A = arith.constant 20 : i32
      %lt3A_460 = arith.cmpi slt, %add3A_459, %lt3A : i32
      %convert_element_type3A = arith.extui %lt3A_460 : i1 to i32
      %cond3A = arith.constant 0 : i32
      %cond3A_461 = arith.cmpi ne, %convert_element_type3A, %cond3A : i32
      scf.if %cond3A_461 {
        %add3A_608 = arith.constant 2 : i32
        %add3A_609 = arith.addi %mul3A_184, %add3A_608 : i32
        %mul3A_610 = arith.constant 32 : i32
        %mul3A_611 = arith.muli %add3A_609, %mul3A_610 : i32
        %add3A_612 = arith.addi %add3A_4, %mul3A_611 : i32
        %dma_start3A_613 = arith.constant 0 : i32
        %dma_start3A_614 = arith.constant 0 : i32
        %dma_start3A_615 = arith.constant 0 : i32
        %dma_start3A_616 = arith.constant 0 : i32
        %dma_start3A_617 = tpu.memref_slice %arg6[%dma_start3A_614, %dma_start3A_615, %dma_start3A_616] : memref<8x32x128xf32, #tpu.memory_space<vmem>> -> memref<1x32x128xf32, #tpu.memory_space<vmem>>
        %dma_start3A_618 = tpu.memref_squeeze %dma_start3A_617 : memref<1x32x128xf32, #tpu.memory_space<vmem>> -> memref<32x128xf32, #tpu.memory_space<vmem>>
        %dma_start3A_619 = arith.constant 0 : i32
        %dma_start3A_620 = tpu.memref_slice %arg2[%dma_start3A_613, %add3A_612, %dma_start3A_619] : memref<8x50000x128xf32, #tpu.memory_space<hbm>> -> memref<1x32x128xf32, #tpu.memory_space<hbm>>
        %dma_start3A_621 = tpu.memref_squeeze %dma_start3A_620 : memref<1x32x128xf32, #tpu.memory_space<hbm>> -> memref<32x128xf32, #tpu.memory_space<hbm>>
        %dma_start3A_622 = arith.constant 0 : i32
        %dma_start3A_623 = arith.constant 0 : i32
        %dma_start3A_624 = tpu.memref_slice %arg6[%dma_start3A_614, %dma_start3A_622, %dma_start3A_623] : memref<8x32x128xf32, #tpu.memory_space<vmem>> -> memref<1x32x128xf32, #tpu.memory_space<vmem>>
        %dma_start3A_625 = tpu.memref_squeeze %dma_start3A_624 : memref<1x32x128xf32, #tpu.memory_space<vmem>> -> memref<32x128xf32, #tpu.memory_space<vmem>>
        %dma_start3A_626 = arith.constant 0 : i32
        %dma_start3A_627 = tpu.memref_slice %arg2[%dma_start3A_613, %add3A_612, %dma_start3A_626] : memref<8x50000x128xf32, #tpu.memory_space<hbm>> -> memref<1x32x128xf32, #tpu.memory_space<hbm>>
        %dma_start3A_628 = tpu.memref_squeeze %dma_start3A_627 : memref<1x32x128xf32, #tpu.memory_space<hbm>> -> memref<32x128xf32, #tpu.memory_space<hbm>>
        tpu.enqueue_dma source(%dma_start3A_628 : memref<32x128xf32, #tpu.memory_space<hbm>>) target(%dma_start3A_625 : memref<32x128xf32, #tpu.memory_space<vmem>>) target_semaphore(%arg9 : memref<!tpu.dma_semaphore, #tpu.memory_space<semaphore_mem>>)
        %dma_start3A_629 = arith.constant 1 : i32
        %dma_start3A_630 = arith.constant 1 : i32
        %dma_start3A_631 = arith.constant 0 : i32
        %dma_start3A_632 = arith.constant 0 : i32
        %dma_start3A_633 = tpu.memref_slice %arg6[%dma_start3A_630, %dma_start3A_631, %dma_start3A_632] : memref<8x32x128xf32, #tpu.memory_space<vmem>> -> memref<1x32x128xf32, #tpu.memory_space<vmem>>
        %dma_start3A_634 = tpu.memref_squeeze %dma_start3A_633 : memref<1x32x128xf32, #tpu.memory_space<vmem>> -> memref<32x128xf32, #tpu.memory_space<vmem>>
        %dma_start3A_635 = arith.constant 0 : i32
        %dma_start3A_636 = tpu.memref_slice %arg2[%dma_start3A_629, %add3A_612, %dma_start3A_635] : memref<8x50000x128xf32, #tpu.memory_space<hbm>> -> memref<1x32x128xf32, #tpu.memory_space<hbm>>
        %dma_start3A_637 = tpu.memref_squeeze %dma_start3A_636 : memref<1x32x128xf32, #tpu.memory_space<hbm>> -> memref<32x128xf32, #tpu.memory_space<hbm>>
        %dma_start3A_638 = arith.constant 0 : i32
        %dma_start3A_639 = arith.constant 0 : i32
        %dma_start3A_640 = tpu.memref_slice %arg6[%dma_start3A_630, %dma_start3A_638, %dma_start3A_639] : memref<8x32x128xf32, #tpu.memory_space<vmem>> -> memref<1x32x128xf32, #tpu.memory_space<vmem>>
        %dma_start3A_641 = tpu.memref_squeeze %dma_start3A_640 : memref<1x32x128xf32, #tpu.memory_space<vmem>> -> memref<32x128xf32, #tpu.memory_space<vmem>>
        %dma_start3A_642 = arith.constant 0 : i32
        %dma_start3A_643 = tpu.memref_slice %arg2[%dma_start3A_629, %add3A_612, %dma_start3A_642] : memref<8x50000x128xf32, #tpu.memory_space<hbm>> -> memref<1x32x128xf32, #tpu.memory_space<hbm>>
        %dma_start3A_644 = tpu.memref_squeeze %dma_start3A_643 : memref<1x32x128xf32, #tpu.memory_space<hbm>> -> memref<32x128xf32, #tpu.memory_space<hbm>>
        tpu.enqueue_dma source(%dma_start3A_644 : memref<32x128xf32, #tpu.memory_space<hbm>>) target(%dma_start3A_641 : memref<32x128xf32, #tpu.memory_space<vmem>>) target_semaphore(%arg9 : memref<!tpu.dma_semaphore, #tpu.memory_space<semaphore_mem>>)
        %dma_start3A_645 = arith.constant 2 : i32
        %dma_start3A_646 = arith.constant 2 : i32
        %dma_start3A_647 = arith.constant 0 : i32
        %dma_start3A_648 = arith.constant 0 : i32
        %dma_start3A_649 = tpu.memref_slice %arg6[%dma_start3A_646, %dma_start3A_647, %dma_start3A_648] : memref<8x32x128xf32, #tpu.memory_space<vmem>> -> memref<1x32x128xf32, #tpu.memory_space<vmem>>
        %dma_start3A_650 = tpu.memref_squeeze %dma_start3A_649 : memref<1x32x128xf32, #tpu.memory_space<vmem>> -> memref<32x128xf32, #tpu.memory_space<vmem>>
        %dma_start3A_651 = arith.constant 0 : i32
        %dma_start3A_652 = tpu.memref_slice %arg2[%dma_start3A_645, %add3A_612, %dma_start3A_651] : memref<8x50000x128xf32, #tpu.memory_space<hbm>> -> memref<1x32x128xf32, #tpu.memory_space<hbm>>
        %dma_start3A_653 = tpu.memref_squeeze %dma_start3A_652 : memref<1x32x128xf32, #tpu.memory_space<hbm>> -> memref<32x128xf32, #tpu.memory_space<hbm>>
        %dma_start3A_654 = arith.constant 0 : i32
        %dma_start3A_655 = arith.constant 0 : i32
        %dma_start3A_656 = tpu.memref_slice %arg6[%dma_start3A_646, %dma_start3A_654, %dma_start3A_655] : memref<8x32x128xf32, #tpu.memory_space<vmem>> -> memref<1x32x128xf32, #tpu.memory_space<vmem>>
        %dma_start3A_657 = tpu.memref_squeeze %dma_start3A_656 : memref<1x32x128xf32, #tpu.memory_space<vmem>> -> memref<32x128xf32, #tpu.memory_space<vmem>>
        %dma_start3A_658 = arith.constant 0 : i32
        %dma_start3A_659 = tpu.memref_slice %arg2[%dma_start3A_645, %add3A_612, %dma_start3A_658] : memref<8x50000x128xf32, #tpu.memory_space<hbm>> -> memref<1x32x128xf32, #tpu.memory_space<hbm>>
        %dma_start3A_660 = tpu.memref_squeeze %dma_start3A_659 : memref<1x32x128xf32, #tpu.memory_space<hbm>> -> memref<32x128xf32, #tpu.memory_space<hbm>>
        tpu.enqueue_dma source(%dma_start3A_660 : memref<32x128xf32, #tpu.memory_space<hbm>>) target(%dma_start3A_657 : memref<32x128xf32, #tpu.memory_space<vmem>>) target_semaphore(%arg9 : memref<!tpu.dma_semaphore, #tpu.memory_space<semaphore_mem>>)
        %dma_start3A_661 = arith.constant 3 : i32
        %dma_start3A_662 = arith.constant 3 : i32
        %dma_start3A_663 = arith.constant 0 : i32
        %dma_start3A_664 = arith.constant 0 : i32
        %dma_start3A_665 = tpu.memref_slice %arg6[%dma_start3A_662, %dma_start3A_663, %dma_start3A_664] : memref<8x32x128xf32, #tpu.memory_space<vmem>> -> memref<1x32x128xf32, #tpu.memory_space<vmem>>
        %dma_start3A_666 = tpu.memref_squeeze %dma_start3A_665 : memref<1x32x128xf32, #tpu.memory_space<vmem>> -> memref<32x128xf32, #tpu.memory_space<vmem>>
        %dma_start3A_667 = arith.constant 0 : i32
        %dma_start3A_668 = tpu.memref_slice %arg2[%dma_start3A_661, %add3A_612, %dma_start3A_667] : memref<8x50000x128xf32, #tpu.memory_space<hbm>> -> memref<1x32x128xf32, #tpu.memory_space<hbm>>
        %dma_start3A_669 = tpu.memref_squeeze %dma_start3A_668 : memref<1x32x128xf32, #tpu.memory_space<hbm>> -> memref<32x128xf32, #tpu.memory_space<hbm>>
        %dma_start3A_670 = arith.constant 0 : i32
        %dma_start3A_671 = arith.constant 0 : i32
        %dma_start3A_672 = tpu.memref_slice %arg6[%dma_start3A_662, %dma_start3A_670, %dma_start3A_671] : memref<8x32x128xf32, #tpu.memory_space<vmem>> -> memref<1x32x128xf32, #tpu.memory_space<vmem>>
        %dma_start3A_673 = tpu.memref_squeeze %dma_start3A_672 : memref<1x32x128xf32, #tpu.memory_space<vmem>> -> memref<32x128xf32, #tpu.memory_space<vmem>>
        %dma_start3A_674 = arith.constant 0 : i32
        %dma_start3A_675 = tpu.memref_slice %arg2[%dma_start3A_661, %add3A_612, %dma_start3A_674] : memref<8x50000x128xf32, #tpu.memory_space<hbm>> -> memref<1x32x128xf32, #tpu.memory_space<hbm>>
        %dma_start3A_676 = tpu.memref_squeeze %dma_start3A_675 : memref<1x32x128xf32, #tpu.memory_space<hbm>> -> memref<32x128xf32, #tpu.memory_space<hbm>>
        tpu.enqueue_dma source(%dma_start3A_676 : memref<32x128xf32, #tpu.memory_space<hbm>>) target(%dma_start3A_673 : memref<32x128xf32, #tpu.memory_space<vmem>>) target_semaphore(%arg9 : memref<!tpu.dma_semaphore, #tpu.memory_space<semaphore_mem>>)
        %dma_start3A_677 = arith.constant 4 : i32
        %dma_start3A_678 = arith.constant 4 : i32
        %dma_start3A_679 = arith.constant 0 : i32
        %dma_start3A_680 = arith.constant 0 : i32
        %dma_start3A_681 = tpu.memref_slice %arg6[%dma_start3A_678, %dma_start3A_679, %dma_start3A_680] : memref<8x32x128xf32, #tpu.memory_space<vmem>> -> memref<1x32x128xf32, #tpu.memory_space<vmem>>
        %dma_start3A_682 = tpu.memref_squeeze %dma_start3A_681 : memref<1x32x128xf32, #tpu.memory_space<vmem>> -> memref<32x128xf32, #tpu.memory_space<vmem>>
        %dma_start3A_683 = arith.constant 0 : i32
        %dma_start3A_684 = tpu.memref_slice %arg2[%dma_start3A_677, %add3A_612, %dma_start3A_683] : memref<8x50000x128xf32, #tpu.memory_space<hbm>> -> memref<1x32x128xf32, #tpu.memory_space<hbm>>
        %dma_start3A_685 = tpu.memref_squeeze %dma_start3A_684 : memref<1x32x128xf32, #tpu.memory_space<hbm>> -> memref<32x128xf32, #tpu.memory_space<hbm>>
        %dma_start3A_686 = arith.constant 0 : i32
        %dma_start3A_687 = arith.constant 0 : i32
        %dma_start3A_688 = tpu.memref_slice %arg6[%dma_start3A_678, %dma_start3A_686, %dma_start3A_687] : memref<8x32x128xf32, #tpu.memory_space<vmem>> -> memref<1x32x128xf32, #tpu.memory_space<vmem>>
        %dma_start3A_689 = tpu.memref_squeeze %dma_start3A_688 : memref<1x32x128xf32, #tpu.memory_space<vmem>> -> memref<32x128xf32, #tpu.memory_space<vmem>>
        %dma_start3A_690 = arith.constant 0 : i32
        %dma_start3A_691 = tpu.memref_slice %arg2[%dma_start3A_677, %add3A_612, %dma_start3A_690] : memref<8x50000x128xf32, #tpu.memory_space<hbm>> -> memref<1x32x128xf32, #tpu.memory_space<hbm>>
        %dma_start3A_692 = tpu.memref_squeeze %dma_start3A_691 : memref<1x32x128xf32, #tpu.memory_space<hbm>> -> memref<32x128xf32, #tpu.memory_space<hbm>>
        tpu.enqueue_dma source(%dma_start3A_692 : memref<32x128xf32, #tpu.memory_space<hbm>>) target(%dma_start3A_689 : memref<32x128xf32, #tpu.memory_space<vmem>>) target_semaphore(%arg9 : memref<!tpu.dma_semaphore, #tpu.memory_space<semaphore_mem>>)
        %dma_start3A_693 = arith.constant 5 : i32
        %dma_start3A_694 = arith.constant 5 : i32
        %dma_start3A_695 = arith.constant 0 : i32
        %dma_start3A_696 = arith.constant 0 : i32
        %dma_start3A_697 = tpu.memref_slice %arg6[%dma_start3A_694, %dma_start3A_695, %dma_start3A_696] : memref<8x32x128xf32, #tpu.memory_space<vmem>> -> memref<1x32x128xf32, #tpu.memory_space<vmem>>
        %dma_start3A_698 = tpu.memref_squeeze %dma_start3A_697 : memref<1x32x128xf32, #tpu.memory_space<vmem>> -> memref<32x128xf32, #tpu.memory_space<vmem>>
        %dma_start3A_699 = arith.constant 0 : i32
        %dma_start3A_700 = tpu.memref_slice %arg2[%dma_start3A_693, %add3A_612, %dma_start3A_699] : memref<8x50000x128xf32, #tpu.memory_space<hbm>> -> memref<1x32x128xf32, #tpu.memory_space<hbm>>
        %dma_start3A_701 = tpu.memref_squeeze %dma_start3A_700 : memref<1x32x128xf32, #tpu.memory_space<hbm>> -> memref<32x128xf32, #tpu.memory_space<hbm>>
        %dma_start3A_702 = arith.constant 0 : i32
        %dma_start3A_703 = arith.constant 0 : i32
        %dma_start3A_704 = tpu.memref_slice %arg6[%dma_start3A_694, %dma_start3A_702, %dma_start3A_703] : memref<8x32x128xf32, #tpu.memory_space<vmem>> -> memref<1x32x128xf32, #tpu.memory_space<vmem>>
        %dma_start3A_705 = tpu.memref_squeeze %dma_start3A_704 : memref<1x32x128xf32, #tpu.memory_space<vmem>> -> memref<32x128xf32, #tpu.memory_space<vmem>>
        %dma_start3A_706 = arith.constant 0 : i32
        %dma_start3A_707 = tpu.memref_slice %arg2[%dma_start3A_693, %add3A_612, %dma_start3A_706] : memref<8x50000x128xf32, #tpu.memory_space<hbm>> -> memref<1x32x128xf32, #tpu.memory_space<hbm>>
        %dma_start3A_708 = tpu.memref_squeeze %dma_start3A_707 : memref<1x32x128xf32, #tpu.memory_space<hbm>> -> memref<32x128xf32, #tpu.memory_space<hbm>>
        tpu.enqueue_dma source(%dma_start3A_708 : memref<32x128xf32, #tpu.memory_space<hbm>>) target(%dma_start3A_705 : memref<32x128xf32, #tpu.memory_space<vmem>>) target_semaphore(%arg9 : memref<!tpu.dma_semaphore, #tpu.memory_space<semaphore_mem>>)
        %dma_start3A_709 = arith.constant 6 : i32
        %dma_start3A_710 = arith.constant 6 : i32
        %dma_start3A_711 = arith.constant 0 : i32
        %dma_start3A_712 = arith.constant 0 : i32
        %dma_start3A_713 = tpu.memref_slice %arg6[%dma_start3A_710, %dma_start3A_711, %dma_start3A_712] : memref<8x32x128xf32, #tpu.memory_space<vmem>> -> memref<1x32x128xf32, #tpu.memory_space<vmem>>
        %dma_start3A_714 = tpu.memref_squeeze %dma_start3A_713 : memref<1x32x128xf32, #tpu.memory_space<vmem>> -> memref<32x128xf32, #tpu.memory_space<vmem>>
        %dma_start3A_715 = arith.constant 0 : i32
        %dma_start3A_716 = tpu.memref_slice %arg2[%dma_start3A_709, %add3A_612, %dma_start3A_715] : memref<8x50000x128xf32, #tpu.memory_space<hbm>> -> memref<1x32x128xf32, #tpu.memory_space<hbm>>
        %dma_start3A_717 = tpu.memref_squeeze %dma_start3A_716 : memref<1x32x128xf32, #tpu.memory_space<hbm>> -> memref<32x128xf32, #tpu.memory_space<hbm>>
        %dma_start3A_718 = arith.constant 0 : i32
        %dma_start3A_719 = arith.constant 0 : i32
        %dma_start3A_720 = tpu.memref_slice %arg6[%dma_start3A_710, %dma_start3A_718, %dma_start3A_719] : memref<8x32x128xf32, #tpu.memory_space<vmem>> -> memref<1x32x128xf32, #tpu.memory_space<vmem>>
        %dma_start3A_721 = tpu.memref_squeeze %dma_start3A_720 : memref<1x32x128xf32, #tpu.memory_space<vmem>> -> memref<32x128xf32, #tpu.memory_space<vmem>>
        %dma_start3A_722 = arith.constant 0 : i32
        %dma_start3A_723 = tpu.memref_slice %arg2[%dma_start3A_709, %add3A_612, %dma_start3A_722] : memref<8x50000x128xf32, #tpu.memory_space<hbm>> -> memref<1x32x128xf32, #tpu.memory_space<hbm>>
        %dma_start3A_724 = tpu.memref_squeeze %dma_start3A_723 : memref<1x32x128xf32, #tpu.memory_space<hbm>> -> memref<32x128xf32, #tpu.memory_space<hbm>>
        tpu.enqueue_dma source(%dma_start3A_724 : memref<32x128xf32, #tpu.memory_space<hbm>>) target(%dma_start3A_721 : memref<32x128xf32, #tpu.memory_space<vmem>>) target_semaphore(%arg9 : memref<!tpu.dma_semaphore, #tpu.memory_space<semaphore_mem>>)
        %dma_start3A_725 = arith.constant 7 : i32
        %dma_start3A_726 = arith.constant 7 : i32
        %dma_start3A_727 = arith.constant 0 : i32
        %dma_start3A_728 = arith.constant 0 : i32
        %dma_start3A_729 = tpu.memref_slice %arg6[%dma_start3A_726, %dma_start3A_727, %dma_start3A_728] : memref<8x32x128xf32, #tpu.memory_space<vmem>> -> memref<1x32x128xf32, #tpu.memory_space<vmem>>
        %dma_start3A_730 = tpu.memref_squeeze %dma_start3A_729 : memref<1x32x128xf32, #tpu.memory_space<vmem>> -> memref<32x128xf32, #tpu.memory_space<vmem>>
        %dma_start3A_731 = arith.constant 0 : i32
        %dma_start3A_732 = tpu.memref_slice %arg2[%dma_start3A_725, %add3A_612, %dma_start3A_731] : memref<8x50000x128xf32, #tpu.memory_space<hbm>> -> memref<1x32x128xf32, #tpu.memory_space<hbm>>
        %dma_start3A_733 = tpu.memref_squeeze %dma_start3A_732 : memref<1x32x128xf32, #tpu.memory_space<hbm>> -> memref<32x128xf32, #tpu.memory_space<hbm>>
        %dma_start3A_734 = arith.constant 0 : i32
        %dma_start3A_735 = arith.constant 0 : i32
        %dma_start3A_736 = tpu.memref_slice %arg6[%dma_start3A_726, %dma_start3A_734, %dma_start3A_735] : memref<8x32x128xf32, #tpu.memory_space<vmem>> -> memref<1x32x128xf32, #tpu.memory_space<vmem>>
        %dma_start3A_737 = tpu.memref_squeeze %dma_start3A_736 : memref<1x32x128xf32, #tpu.memory_space<vmem>> -> memref<32x128xf32, #tpu.memory_space<vmem>>
        %dma_start3A_738 = arith.constant 0 : i32
        %dma_start3A_739 = tpu.memref_slice %arg2[%dma_start3A_725, %add3A_612, %dma_start3A_738] : memref<8x50000x128xf32, #tpu.memory_space<hbm>> -> memref<1x32x128xf32, #tpu.memory_space<hbm>>
        %dma_start3A_740 = tpu.memref_squeeze %dma_start3A_739 : memref<1x32x128xf32, #tpu.memory_space<hbm>> -> memref<32x128xf32, #tpu.memory_space<hbm>>
        tpu.enqueue_dma source(%dma_start3A_740 : memref<32x128xf32, #tpu.memory_space<hbm>>) target(%dma_start3A_737 : memref<32x128xf32, #tpu.memory_space<vmem>>) target_semaphore(%arg9 : memref<!tpu.dma_semaphore, #tpu.memory_space<semaphore_mem>>)
      } else {
      }
      %add3A_462 = arith.constant 1 : i32
      %add3A_463 = arith.addi %mul3A_184, %add3A_462 : i32
      %mul3A_464 = arith.constant 32 : i32
      %mul3A_465 = arith.muli %add3A_463, %mul3A_464 : i32
      %add3A_466 = arith.addi %add3A_4, %mul3A_465 : i32
      %dma_wait3A_467 = arith.constant 0 : i32
      %dma_wait3A_468 = arith.constant 0 : i32
      %dma_wait3A_469 = arith.constant 0 : i32
      %dma_wait3A_470 = arith.constant 0 : i32
      %dma_wait3A_471 = tpu.memref_slice %arg7[%dma_wait3A_468, %dma_wait3A_469, %dma_wait3A_470] : memref<8x32x128xf32, #tpu.memory_space<vmem>> -> memref<1x32x128xf32, #tpu.memory_space<vmem>>
      %dma_wait3A_472 = tpu.memref_squeeze %dma_wait3A_471 : memref<1x32x128xf32, #tpu.memory_space<vmem>> -> memref<32x128xf32, #tpu.memory_space<vmem>>
      %dma_wait3A_473 = arith.constant 0 : i32
      %dma_wait3A_474 = tpu.memref_slice %arg2[%dma_wait3A_467, %add3A_466, %dma_wait3A_473] : memref<8x50000x128xf32, #tpu.memory_space<hbm>> -> memref<1x32x128xf32, #tpu.memory_space<hbm>>
      %dma_wait3A_475 = tpu.memref_squeeze %dma_wait3A_474 : memref<1x32x128xf32, #tpu.memory_space<hbm>> -> memref<32x128xf32, #tpu.memory_space<hbm>>
      %dma_wait3A_476 = arith.constant 0 : i32
      %dma_wait3A_477 = arith.constant 0 : i32
      %dma_wait3A_478 = tpu.memref_slice %arg7[%dma_wait3A_468, %dma_wait3A_476, %dma_wait3A_477] : memref<8x32x128xf32, #tpu.memory_space<vmem>> -> memref<1x32x128xf32, #tpu.memory_space<vmem>>
      %dma_wait3A_479 = tpu.memref_squeeze %dma_wait3A_478 : memref<1x32x128xf32, #tpu.memory_space<vmem>> -> memref<32x128xf32, #tpu.memory_space<vmem>>
      %dma_wait3A_480 = arith.constant 0 : i32
      %dma_wait3A_481 = tpu.memref_slice %arg2[%dma_wait3A_467, %add3A_466, %dma_wait3A_480] : memref<8x50000x128xf32, #tpu.memory_space<hbm>> -> memref<1x32x128xf32, #tpu.memory_space<hbm>>
      %dma_wait3A_482 = tpu.memref_squeeze %dma_wait3A_481 : memref<1x32x128xf32, #tpu.memory_space<hbm>> -> memref<32x128xf32, #tpu.memory_space<hbm>>
      tpu.wait_dma2 semaphore(%arg10 : memref<!tpu.dma_semaphore, #tpu.memory_space<semaphore_mem>>) src(%dma_wait3A_482 : memref<32x128xf32, #tpu.memory_space<hbm>>) dst(%dma_wait3A_479 : memref<32x128xf32, #tpu.memory_space<vmem>>)
      %dma_wait3A_483 = arith.constant 1 : i32
      %dma_wait3A_484 = arith.constant 1 : i32
      %dma_wait3A_485 = arith.constant 0 : i32
      %dma_wait3A_486 = arith.constant 0 : i32
      %dma_wait3A_487 = tpu.memref_slice %arg7[%dma_wait3A_484, %dma_wait3A_485, %dma_wait3A_486] : memref<8x32x128xf32, #tpu.memory_space<vmem>> -> memref<1x32x128xf32, #tpu.memory_space<vmem>>
      %dma_wait3A_488 = tpu.memref_squeeze %dma_wait3A_487 : memref<1x32x128xf32, #tpu.memory_space<vmem>> -> memref<32x128xf32, #tpu.memory_space<vmem>>
      %dma_wait3A_489 = arith.constant 0 : i32
      %dma_wait3A_490 = tpu.memref_slice %arg2[%dma_wait3A_483, %add3A_466, %dma_wait3A_489] : memref<8x50000x128xf32, #tpu.memory_space<hbm>> -> memref<1x32x128xf32, #tpu.memory_space<hbm>>
      %dma_wait3A_491 = tpu.memref_squeeze %dma_wait3A_490 : memref<1x32x128xf32, #tpu.memory_space<hbm>> -> memref<32x128xf32, #tpu.memory_space<hbm>>
      %dma_wait3A_492 = arith.constant 0 : i32
      %dma_wait3A_493 = arith.constant 0 : i32
      %dma_wait3A_494 = tpu.memref_slice %arg7[%dma_wait3A_484, %dma_wait3A_492, %dma_wait3A_493] : memref<8x32x128xf32, #tpu.memory_space<vmem>> -> memref<1x32x128xf32, #tpu.memory_space<vmem>>
      %dma_wait3A_495 = tpu.memref_squeeze %dma_wait3A_494 : memref<1x32x128xf32, #tpu.memory_space<vmem>> -> memref<32x128xf32, #tpu.memory_space<vmem>>
      %dma_wait3A_496 = arith.constant 0 : i32
      %dma_wait3A_497 = tpu.memref_slice %arg2[%dma_wait3A_483, %add3A_466, %dma_wait3A_496] : memref<8x50000x128xf32, #tpu.memory_space<hbm>> -> memref<1x32x128xf32, #tpu.memory_space<hbm>>
      %dma_wait3A_498 = tpu.memref_squeeze %dma_wait3A_497 : memref<1x32x128xf32, #tpu.memory_space<hbm>> -> memref<32x128xf32, #tpu.memory_space<hbm>>
      tpu.wait_dma2 semaphore(%arg10 : memref<!tpu.dma_semaphore, #tpu.memory_space<semaphore_mem>>) src(%dma_wait3A_498 : memref<32x128xf32, #tpu.memory_space<hbm>>) dst(%dma_wait3A_495 : memref<32x128xf32, #tpu.memory_space<vmem>>)
      %dma_wait3A_499 = arith.constant 2 : i32
      %dma_wait3A_500 = arith.constant 2 : i32
      %dma_wait3A_501 = arith.constant 0 : i32
      %dma_wait3A_502 = arith.constant 0 : i32
      %dma_wait3A_503 = tpu.memref_slice %arg7[%dma_wait3A_500, %dma_wait3A_501, %dma_wait3A_502] : memref<8x32x128xf32, #tpu.memory_space<vmem>> -> memref<1x32x128xf32, #tpu.memory_space<vmem>>
      %dma_wait3A_504 = tpu.memref_squeeze %dma_wait3A_503 : memref<1x32x128xf32, #tpu.memory_space<vmem>> -> memref<32x128xf32, #tpu.memory_space<vmem>>
      %dma_wait3A_505 = arith.constant 0 : i32
      %dma_wait3A_506 = tpu.memref_slice %arg2[%dma_wait3A_499, %add3A_466, %dma_wait3A_505] : memref<8x50000x128xf32, #tpu.memory_space<hbm>> -> memref<1x32x128xf32, #tpu.memory_space<hbm>>
      %dma_wait3A_507 = tpu.memref_squeeze %dma_wait3A_506 : memref<1x32x128xf32, #tpu.memory_space<hbm>> -> memref<32x128xf32, #tpu.memory_space<hbm>>
      %dma_wait3A_508 = arith.constant 0 : i32
      %dma_wait3A_509 = arith.constant 0 : i32
      %dma_wait3A_510 = tpu.memref_slice %arg7[%dma_wait3A_500, %dma_wait3A_508, %dma_wait3A_509] : memref<8x32x128xf32, #tpu.memory_space<vmem>> -> memref<1x32x128xf32, #tpu.memory_space<vmem>>
      %dma_wait3A_511 = tpu.memref_squeeze %dma_wait3A_510 : memref<1x32x128xf32, #tpu.memory_space<vmem>> -> memref<32x128xf32, #tpu.memory_space<vmem>>
      %dma_wait3A_512 = arith.constant 0 : i32
      %dma_wait3A_513 = tpu.memref_slice %arg2[%dma_wait3A_499, %add3A_466, %dma_wait3A_512] : memref<8x50000x128xf32, #tpu.memory_space<hbm>> -> memref<1x32x128xf32, #tpu.memory_space<hbm>>
      %dma_wait3A_514 = tpu.memref_squeeze %dma_wait3A_513 : memref<1x32x128xf32, #tpu.memory_space<hbm>> -> memref<32x128xf32, #tpu.memory_space<hbm>>
      tpu.wait_dma2 semaphore(%arg10 : memref<!tpu.dma_semaphore, #tpu.memory_space<semaphore_mem>>) src(%dma_wait3A_514 : memref<32x128xf32, #tpu.memory_space<hbm>>) dst(%dma_wait3A_511 : memref<32x128xf32, #tpu.memory_space<vmem>>)
      %dma_wait3A_515 = arith.constant 3 : i32
      %dma_wait3A_516 = arith.constant 3 : i32
      %dma_wait3A_517 = arith.constant 0 : i32
      %dma_wait3A_518 = arith.constant 0 : i32
      %dma_wait3A_519 = tpu.memref_slice %arg7[%dma_wait3A_516, %dma_wait3A_517, %dma_wait3A_518] : memref<8x32x128xf32, #tpu.memory_space<vmem>> -> memref<1x32x128xf32, #tpu.memory_space<vmem>>
      %dma_wait3A_520 = tpu.memref_squeeze %dma_wait3A_519 : memref<1x32x128xf32, #tpu.memory_space<vmem>> -> memref<32x128xf32, #tpu.memory_space<vmem>>
      %dma_wait3A_521 = arith.constant 0 : i32
      %dma_wait3A_522 = tpu.memref_slice %arg2[%dma_wait3A_515, %add3A_466, %dma_wait3A_521] : memref<8x50000x128xf32, #tpu.memory_space<hbm>> -> memref<1x32x128xf32, #tpu.memory_space<hbm>>
      %dma_wait3A_523 = tpu.memref_squeeze %dma_wait3A_522 : memref<1x32x128xf32, #tpu.memory_space<hbm>> -> memref<32x128xf32, #tpu.memory_space<hbm>>
      %dma_wait3A_524 = arith.constant 0 : i32
      %dma_wait3A_525 = arith.constant 0 : i32
      %dma_wait3A_526 = tpu.memref_slice %arg7[%dma_wait3A_516, %dma_wait3A_524, %dma_wait3A_525] : memref<8x32x128xf32, #tpu.memory_space<vmem>> -> memref<1x32x128xf32, #tpu.memory_space<vmem>>
      %dma_wait3A_527 = tpu.memref_squeeze %dma_wait3A_526 : memref<1x32x128xf32, #tpu.memory_space<vmem>> -> memref<32x128xf32, #tpu.memory_space<vmem>>
      %dma_wait3A_528 = arith.constant 0 : i32
      %dma_wait3A_529 = tpu.memref_slice %arg2[%dma_wait3A_515, %add3A_466, %dma_wait3A_528] : memref<8x50000x128xf32, #tpu.memory_space<hbm>> -> memref<1x32x128xf32, #tpu.memory_space<hbm>>
      %dma_wait3A_530 = tpu.memref_squeeze %dma_wait3A_529 : memref<1x32x128xf32, #tpu.memory_space<hbm>> -> memref<32x128xf32, #tpu.memory_space<hbm>>
      tpu.wait_dma2 semaphore(%arg10 : memref<!tpu.dma_semaphore, #tpu.memory_space<semaphore_mem>>) src(%dma_wait3A_530 : memref<32x128xf32, #tpu.memory_space<hbm>>) dst(%dma_wait3A_527 : memref<32x128xf32, #tpu.memory_space<vmem>>)
      %dma_wait3A_531 = arith.constant 4 : i32
      %dma_wait3A_532 = arith.constant 4 : i32
      %dma_wait3A_533 = arith.constant 0 : i32
      %dma_wait3A_534 = arith.constant 0 : i32
      %dma_wait3A_535 = tpu.memref_slice %arg7[%dma_wait3A_532, %dma_wait3A_533, %dma_wait3A_534] : memref<8x32x128xf32, #tpu.memory_space<vmem>> -> memref<1x32x128xf32, #tpu.memory_space<vmem>>
      %dma_wait3A_536 = tpu.memref_squeeze %dma_wait3A_535 : memref<1x32x128xf32, #tpu.memory_space<vmem>> -> memref<32x128xf32, #tpu.memory_space<vmem>>
      %dma_wait3A_537 = arith.constant 0 : i32
      %dma_wait3A_538 = tpu.memref_slice %arg2[%dma_wait3A_531, %add3A_466, %dma_wait3A_537] : memref<8x50000x128xf32, #tpu.memory_space<hbm>> -> memref<1x32x128xf32, #tpu.memory_space<hbm>>
      %dma_wait3A_539 = tpu.memref_squeeze %dma_wait3A_538 : memref<1x32x128xf32, #tpu.memory_space<hbm>> -> memref<32x128xf32, #tpu.memory_space<hbm>>
      %dma_wait3A_540 = arith.constant 0 : i32
      %dma_wait3A_541 = arith.constant 0 : i32
      %dma_wait3A_542 = tpu.memref_slice %arg7[%dma_wait3A_532, %dma_wait3A_540, %dma_wait3A_541] : memref<8x32x128xf32, #tpu.memory_space<vmem>> -> memref<1x32x128xf32, #tpu.memory_space<vmem>>
      %dma_wait3A_543 = tpu.memref_squeeze %dma_wait3A_542 : memref<1x32x128xf32, #tpu.memory_space<vmem>> -> memref<32x128xf32, #tpu.memory_space<vmem>>
      %dma_wait3A_544 = arith.constant 0 : i32
      %dma_wait3A_545 = tpu.memref_slice %arg2[%dma_wait3A_531, %add3A_466, %dma_wait3A_544] : memref<8x50000x128xf32, #tpu.memory_space<hbm>> -> memref<1x32x128xf32, #tpu.memory_space<hbm>>
      %dma_wait3A_546 = tpu.memref_squeeze %dma_wait3A_545 : memref<1x32x128xf32, #tpu.memory_space<hbm>> -> memref<32x128xf32, #tpu.memory_space<hbm>>
      tpu.wait_dma2 semaphore(%arg10 : memref<!tpu.dma_semaphore, #tpu.memory_space<semaphore_mem>>) src(%dma_wait3A_546 : memref<32x128xf32, #tpu.memory_space<hbm>>) dst(%dma_wait3A_543 : memref<32x128xf32, #tpu.memory_space<vmem>>)
      %dma_wait3A_547 = arith.constant 5 : i32
      %dma_wait3A_548 = arith.constant 5 : i32
      %dma_wait3A_549 = arith.constant 0 : i32
      %dma_wait3A_550 = arith.constant 0 : i32
      %dma_wait3A_551 = tpu.memref_slice %arg7[%dma_wait3A_548, %dma_wait3A_549, %dma_wait3A_550] : memref<8x32x128xf32, #tpu.memory_space<vmem>> -> memref<1x32x128xf32, #tpu.memory_space<vmem>>
      %dma_wait3A_552 = tpu.memref_squeeze %dma_wait3A_551 : memref<1x32x128xf32, #tpu.memory_space<vmem>> -> memref<32x128xf32, #tpu.memory_space<vmem>>
      %dma_wait3A_553 = arith.constant 0 : i32
      %dma_wait3A_554 = tpu.memref_slice %arg2[%dma_wait3A_547, %add3A_466, %dma_wait3A_553] : memref<8x50000x128xf32, #tpu.memory_space<hbm>> -> memref<1x32x128xf32, #tpu.memory_space<hbm>>
      %dma_wait3A_555 = tpu.memref_squeeze %dma_wait3A_554 : memref<1x32x128xf32, #tpu.memory_space<hbm>> -> memref<32x128xf32, #tpu.memory_space<hbm>>
      %dma_wait3A_556 = arith.constant 0 : i32
      %dma_wait3A_557 = arith.constant 0 : i32
      %dma_wait3A_558 = tpu.memref_slice %arg7[%dma_wait3A_548, %dma_wait3A_556, %dma_wait3A_557] : memref<8x32x128xf32, #tpu.memory_space<vmem>> -> memref<1x32x128xf32, #tpu.memory_space<vmem>>
      %dma_wait3A_559 = tpu.memref_squeeze %dma_wait3A_558 : memref<1x32x128xf32, #tpu.memory_space<vmem>> -> memref<32x128xf32, #tpu.memory_space<vmem>>
      %dma_wait3A_560 = arith.constant 0 : i32
      %dma_wait3A_561 = tpu.memref_slice %arg2[%dma_wait3A_547, %add3A_466, %dma_wait3A_560] : memref<8x50000x128xf32, #tpu.memory_space<hbm>> -> memref<1x32x128xf32, #tpu.memory_space<hbm>>
      %dma_wait3A_562 = tpu.memref_squeeze %dma_wait3A_561 : memref<1x32x128xf32, #tpu.memory_space<hbm>> -> memref<32x128xf32, #tpu.memory_space<hbm>>
      tpu.wait_dma2 semaphore(%arg10 : memref<!tpu.dma_semaphore, #tpu.memory_space<semaphore_mem>>) src(%dma_wait3A_562 : memref<32x128xf32, #tpu.memory_space<hbm>>) dst(%dma_wait3A_559 : memref<32x128xf32, #tpu.memory_space<vmem>>)
      %dma_wait3A_563 = arith.constant 6 : i32
      %dma_wait3A_564 = arith.constant 6 : i32
      %dma_wait3A_565 = arith.constant 0 : i32
      %dma_wait3A_566 = arith.constant 0 : i32
      %dma_wait3A_567 = tpu.memref_slice %arg7[%dma_wait3A_564, %dma_wait3A_565, %dma_wait3A_566] : memref<8x32x128xf32, #tpu.memory_space<vmem>> -> memref<1x32x128xf32, #tpu.memory_space<vmem>>
      %dma_wait3A_568 = tpu.memref_squeeze %dma_wait3A_567 : memref<1x32x128xf32, #tpu.memory_space<vmem>> -> memref<32x128xf32, #tpu.memory_space<vmem>>
      %dma_wait3A_569 = arith.constant 0 : i32
      %dma_wait3A_570 = tpu.memref_slice %arg2[%dma_wait3A_563, %add3A_466, %dma_wait3A_569] : memref<8x50000x128xf32, #tpu.memory_space<hbm>> -> memref<1x32x128xf32, #tpu.memory_space<hbm>>
      %dma_wait3A_571 = tpu.memref_squeeze %dma_wait3A_570 : memref<1x32x128xf32, #tpu.memory_space<hbm>> -> memref<32x128xf32, #tpu.memory_space<hbm>>
      %dma_wait3A_572 = arith.constant 0 : i32
      %dma_wait3A_573 = arith.constant 0 : i32
      %dma_wait3A_574 = tpu.memref_slice %arg7[%dma_wait3A_564, %dma_wait3A_572, %dma_wait3A_573] : memref<8x32x128xf32, #tpu.memory_space<vmem>> -> memref<1x32x128xf32, #tpu.memory_space<vmem>>
      %dma_wait3A_575 = tpu.memref_squeeze %dma_wait3A_574 : memref<1x32x128xf32, #tpu.memory_space<vmem>> -> memref<32x128xf32, #tpu.memory_space<vmem>>
      %dma_wait3A_576 = arith.constant 0 : i32
      %dma_wait3A_577 = tpu.memref_slice %arg2[%dma_wait3A_563, %add3A_466, %dma_wait3A_576] : memref<8x50000x128xf32, #tpu.memory_space<hbm>> -> memref<1x32x128xf32, #tpu.memory_space<hbm>>
      %dma_wait3A_578 = tpu.memref_squeeze %dma_wait3A_577 : memref<1x32x128xf32, #tpu.memory_space<hbm>> -> memref<32x128xf32, #tpu.memory_space<hbm>>
      tpu.wait_dma2 semaphore(%arg10 : memref<!tpu.dma_semaphore, #tpu.memory_space<semaphore_mem>>) src(%dma_wait3A_578 : memref<32x128xf32, #tpu.memory_space<hbm>>) dst(%dma_wait3A_575 : memref<32x128xf32, #tpu.memory_space<vmem>>)
      %dma_wait3A_579 = arith.constant 7 : i32
      %dma_wait3A_580 = arith.constant 7 : i32
      %dma_wait3A_581 = arith.constant 0 : i32
      %dma_wait3A_582 = arith.constant 0 : i32
      %dma_wait3A_583 = tpu.memref_slice %arg7[%dma_wait3A_580, %dma_wait3A_581, %dma_wait3A_582] : memref<8x32x128xf32, #tpu.memory_space<vmem>> -> memref<1x32x128xf32, #tpu.memory_space<vmem>>
      %dma_wait3A_584 = tpu.memref_squeeze %dma_wait3A_583 : memref<1x32x128xf32, #tpu.memory_space<vmem>> -> memref<32x128xf32, #tpu.memory_space<vmem>>
      %dma_wait3A_585 = arith.constant 0 : i32
      %dma_wait3A_586 = tpu.memref_slice %arg2[%dma_wait3A_579, %add3A_466, %dma_wait3A_585] : memref<8x50000x128xf32, #tpu.memory_space<hbm>> -> memref<1x32x128xf32, #tpu.memory_space<hbm>>
      %dma_wait3A_587 = tpu.memref_squeeze %dma_wait3A_586 : memref<1x32x128xf32, #tpu.memory_space<hbm>> -> memref<32x128xf32, #tpu.memory_space<hbm>>
      %dma_wait3A_588 = arith.constant 0 : i32
      %dma_wait3A_589 = arith.constant 0 : i32
      %dma_wait3A_590 = tpu.memref_slice %arg7[%dma_wait3A_580, %dma_wait3A_588, %dma_wait3A_589] : memref<8x32x128xf32, #tpu.memory_space<vmem>> -> memref<1x32x128xf32, #tpu.memory_space<vmem>>
      %dma_wait3A_591 = tpu.memref_squeeze %dma_wait3A_590 : memref<1x32x128xf32, #tpu.memory_space<vmem>> -> memref<32x128xf32, #tpu.memory_space<vmem>>
      %dma_wait3A_592 = arith.constant 0 : i32
      %dma_wait3A_593 = tpu.memref_slice %arg2[%dma_wait3A_579, %add3A_466, %dma_wait3A_592] : memref<8x50000x128xf32, #tpu.memory_space<hbm>> -> memref<1x32x128xf32, #tpu.memory_space<hbm>>
      %dma_wait3A_594 = tpu.memref_squeeze %dma_wait3A_593 : memref<1x32x128xf32, #tpu.memory_space<hbm>> -> memref<32x128xf32, #tpu.memory_space<hbm>>
      tpu.wait_dma2 semaphore(%arg10 : memref<!tpu.dma_semaphore, #tpu.memory_space<semaphore_mem>>) src(%dma_wait3A_594 : memref<32x128xf32, #tpu.memory_space<hbm>>) dst(%dma_wait3A_591 : memref<32x128xf32, #tpu.memory_space<vmem>>)
      %add3A_595 = arith.constant 1 : i32
      %add3A_596 = arith.addi %mul3A_184, %add3A_595 : i32
      %scan3A_597 = arith.constant 0 : i32
      %scan3A_598 = arith.constant 0 : i32
      %scan3A_599 = arith.constant 32 : i32
      %scan3A_600 = arith.addi %scan3A_598, %scan3A_599 : i32
      %scan3A_601 = arith.constant 1 : i32
      %scan3A_602 = scf.for %scan3A_608 = %scan3A_598 to %scan3A_600 step %scan3A_601 iter_args(%scan3A_609 = %scan3A_597) -> (i32)  : i32 {
        %get3A_610 = arith.constant 0 : i32
        %get3A_611 = arith.index_cast %get3A_610 : i32 to index
        %get3A_612 = arith.index_cast %scan3A_608 : i32 to index
        %get3A_613 = arith.constant 0 : index
        %get3A_614 = tpu.vector_load %arg7[%get3A_611, %get3A_612, %get3A_613] {strides = array<i32>} : memref<8x32x128xf32, #tpu.memory_space<vmem>>, vector<1x1x16xf32>,
        %get3A_615 = vector.shape_cast %get3A_614 : vector<1x1x16xf32> to vector<16xf32>
        %mul3A_616 = arith.mulf %get3A_10, %get3A_615 : vector<16xf32>
        %get3A_617 = arith.constant 1 : i32
        %get3A_618 = arith.index_cast %get3A_617 : i32 to index
        %get3A_619 = arith.index_cast %scan3A_608 : i32 to index
        %get3A_620 = arith.constant 0 : index
        %get3A_621 = tpu.vector_load %arg7[%get3A_618, %get3A_619, %get3A_620] {strides = array<i32>} : memref<8x32x128xf32, #tpu.memory_space<vmem>>, vector<1x1x16xf32>,
        %get3A_622 = vector.shape_cast %get3A_621 : vector<1x1x16xf32> to vector<16xf32>
        %mul3A_623 = arith.mulf %get3A_15, %get3A_622 : vector<16xf32>
        %add3A_624 = arith.addf %mul3A_616, %mul3A_623 : vector<16xf32>
        %get3A_625 = arith.constant 2 : i32
        %get3A_626 = arith.index_cast %get3A_625 : i32 to index
        %get3A_627 = arith.index_cast %scan3A_608 : i32 to index
        %get3A_628 = arith.constant 0 : index
        %get3A_629 = tpu.vector_load %arg7[%get3A_626, %get3A_627, %get3A_628] {strides = array<i32>} : memref<8x32x128xf32, #tpu.memory_space<vmem>>, vector<1x1x16xf32>,
        %get3A_630 = vector.shape_cast %get3A_629 : vector<1x1x16xf32> to vector<16xf32>
        %mul3A_631 = arith.mulf %get3A_20, %get3A_630 : vector<16xf32>
        %add3A_632 = arith.addf %add3A_624, %mul3A_631 : vector<16xf32>
        %get3A_633 = arith.constant 3 : i32
        %get3A_634 = arith.index_cast %get3A_633 : i32 to index
        %get3A_635 = arith.index_cast %scan3A_608 : i32 to index
        %get3A_636 = arith.constant 0 : index
        %get3A_637 = tpu.vector_load %arg7[%get3A_634, %get3A_635, %get3A_636] {strides = array<i32>} : memref<8x32x128xf32, #tpu.memory_space<vmem>>, vector<1x1x16xf32>,
        %get3A_638 = vector.shape_cast %get3A_637 : vector<1x1x16xf32> to vector<16xf32>
        %mul3A_639 = arith.mulf %get3A_25, %get3A_638 : vector<16xf32>
        %add3A_640 = arith.addf %add3A_632, %mul3A_639 : vector<16xf32>
        %get3A_641 = arith.constant 4 : i32
        %get3A_642 = arith.index_cast %get3A_641 : i32 to index
        %get3A_643 = arith.index_cast %scan3A_608 : i32 to index
        %get3A_644 = arith.constant 0 : index
        %get3A_645 = tpu.vector_load %arg7[%get3A_642, %get3A_643, %get3A_644] {strides = array<i32>} : memref<8x32x128xf32, #tpu.memory_space<vmem>>, vector<1x1x16xf32>,
        %get3A_646 = vector.shape_cast %get3A_645 : vector<1x1x16xf32> to vector<16xf32>
        %mul3A_647 = arith.mulf %get3A_30, %get3A_646 : vector<16xf32>
        %add3A_648 = arith.addf %add3A_640, %mul3A_647 : vector<16xf32>
        %get3A_649 = arith.constant 5 : i32
        %get3A_650 = arith.index_cast %get3A_649 : i32 to index
        %get3A_651 = arith.index_cast %scan3A_608 : i32 to index
        %get3A_652 = arith.constant 0 : index
        %get3A_653 = tpu.vector_load %arg7[%get3A_650, %get3A_651, %get3A_652] {strides = array<i32>} : memref<8x32x128xf32, #tpu.memory_space<vmem>>, vector<1x1x16xf32>,
        %get3A_654 = vector.shape_cast %get3A_653 : vector<1x1x16xf32> to vector<16xf32>
        %mul3A_655 = arith.mulf %get3A_35, %get3A_654 : vector<16xf32>
        %add3A_656 = arith.addf %add3A_648, %mul3A_655 : vector<16xf32>
        %get3A_657 = arith.constant 6 : i32
        %get3A_658 = arith.index_cast %get3A_657 : i32 to index
        %get3A_659 = arith.index_cast %scan3A_608 : i32 to index
        %get3A_660 = arith.constant 0 : index
        %get3A_661 = tpu.vector_load %arg7[%get3A_658, %get3A_659, %get3A_660] {strides = array<i32>} : memref<8x32x128xf32, #tpu.memory_space<vmem>>, vector<1x1x16xf32>,
        %get3A_662 = vector.shape_cast %get3A_661 : vector<1x1x16xf32> to vector<16xf32>
        %mul3A_663 = arith.mulf %get3A_40, %get3A_662 : vector<16xf32>
        %add3A_664 = arith.addf %add3A_656, %mul3A_663 : vector<16xf32>
        %get3A_665 = arith.constant 7 : i32
        %get3A_666 = arith.index_cast %get3A_665 : i32 to index
        %get3A_667 = arith.index_cast %scan3A_608 : i32 to index
        %get3A_668 = arith.constant 0 : index
        %get3A_669 = tpu.vector_load %arg7[%get3A_666, %get3A_667, %get3A_668] {strides = array<i32>} : memref<8x32x128xf32, #tpu.memory_space<vmem>>, vector<1x1x16xf32>,
        %get3A_670 = vector.shape_cast %get3A_669 : vector<1x1x16xf32> to vector<16xf32>
        %mul3A_671 = arith.mulf %get3A_45, %get3A_670 : vector<16xf32>
        %add3A_672 = arith.addf %add3A_664, %mul3A_671 : vector<16xf32>
        %swap3A = arith.index_cast %scan3A_608 : i32 to index
        %swap3A_673 = arith.constant 0 : index
        %swap3A_674 = tpu.vector_load %arg8[%swap3A, %swap3A_673] {strides = array<i32>} : memref<32x128xf32, #tpu.memory_space<vmem>>, vector<1x16xf32>,
        %swap3A_675 = vector.shape_cast %swap3A_674 : vector<1x16xf32> to vector<16xf32>
        %swap3A_676 = vector.shape_cast %add3A_672 : vector<16xf32> to vector<1x16xf32>
        tpu.vector_store %arg8[%swap3A, %swap3A_673], %swap3A_676 {strides = array<i32>} : memref<32x128xf32, #tpu.memory_space<vmem>>, vector<1x16xf32>,
        %get3A_677 = arith.constant 0 : i32
        %get3A_678 = arith.index_cast %get3A_677 : i32 to index
        %get3A_679 = arith.index_cast %scan3A_608 : i32 to index
        %get3A_680 = arith.constant 16 : index
        %get3A_681 = tpu.vector_load %arg7[%get3A_678, %get3A_679, %get3A_680] {strides = array<i32>} : memref<8x32x128xf32, #tpu.memory_space<vmem>>, vector<1x1x16xf32>,
        %get3A_682 = vector.shape_cast %get3A_681 : vector<1x1x16xf32> to vector<16xf32>
        %mul3A_683 = arith.mulf %get3A_10, %get3A_682 : vector<16xf32>
        %get3A_684 = arith.constant 1 : i32
        %get3A_685 = arith.index_cast %get3A_684 : i32 to index
        %get3A_686 = arith.index_cast %scan3A_608 : i32 to index
        %get3A_687 = arith.constant 16 : index
        %get3A_688 = tpu.vector_load %arg7[%get3A_685, %get3A_686, %get3A_687] {strides = array<i32>} : memref<8x32x128xf32, #tpu.memory_space<vmem>>, vector<1x1x16xf32>,
        %get3A_689 = vector.shape_cast %get3A_688 : vector<1x1x16xf32> to vector<16xf32>
        %mul3A_690 = arith.mulf %get3A_15, %get3A_689 : vector<16xf32>
        %add3A_691 = arith.addf %mul3A_683, %mul3A_690 : vector<16xf32>
        %get3A_692 = arith.constant 2 : i32
        %get3A_693 = arith.index_cast %get3A_692 : i32 to index
        %get3A_694 = arith.index_cast %scan3A_608 : i32 to index
        %get3A_695 = arith.constant 16 : index
        %get3A_696 = tpu.vector_load %arg7[%get3A_693, %get3A_694, %get3A_695] {strides = array<i32>} : memref<8x32x128xf32, #tpu.memory_space<vmem>>, vector<1x1x16xf32>,
        %get3A_697 = vector.shape_cast %get3A_696 : vector<1x1x16xf32> to vector<16xf32>
        %mul3A_698 = arith.mulf %get3A_20, %get3A_697 : vector<16xf32>
        %add3A_699 = arith.addf %add3A_691, %mul3A_698 : vector<16xf32>
        %get3A_700 = arith.constant 3 : i32
        %get3A_701 = arith.index_cast %get3A_700 : i32 to index
        %get3A_702 = arith.index_cast %scan3A_608 : i32 to index
        %get3A_703 = arith.constant 16 : index
        %get3A_704 = tpu.vector_load %arg7[%get3A_701, %get3A_702, %get3A_703] {strides = array<i32>} : memref<8x32x128xf32, #tpu.memory_space<vmem>>, vector<1x1x16xf32>,
        %get3A_705 = vector.shape_cast %get3A_704 : vector<1x1x16xf32> to vector<16xf32>
        %mul3A_706 = arith.mulf %get3A_25, %get3A_705 : vector<16xf32>
        %add3A_707 = arith.addf %add3A_699, %mul3A_706 : vector<16xf32>
        %get3A_708 = arith.constant 4 : i32
        %get3A_709 = arith.index_cast %get3A_708 : i32 to index
        %get3A_710 = arith.index_cast %scan3A_608 : i32 to index
        %get3A_711 = arith.constant 16 : index
        %get3A_712 = tpu.vector_load %arg7[%get3A_709, %get3A_710, %get3A_711] {strides = array<i32>} : memref<8x32x128xf32, #tpu.memory_space<vmem>>, vector<1x1x16xf32>,
        %get3A_713 = vector.shape_cast %get3A_712 : vector<1x1x16xf32> to vector<16xf32>
        %mul3A_714 = arith.mulf %get3A_30, %get3A_713 : vector<16xf32>
        %add3A_715 = arith.addf %add3A_707, %mul3A_714 : vector<16xf32>
        %get3A_716 = arith.constant 5 : i32
        %get3A_717 = arith.index_cast %get3A_716 : i32 to index
        %get3A_718 = arith.index_cast %scan3A_608 : i32 to index
        %get3A_719 = arith.constant 16 : index
        %get3A_720 = tpu.vector_load %arg7[%get3A_717, %get3A_718, %get3A_719] {strides = array<i32>} : memref<8x32x128xf32, #tpu.memory_space<vmem>>, vector<1x1x16xf32>,
        %get3A_721 = vector.shape_cast %get3A_720 : vector<1x1x16xf32> to vector<16xf32>
        %mul3A_722 = arith.mulf %get3A_35, %get3A_721 : vector<16xf32>
        %add3A_723 = arith.addf %add3A_715, %mul3A_722 : vector<16xf32>
        %get3A_724 = arith.constant 6 : i32
        %get3A_725 = arith.index_cast %get3A_724 : i32 to index
        %get3A_726 = arith.index_cast %scan3A_608 : i32 to index
        %get3A_727 = arith.constant 16 : index
        %get3A_728 = tpu.vector_load %arg7[%get3A_725, %get3A_726, %get3A_727] {strides = array<i32>} : memref<8x32x128xf32, #tpu.memory_space<vmem>>, vector<1x1x16xf32>,
        %get3A_729 = vector.shape_cast %get3A_728 : vector<1x1x16xf32> to vector<16xf32>
        %mul3A_730 = arith.mulf %get3A_40, %get3A_729 : vector<16xf32>
        %add3A_731 = arith.addf %add3A_723, %mul3A_730 : vector<16xf32>
        %get3A_732 = arith.constant 7 : i32
        %get3A_733 = arith.index_cast %get3A_732 : i32 to index
        %get3A_734 = arith.index_cast %scan3A_608 : i32 to index
        %get3A_735 = arith.constant 16 : index
        %get3A_736 = tpu.vector_load %arg7[%get3A_733, %get3A_734, %get3A_735] {strides = array<i32>} : memref<8x32x128xf32, #tpu.memory_space<vmem>>, vector<1x1x16xf32>,
        %get3A_737 = vector.shape_cast %get3A_736 : vector<1x1x16xf32> to vector<16xf32>
        %mul3A_738 = arith.mulf %get3A_45, %get3A_737 : vector<16xf32>
        %add3A_739 = arith.addf %add3A_731, %mul3A_738 : vector<16xf32>
        %swap3A_740 = arith.index_cast %scan3A_608 : i32 to index
        %swap3A_741 = arith.constant 16 : index
        %swap3A_742 = tpu.vector_load %arg8[%swap3A_740, %swap3A_741] {strides = array<i32>} : memref<32x128xf32, #tpu.memory_space<vmem>>, vector<1x16xf32>,
        %swap3A_743 = vector.shape_cast %swap3A_742 : vector<1x16xf32> to vector<16xf32>
        %swap3A_744 = vector.shape_cast %add3A_739 : vector<16xf32> to vector<1x16xf32>
        tpu.vector_store %arg8[%swap3A_740, %swap3A_741], %swap3A_744 {strides = array<i32>} : memref<32x128xf32, #tpu.memory_space<vmem>>, vector<1x16xf32>,
        %get3A_745 = arith.constant 0 : i32
        %get3A_746 = arith.index_cast %get3A_745 : i32 to index
        %get3A_747 = arith.index_cast %scan3A_608 : i32 to index
        %get3A_748 = arith.constant 32 : index
        %get3A_749 = tpu.vector_load %arg7[%get3A_746, %get3A_747, %get3A_748] {strides = array<i32>} : memref<8x32x128xf32, #tpu.memory_space<vmem>>, vector<1x1x16xf32>,
        %get3A_750 = vector.shape_cast %get3A_749 : vector<1x1x16xf32> to vector<16xf32>
        %mul3A_751 = arith.mulf %get3A_10, %get3A_750 : vector<16xf32>
        %get3A_752 = arith.constant 1 : i32
        %get3A_753 = arith.index_cast %get3A_752 : i32 to index
        %get3A_754 = arith.index_cast %scan3A_608 : i32 to index
        %get3A_755 = arith.constant 32 : index
        %get3A_756 = tpu.vector_load %arg7[%get3A_753, %get3A_754, %get3A_755] {strides = array<i32>} : memref<8x32x128xf32, #tpu.memory_space<vmem>>, vector<1x1x16xf32>,
        %get3A_757 = vector.shape_cast %get3A_756 : vector<1x1x16xf32> to vector<16xf32>
        %mul3A_758 = arith.mulf %get3A_15, %get3A_757 : vector<16xf32>
        %add3A_759 = arith.addf %mul3A_751, %mul3A_758 : vector<16xf32>
        %get3A_760 = arith.constant 2 : i32
        %get3A_761 = arith.index_cast %get3A_760 : i32 to index
        %get3A_762 = arith.index_cast %scan3A_608 : i32 to index
        %get3A_763 = arith.constant 32 : index
        %get3A_764 = tpu.vector_load %arg7[%get3A_761, %get3A_762, %get3A_763] {strides = array<i32>} : memref<8x32x128xf32, #tpu.memory_space<vmem>>, vector<1x1x16xf32>,
        %get3A_765 = vector.shape_cast %get3A_764 : vector<1x1x16xf32> to vector<16xf32>
        %mul3A_766 = arith.mulf %get3A_20, %get3A_765 : vector<16xf32>
        %add3A_767 = arith.addf %add3A_759, %mul3A_766 : vector<16xf32>
        %get3A_768 = arith.constant 3 : i32
        %get3A_769 = arith.index_cast %get3A_768 : i32 to index
        %get3A_770 = arith.index_cast %scan3A_608 : i32 to index
        %get3A_771 = arith.constant 32 : index
        %get3A_772 = tpu.vector_load %arg7[%get3A_769, %get3A_770, %get3A_771] {strides = array<i32>} : memref<8x32x128xf32, #tpu.memory_space<vmem>>, vector<1x1x16xf32>,
        %get3A_773 = vector.shape_cast %get3A_772 : vector<1x1x16xf32> to vector<16xf32>
        %mul3A_774 = arith.mulf %get3A_25, %get3A_773 : vector<16xf32>
        %add3A_775 = arith.addf %add3A_767, %mul3A_774 : vector<16xf32>
        %get3A_776 = arith.constant 4 : i32
        %get3A_777 = arith.index_cast %get3A_776 : i32 to index
        %get3A_778 = arith.index_cast %scan3A_608 : i32 to index
        %get3A_779 = arith.constant 32 : index
        %get3A_780 = tpu.vector_load %arg7[%get3A_777, %get3A_778, %get3A_779] {strides = array<i32>} : memref<8x32x128xf32, #tpu.memory_space<vmem>>, vector<1x1x16xf32>,
        %get3A_781 = vector.shape_cast %get3A_780 : vector<1x1x16xf32> to vector<16xf32>
        %mul3A_782 = arith.mulf %get3A_30, %get3A_781 : vector<16xf32>
        %add3A_783 = arith.addf %add3A_775, %mul3A_782 : vector<16xf32>
        %get3A_784 = arith.constant 5 : i32
        %get3A_785 = arith.index_cast %get3A_784 : i32 to index
        %get3A_786 = arith.index_cast %scan3A_608 : i32 to index
        %get3A_787 = arith.constant 32 : index
        %get3A_788 = tpu.vector_load %arg7[%get3A_785, %get3A_786, %get3A_787] {strides = array<i32>} : memref<8x32x128xf32, #tpu.memory_space<vmem>>, vector<1x1x16xf32>,
        %get3A_789 = vector.shape_cast %get3A_788 : vector<1x1x16xf32> to vector<16xf32>
        %mul3A_790 = arith.mulf %get3A_35, %get3A_789 : vector<16xf32>
        %add3A_791 = arith.addf %add3A_783, %mul3A_790 : vector<16xf32>
        %get3A_792 = arith.constant 6 : i32
        %get3A_793 = arith.index_cast %get3A_792 : i32 to index
        %get3A_794 = arith.index_cast %scan3A_608 : i32 to index
        %get3A_795 = arith.constant 32 : index
        %get3A_796 = tpu.vector_load %arg7[%get3A_793, %get3A_794, %get3A_795] {strides = array<i32>} : memref<8x32x128xf32, #tpu.memory_space<vmem>>, vector<1x1x16xf32>,
        %get3A_797 = vector.shape_cast %get3A_796 : vector<1x1x16xf32> to vector<16xf32>
        %mul3A_798 = arith.mulf %get3A_40, %get3A_797 : vector<16xf32>
        %add3A_799 = arith.addf %add3A_791, %mul3A_798 : vector<16xf32>
        %get3A_800 = arith.constant 7 : i32
        %get3A_801 = arith.index_cast %get3A_800 : i32 to index
        %get3A_802 = arith.index_cast %scan3A_608 : i32 to index
        %get3A_803 = arith.constant 32 : index
        %get3A_804 = tpu.vector_load %arg7[%get3A_801, %get3A_802, %get3A_803] {strides = array<i32>} : memref<8x32x128xf32, #tpu.memory_space<vmem>>, vector<1x1x16xf32>,
        %get3A_805 = vector.shape_cast %get3A_804 : vector<1x1x16xf32> to vector<16xf32>
        %mul3A_806 = arith.mulf %get3A_45, %get3A_805 : vector<16xf32>
        %add3A_807 = arith.addf %add3A_799, %mul3A_806 : vector<16xf32>
        %swap3A_808 = arith.index_cast %scan3A_608 : i32 to index
        %swap3A_809 = arith.constant 32 : index
        %swap3A_810 = tpu.vector_load %arg8[%swap3A_808, %swap3A_809] {strides = array<i32>} : memref<32x128xf32, #tpu.memory_space<vmem>>, vector<1x16xf32>,
        %swap3A_811 = vector.shape_cast %swap3A_810 : vector<1x16xf32> to vector<16xf32>
        %swap3A_812 = vector.shape_cast %add3A_807 : vector<16xf32> to vector<1x16xf32>
        tpu.vector_store %arg8[%swap3A_808, %swap3A_809], %swap3A_812 {strides = array<i32>} : memref<32x128xf32, #tpu.memory_space<vmem>>, vector<1x16xf32>,
        %get3A_813 = arith.constant 0 : i32
        %get3A_814 = arith.index_cast %get3A_813 : i32 to index
        %get3A_815 = arith.index_cast %scan3A_608 : i32 to index
        %get3A_816 = arith.constant 48 : index
        %get3A_817 = tpu.vector_load %arg7[%get3A_814, %get3A_815, %get3A_816] {strides = array<i32>} : memref<8x32x128xf32, #tpu.memory_space<vmem>>, vector<1x1x16xf32>,
        %get3A_818 = vector.shape_cast %get3A_817 : vector<1x1x16xf32> to vector<16xf32>
        %mul3A_819 = arith.mulf %get3A_10, %get3A_818 : vector<16xf32>
        %get3A_820 = arith.constant 1 : i32
        %get3A_821 = arith.index_cast %get3A_820 : i32 to index
        %get3A_822 = arith.index_cast %scan3A_608 : i32 to index
        %get3A_823 = arith.constant 48 : index
        %get3A_824 = tpu.vector_load %arg7[%get3A_821, %get3A_822, %get3A_823] {strides = array<i32>} : memref<8x32x128xf32, #tpu.memory_space<vmem>>, vector<1x1x16xf32>,
        %get3A_825 = vector.shape_cast %get3A_824 : vector<1x1x16xf32> to vector<16xf32>
        %mul3A_826 = arith.mulf %get3A_15, %get3A_825 : vector<16xf32>
        %add3A_827 = arith.addf %mul3A_819, %mul3A_826 : vector<16xf32>
        %get3A_828 = arith.constant 2 : i32
        %get3A_829 = arith.index_cast %get3A_828 : i32 to index
        %get3A_830 = arith.index_cast %scan3A_608 : i32 to index
        %get3A_831 = arith.constant 48 : index
        %get3A_832 = tpu.vector_load %arg7[%get3A_829, %get3A_830, %get3A_831] {strides = array<i32>} : memref<8x32x128xf32, #tpu.memory_space<vmem>>, vector<1x1x16xf32>,
        %get3A_833 = vector.shape_cast %get3A_832 : vector<1x1x16xf32> to vector<16xf32>
        %mul3A_834 = arith.mulf %get3A_20, %get3A_833 : vector<16xf32>
        %add3A_835 = arith.addf %add3A_827, %mul3A_834 : vector<16xf32>
        %get3A_836 = arith.constant 3 : i32
        %get3A_837 = arith.index_cast %get3A_836 : i32 to index
        %get3A_838 = arith.index_cast %scan3A_608 : i32 to index
        %get3A_839 = arith.constant 48 : index
        %get3A_840 = tpu.vector_load %arg7[%get3A_837, %get3A_838, %get3A_839] {strides = array<i32>} : memref<8x32x128xf32, #tpu.memory_space<vmem>>, vector<1x1x16xf32>,
        %get3A_841 = vector.shape_cast %get3A_840 : vector<1x1x16xf32> to vector<16xf32>
        %mul3A_842 = arith.mulf %get3A_25, %get3A_841 : vector<16xf32>
        %add3A_843 = arith.addf %add3A_835, %mul3A_842 : vector<16xf32>
        %get3A_844 = arith.constant 4 : i32
        %get3A_845 = arith.index_cast %get3A_844 : i32 to index
        %get3A_846 = arith.index_cast %scan3A_608 : i32 to index
        %get3A_847 = arith.constant 48 : index
        %get3A_848 = tpu.vector_load %arg7[%get3A_845, %get3A_846, %get3A_847] {strides = array<i32>} : memref<8x32x128xf32, #tpu.memory_space<vmem>>, vector<1x1x16xf32>,
        %get3A_849 = vector.shape_cast %get3A_848 : vector<1x1x16xf32> to vector<16xf32>
        %mul3A_850 = arith.mulf %get3A_30, %get3A_849 : vector<16xf32>
        %add3A_851 = arith.addf %add3A_843, %mul3A_850 : vector<16xf32>
        %get3A_852 = arith.constant 5 : i32
        %get3A_853 = arith.index_cast %get3A_852 : i32 to index
        %get3A_854 = arith.index_cast %scan3A_608 : i32 to index
        %get3A_855 = arith.constant 48 : index
        %get3A_856 = tpu.vector_load %arg7[%get3A_853, %get3A_854, %get3A_855] {strides = array<i32>} : memref<8x32x128xf32, #tpu.memory_space<vmem>>, vector<1x1x16xf32>,
        %get3A_857 = vector.shape_cast %get3A_856 : vector<1x1x16xf32> to vector<16xf32>
        %mul3A_858 = arith.mulf %get3A_35, %get3A_857 : vector<16xf32>
        %add3A_859 = arith.addf %add3A_851, %mul3A_858 : vector<16xf32>
        %get3A_860 = arith.constant 6 : i32
        %get3A_861 = arith.index_cast %get3A_860 : i32 to index
        %get3A_862 = arith.index_cast %scan3A_608 : i32 to index
        %get3A_863 = arith.constant 48 : index
        %get3A_864 = tpu.vector_load %arg7[%get3A_861, %get3A_862, %get3A_863] {strides = array<i32>} : memref<8x32x128xf32, #tpu.memory_space<vmem>>, vector<1x1x16xf32>,
        %get3A_865 = vector.shape_cast %get3A_864 : vector<1x1x16xf32> to vector<16xf32>
        %mul3A_866 = arith.mulf %get3A_40, %get3A_865 : vector<16xf32>
        %add3A_867 = arith.addf %add3A_859, %mul3A_866 : vector<16xf32>
        %get3A_868 = arith.constant 7 : i32
        %get3A_869 = arith.index_cast %get3A_868 : i32 to index
        %get3A_870 = arith.index_cast %scan3A_608 : i32 to index
        %get3A_871 = arith.constant 48 : index
        %get3A_872 = tpu.vector_load %arg7[%get3A_869, %get3A_870, %get3A_871] {strides = array<i32>} : memref<8x32x128xf32, #tpu.memory_space<vmem>>, vector<1x1x16xf32>,
        %get3A_873 = vector.shape_cast %get3A_872 : vector<1x1x16xf32> to vector<16xf32>
        %mul3A_874 = arith.mulf %get3A_45, %get3A_873 : vector<16xf32>
        %add3A_875 = arith.addf %add3A_867, %mul3A_874 : vector<16xf32>
        %swap3A_876 = arith.index_cast %scan3A_608 : i32 to index
        %swap3A_877 = arith.constant 48 : index
        %swap3A_878 = tpu.vector_load %arg8[%swap3A_876, %swap3A_877] {strides = array<i32>} : memref<32x128xf32, #tpu.memory_space<vmem>>, vector<1x16xf32>,
        %swap3A_879 = vector.shape_cast %swap3A_878 : vector<1x16xf32> to vector<16xf32>
        %swap3A_880 = vector.shape_cast %add3A_875 : vector<16xf32> to vector<1x16xf32>
        tpu.vector_store %arg8[%swap3A_876, %swap3A_877], %swap3A_880 {strides = array<i32>} : memref<32x128xf32, #tpu.memory_space<vmem>>, vector<1x16xf32>,
        %get3A_881 = arith.constant 0 : i32
        %get3A_882 = arith.index_cast %get3A_881 : i32 to index
        %get3A_883 = arith.index_cast %scan3A_608 : i32 to index
        %get3A_884 = arith.constant 64 : index
        %get3A_885 = tpu.vector_load %arg7[%get3A_882, %get3A_883, %get3A_884] {strides = array<i32>} : memref<8x32x128xf32, #tpu.memory_space<vmem>>, vector<1x1x16xf32>,
        %get3A_886 = vector.shape_cast %get3A_885 : vector<1x1x16xf32> to vector<16xf32>
        %mul3A_887 = arith.mulf %get3A_10, %get3A_886 : vector<16xf32>
        %get3A_888 = arith.constant 1 : i32
        %get3A_889 = arith.index_cast %get3A_888 : i32 to index
        %get3A_890 = arith.index_cast %scan3A_608 : i32 to index
        %get3A_891 = arith.constant 64 : index
        %get3A_892 = tpu.vector_load %arg7[%get3A_889, %get3A_890, %get3A_891] {strides = array<i32>} : memref<8x32x128xf32, #tpu.memory_space<vmem>>, vector<1x1x16xf32>,
        %get3A_893 = vector.shape_cast %get3A_892 : vector<1x1x16xf32> to vector<16xf32>
        %mul3A_894 = arith.mulf %get3A_15, %get3A_893 : vector<16xf32>
        %add3A_895 = arith.addf %mul3A_887, %mul3A_894 : vector<16xf32>
        %get3A_896 = arith.constant 2 : i32
        %get3A_897 = arith.index_cast %get3A_896 : i32 to index
        %get3A_898 = arith.index_cast %scan3A_608 : i32 to index
        %get3A_899 = arith.constant 64 : index
        %get3A_900 = tpu.vector_load %arg7[%get3A_897, %get3A_898, %get3A_899] {strides = array<i32>} : memref<8x32x128xf32, #tpu.memory_space<vmem>>, vector<1x1x16xf32>,
        %get3A_901 = vector.shape_cast %get3A_900 : vector<1x1x16xf32> to vector<16xf32>
        %mul3A_902 = arith.mulf %get3A_20, %get3A_901 : vector<16xf32>
        %add3A_903 = arith.addf %add3A_895, %mul3A_902 : vector<16xf32>
        %get3A_904 = arith.constant 3 : i32
        %get3A_905 = arith.index_cast %get3A_904 : i32 to index
        %get3A_906 = arith.index_cast %scan3A_608 : i32 to index
        %get3A_907 = arith.constant 64 : index
        %get3A_908 = tpu.vector_load %arg7[%get3A_905, %get3A_906, %get3A_907] {strides = array<i32>} : memref<8x32x128xf32, #tpu.memory_space<vmem>>, vector<1x1x16xf32>,
        %get3A_909 = vector.shape_cast %get3A_908 : vector<1x1x16xf32> to vector<16xf32>
        %mul3A_910 = arith.mulf %get3A_25, %get3A_909 : vector<16xf32>
        %add3A_911 = arith.addf %add3A_903, %mul3A_910 : vector<16xf32>
        %get3A_912 = arith.constant 4 : i32
        %get3A_913 = arith.index_cast %get3A_912 : i32 to index
        %get3A_914 = arith.index_cast %scan3A_608 : i32 to index
        %get3A_915 = arith.constant 64 : index
        %get3A_916 = tpu.vector_load %arg7[%get3A_913, %get3A_914, %get3A_915] {strides = array<i32>} : memref<8x32x128xf32, #tpu.memory_space<vmem>>, vector<1x1x16xf32>,
        %get3A_917 = vector.shape_cast %get3A_916 : vector<1x1x16xf32> to vector<16xf32>
        %mul3A_918 = arith.mulf %get3A_30, %get3A_917 : vector<16xf32>
        %add3A_919 = arith.addf %add3A_911, %mul3A_918 : vector<16xf32>
        %get3A_920 = arith.constant 5 : i32
        %get3A_921 = arith.index_cast %get3A_920 : i32 to index
        %get3A_922 = arith.index_cast %scan3A_608 : i32 to index
        %get3A_923 = arith.constant 64 : index
        %get3A_924 = tpu.vector_load %arg7[%get3A_921, %get3A_922, %get3A_923] {strides = array<i32>} : memref<8x32x128xf32, #tpu.memory_space<vmem>>, vector<1x1x16xf32>,
        %get3A_925 = vector.shape_cast %get3A_924 : vector<1x1x16xf32> to vector<16xf32>
        %mul3A_926 = arith.mulf %get3A_35, %get3A_925 : vector<16xf32>
        %add3A_927 = arith.addf %add3A_919, %mul3A_926 : vector<16xf32>
        %get3A_928 = arith.constant 6 : i32
        %get3A_929 = arith.index_cast %get3A_928 : i32 to index
        %get3A_930 = arith.index_cast %scan3A_608 : i32 to index
        %get3A_931 = arith.constant 64 : index
        %get3A_932 = tpu.vector_load %arg7[%get3A_929, %get3A_930, %get3A_931] {strides = array<i32>} : memref<8x32x128xf32, #tpu.memory_space<vmem>>, vector<1x1x16xf32>,
        %get3A_933 = vector.shape_cast %get3A_932 : vector<1x1x16xf32> to vector<16xf32>
        %mul3A_934 = arith.mulf %get3A_40, %get3A_933 : vector<16xf32>
        %add3A_935 = arith.addf %add3A_927, %mul3A_934 : vector<16xf32>
        %get3A_936 = arith.constant 7 : i32
        %get3A_937 = arith.index_cast %get3A_936 : i32 to index
        %get3A_938 = arith.index_cast %scan3A_608 : i32 to index
        %get3A_939 = arith.constant 64 : index
        %get3A_940 = tpu.vector_load %arg7[%get3A_937, %get3A_938, %get3A_939] {strides = array<i32>} : memref<8x32x128xf32, #tpu.memory_space<vmem>>, vector<1x1x16xf32>,
        %get3A_941 = vector.shape_cast %get3A_940 : vector<1x1x16xf32> to vector<16xf32>
        %mul3A_942 = arith.mulf %get3A_45, %get3A_941 : vector<16xf32>
        %add3A_943 = arith.addf %add3A_935, %mul3A_942 : vector<16xf32>
        %swap3A_944 = arith.index_cast %scan3A_608 : i32 to index
        %swap3A_945 = arith.constant 64 : index
        %swap3A_946 = tpu.vector_load %arg8[%swap3A_944, %swap3A_945] {strides = array<i32>} : memref<32x128xf32, #tpu.memory_space<vmem>>, vector<1x16xf32>,
        %swap3A_947 = vector.shape_cast %swap3A_946 : vector<1x16xf32> to vector<16xf32>
        %swap3A_948 = vector.shape_cast %add3A_943 : vector<16xf32> to vector<1x16xf32>
        tpu.vector_store %arg8[%swap3A_944, %swap3A_945], %swap3A_948 {strides = array<i32>} : memref<32x128xf32, #tpu.memory_space<vmem>>, vector<1x16xf32>,
        %get3A_949 = arith.constant 0 : i32
        %get3A_950 = arith.index_cast %get3A_949 : i32 to index
        %get3A_951 = arith.index_cast %scan3A_608 : i32 to index
        %get3A_952 = arith.constant 80 : index
        %get3A_953 = tpu.vector_load %arg7[%get3A_950, %get3A_951, %get3A_952] {strides = array<i32>} : memref<8x32x128xf32, #tpu.memory_space<vmem>>, vector<1x1x16xf32>,
        %get3A_954 = vector.shape_cast %get3A_953 : vector<1x1x16xf32> to vector<16xf32>
        %mul3A_955 = arith.mulf %get3A_10, %get3A_954 : vector<16xf32>
        %get3A_956 = arith.constant 1 : i32
        %get3A_957 = arith.index_cast %get3A_956 : i32 to index
        %get3A_958 = arith.index_cast %scan3A_608 : i32 to index
        %get3A_959 = arith.constant 80 : index
        %get3A_960 = tpu.vector_load %arg7[%get3A_957, %get3A_958, %get3A_959] {strides = array<i32>} : memref<8x32x128xf32, #tpu.memory_space<vmem>>, vector<1x1x16xf32>,
        %get3A_961 = vector.shape_cast %get3A_960 : vector<1x1x16xf32> to vector<16xf32>
        %mul3A_962 = arith.mulf %get3A_15, %get3A_961 : vector<16xf32>
        %add3A_963 = arith.addf %mul3A_955, %mul3A_962 : vector<16xf32>
        %get3A_964 = arith.constant 2 : i32
        %get3A_965 = arith.index_cast %get3A_964 : i32 to index
        %get3A_966 = arith.index_cast %scan3A_608 : i32 to index
        %get3A_967 = arith.constant 80 : index
        %get3A_968 = tpu.vector_load %arg7[%get3A_965, %get3A_966, %get3A_967] {strides = array<i32>} : memref<8x32x128xf32, #tpu.memory_space<vmem>>, vector<1x1x16xf32>,
        %get3A_969 = vector.shape_cast %get3A_968 : vector<1x1x16xf32> to vector<16xf32>
        %mul3A_970 = arith.mulf %get3A_20, %get3A_969 : vector<16xf32>
        %add3A_971 = arith.addf %add3A_963, %mul3A_970 : vector<16xf32>
        %get3A_972 = arith.constant 3 : i32
        %get3A_973 = arith.index_cast %get3A_972 : i32 to index
        %get3A_974 = arith.index_cast %scan3A_608 : i32 to index
        %get3A_975 = arith.constant 80 : index
        %get3A_976 = tpu.vector_load %arg7[%get3A_973, %get3A_974, %get3A_975] {strides = array<i32>} : memref<8x32x128xf32, #tpu.memory_space<vmem>>, vector<1x1x16xf32>,
        %get3A_977 = vector.shape_cast %get3A_976 : vector<1x1x16xf32> to vector<16xf32>
        %mul3A_978 = arith.mulf %get3A_25, %get3A_977 : vector<16xf32>
        %add3A_979 = arith.addf %add3A_971, %mul3A_978 : vector<16xf32>
        %get3A_980 = arith.constant 4 : i32
        %get3A_981 = arith.index_cast %get3A_980 : i32 to index
        %get3A_982 = arith.index_cast %scan3A_608 : i32 to index
        %get3A_983 = arith.constant 80 : index
        %get3A_984 = tpu.vector_load %arg7[%get3A_981, %get3A_982, %get3A_983] {strides = array<i32>} : memref<8x32x128xf32, #tpu.memory_space<vmem>>, vector<1x1x16xf32>,
        %get3A_985 = vector.shape_cast %get3A_984 : vector<1x1x16xf32> to vector<16xf32>
        %mul3A_986 = arith.mulf %get3A_30, %get3A_985 : vector<16xf32>
        %add3A_987 = arith.addf %add3A_979, %mul3A_986 : vector<16xf32>
        %get3A_988 = arith.constant 5 : i32
        %get3A_989 = arith.index_cast %get3A_988 : i32 to index
        %get3A_990 = arith.index_cast %scan3A_608 : i32 to index
        %get3A_991 = arith.constant 80 : index
        %get3A_992 = tpu.vector_load %arg7[%get3A_989, %get3A_990, %get3A_991] {strides = array<i32>} : memref<8x32x128xf32, #tpu.memory_space<vmem>>, vector<1x1x16xf32>,
        %get3A_993 = vector.shape_cast %get3A_992 : vector<1x1x16xf32> to vector<16xf32>
        %mul3A_994 = arith.mulf %get3A_35, %get3A_993 : vector<16xf32>
        %add3A_995 = arith.addf %add3A_987, %mul3A_994 : vector<16xf32>
        %get3A_996 = arith.constant 6 : i32
        %get3A_997 = arith.index_cast %get3A_996 : i32 to index
        %get3A_998 = arith.index_cast %scan3A_608 : i32 to index
        %get3A_999 = arith.constant 80 : index
        %get3A_1000 = tpu.vector_load %arg7[%get3A_997, %get3A_998, %get3A_999] {strides = array<i32>} : memref<8x32x128xf32, #tpu.memory_space<vmem>>, vector<1x1x16xf32>,
        %get3A_1001 = vector.shape_cast %get3A_1000 : vector<1x1x16xf32> to vector<16xf32>
        %mul3A_1002 = arith.mulf %get3A_40, %get3A_1001 : vector<16xf32>
        %add3A_1003 = arith.addf %add3A_995, %mul3A_1002 : vector<16xf32>
        %get3A_1004 = arith.constant 7 : i32
        %get3A_1005 = arith.index_cast %get3A_1004 : i32 to index
        %get3A_1006 = arith.index_cast %scan3A_608 : i32 to index
        %get3A_1007 = arith.constant 80 : index
        %get3A_1008 = tpu.vector_load %arg7[%get3A_1005, %get3A_1006, %get3A_1007] {strides = array<i32>} : memref<8x32x128xf32, #tpu.memory_space<vmem>>, vector<1x1x16xf32>,
        %get3A_1009 = vector.shape_cast %get3A_1008 : vector<1x1x16xf32> to vector<16xf32>
        %mul3A_1010 = arith.mulf %get3A_45, %get3A_1009 : vector<16xf32>
        %add3A_1011 = arith.addf %add3A_1003, %mul3A_1010 : vector<16xf32>
        %swap3A_1012 = arith.index_cast %scan3A_608 : i32 to index
        %swap3A_1013 = arith.constant 80 : index
        %swap3A_1014 = tpu.vector_load %arg8[%swap3A_1012, %swap3A_1013] {strides = array<i32>} : memref<32x128xf32, #tpu.memory_space<vmem>>, vector<1x16xf32>,
        %swap3A_1015 = vector.shape_cast %swap3A_1014 : vector<1x16xf32> to vector<16xf32>
        %swap3A_1016 = vector.shape_cast %add3A_1011 : vector<16xf32> to vector<1x16xf32>
        tpu.vector_store %arg8[%swap3A_1012, %swap3A_1013], %swap3A_1016 {strides = array<i32>} : memref<32x128xf32, #tpu.memory_space<vmem>>, vector<1x16xf32>,
        %get3A_1017 = arith.constant 0 : i32
        %get3A_1018 = arith.index_cast %get3A_1017 : i32 to index
        %get3A_1019 = arith.index_cast %scan3A_608 : i32 to index
        %get3A_1020 = arith.constant 96 : index
        %get3A_1021 = tpu.vector_load %arg7[%get3A_1018, %get3A_1019, %get3A_1020] {strides = array<i32>} : memref<8x32x128xf32, #tpu.memory_space<vmem>>, vector<1x1x16xf32>,
        %get3A_1022 = vector.shape_cast %get3A_1021 : vector<1x1x16xf32> to vector<16xf32>
        %mul3A_1023 = arith.mulf %get3A_10, %get3A_1022 : vector<16xf32>
        %get3A_1024 = arith.constant 1 : i32
        %get3A_1025 = arith.index_cast %get3A_1024 : i32 to index
        %get3A_1026 = arith.index_cast %scan3A_608 : i32 to index
        %get3A_1027 = arith.constant 96 : index
        %get3A_1028 = tpu.vector_load %arg7[%get3A_1025, %get3A_1026, %get3A_1027] {strides = array<i32>} : memref<8x32x128xf32, #tpu.memory_space<vmem>>, vector<1x1x16xf32>,
        %get3A_1029 = vector.shape_cast %get3A_1028 : vector<1x1x16xf32> to vector<16xf32>
        %mul3A_1030 = arith.mulf %get3A_15, %get3A_1029 : vector<16xf32>
        %add3A_1031 = arith.addf %mul3A_1023, %mul3A_1030 : vector<16xf32>
        %get3A_1032 = arith.constant 2 : i32
        %get3A_1033 = arith.index_cast %get3A_1032 : i32 to index
        %get3A_1034 = arith.index_cast %scan3A_608 : i32 to index
        %get3A_1035 = arith.constant 96 : index
        %get3A_1036 = tpu.vector_load %arg7[%get3A_1033, %get3A_1034, %get3A_1035] {strides = array<i32>} : memref<8x32x128xf32, #tpu.memory_space<vmem>>, vector<1x1x16xf32>,
        %get3A_1037 = vector.shape_cast %get3A_1036 : vector<1x1x16xf32> to vector<16xf32>
        %mul3A_1038 = arith.mulf %get3A_20, %get3A_1037 : vector<16xf32>
        %add3A_1039 = arith.addf %add3A_1031, %mul3A_1038 : vector<16xf32>
        %get3A_1040 = arith.constant 3 : i32
        %get3A_1041 = arith.index_cast %get3A_1040 : i32 to index
        %get3A_1042 = arith.index_cast %scan3A_608 : i32 to index
        %get3A_1043 = arith.constant 96 : index
        %get3A_1044 = tpu.vector_load %arg7[%get3A_1041, %get3A_1042, %get3A_1043] {strides = array<i32>} : memref<8x32x128xf32, #tpu.memory_space<vmem>>, vector<1x1x16xf32>,
        %get3A_1045 = vector.shape_cast %get3A_1044 : vector<1x1x16xf32> to vector<16xf32>
        %mul3A_1046 = arith.mulf %get3A_25, %get3A_1045 : vector<16xf32>
        %add3A_1047 = arith.addf %add3A_1039, %mul3A_1046 : vector<16xf32>
        %get3A_1048 = arith.constant 4 : i32
        %get3A_1049 = arith.index_cast %get3A_1048 : i32 to index
        %get3A_1050 = arith.index_cast %scan3A_608 : i32 to index
        %get3A_1051 = arith.constant 96 : index
        %get3A_1052 = tpu.vector_load %arg7[%get3A_1049, %get3A_1050, %get3A_1051] {strides = array<i32>} : memref<8x32x128xf32, #tpu.memory_space<vmem>>, vector<1x1x16xf32>,
        %get3A_1053 = vector.shape_cast %get3A_1052 : vector<1x1x16xf32> to vector<16xf32>
        %mul3A_1054 = arith.mulf %get3A_30, %get3A_1053 : vector<16xf32>
        %add3A_1055 = arith.addf %add3A_1047, %mul3A_1054 : vector<16xf32>
        %get3A_1056 = arith.constant 5 : i32
        %get3A_1057 = arith.index_cast %get3A_1056 : i32 to index
        %get3A_1058 = arith.index_cast %scan3A_608 : i32 to index
        %get3A_1059 = arith.constant 96 : index
        %get3A_1060 = tpu.vector_load %arg7[%get3A_1057, %get3A_1058, %get3A_1059] {strides = array<i32>} : memref<8x32x128xf32, #tpu.memory_space<vmem>>, vector<1x1x16xf32>,
        %get3A_1061 = vector.shape_cast %get3A_1060 : vector<1x1x16xf32> to vector<16xf32>
        %mul3A_1062 = arith.mulf %get3A_35, %get3A_1061 : vector<16xf32>
        %add3A_1063 = arith.addf %add3A_1055, %mul3A_1062 : vector<16xf32>
        %get3A_1064 = arith.constant 6 : i32
        %get3A_1065 = arith.index_cast %get3A_1064 : i32 to index
        %get3A_1066 = arith.index_cast %scan3A_608 : i32 to index
        %get3A_1067 = arith.constant 96 : index
        %get3A_1068 = tpu.vector_load %arg7[%get3A_1065, %get3A_1066, %get3A_1067] {strides = array<i32>} : memref<8x32x128xf32, #tpu.memory_space<vmem>>, vector<1x1x16xf32>,
        %get3A_1069 = vector.shape_cast %get3A_1068 : vector<1x1x16xf32> to vector<16xf32>
        %mul3A_1070 = arith.mulf %get3A_40, %get3A_1069 : vector<16xf32>
        %add3A_1071 = arith.addf %add3A_1063, %mul3A_1070 : vector<16xf32>
        %get3A_1072 = arith.constant 7 : i32
        %get3A_1073 = arith.index_cast %get3A_1072 : i32 to index
        %get3A_1074 = arith.index_cast %scan3A_608 : i32 to index
        %get3A_1075 = arith.constant 96 : index
        %get3A_1076 = tpu.vector_load %arg7[%get3A_1073, %get3A_1074, %get3A_1075] {strides = array<i32>} : memref<8x32x128xf32, #tpu.memory_space<vmem>>, vector<1x1x16xf32>,
        %get3A_1077 = vector.shape_cast %get3A_1076 : vector<1x1x16xf32> to vector<16xf32>
        %mul3A_1078 = arith.mulf %get3A_45, %get3A_1077 : vector<16xf32>
        %add3A_1079 = arith.addf %add3A_1071, %mul3A_1078 : vector<16xf32>
        %swap3A_1080 = arith.index_cast %scan3A_608 : i32 to index
        %swap3A_1081 = arith.constant 96 : index
        %swap3A_1082 = tpu.vector_load %arg8[%swap3A_1080, %swap3A_1081] {strides = array<i32>} : memref<32x128xf32, #tpu.memory_space<vmem>>, vector<1x16xf32>,
        %swap3A_1083 = vector.shape_cast %swap3A_1082 : vector<1x16xf32> to vector<16xf32>
        %swap3A_1084 = vector.shape_cast %add3A_1079 : vector<16xf32> to vector<1x16xf32>
        tpu.vector_store %arg8[%swap3A_1080, %swap3A_1081], %swap3A_1084 {strides = array<i32>} : memref<32x128xf32, #tpu.memory_space<vmem>>, vector<1x16xf32>,
        %get3A_1085 = arith.constant 0 : i32
        %get3A_1086 = arith.index_cast %get3A_1085 : i32 to index
        %get3A_1087 = arith.index_cast %scan3A_608 : i32 to index
        %get3A_1088 = arith.constant 112 : index
        %get3A_1089 = tpu.vector_load %arg7[%get3A_1086, %get3A_1087, %get3A_1088] {strides = array<i32>} : memref<8x32x128xf32, #tpu.memory_space<vmem>>, vector<1x1x16xf32>,
        %get3A_1090 = vector.shape_cast %get3A_1089 : vector<1x1x16xf32> to vector<16xf32>
        %mul3A_1091 = arith.mulf %get3A_10, %get3A_1090 : vector<16xf32>
        %get3A_1092 = arith.constant 1 : i32
        %get3A_1093 = arith.index_cast %get3A_1092 : i32 to index
        %get3A_1094 = arith.index_cast %scan3A_608 : i32 to index
        %get3A_1095 = arith.constant 112 : index
        %get3A_1096 = tpu.vector_load %arg7[%get3A_1093, %get3A_1094, %get3A_1095] {strides = array<i32>} : memref<8x32x128xf32, #tpu.memory_space<vmem>>, vector<1x1x16xf32>,
        %get3A_1097 = vector.shape_cast %get3A_1096 : vector<1x1x16xf32> to vector<16xf32>
        %mul3A_1098 = arith.mulf %get3A_15, %get3A_1097 : vector<16xf32>
        %add3A_1099 = arith.addf %mul3A_1091, %mul3A_1098 : vector<16xf32>
        %get3A_1100 = arith.constant 2 : i32
        %get3A_1101 = arith.index_cast %get3A_1100 : i32 to index
        %get3A_1102 = arith.index_cast %scan3A_608 : i32 to index
        %get3A_1103 = arith.constant 112 : index
        %get3A_1104 = tpu.vector_load %arg7[%get3A_1101, %get3A_1102, %get3A_1103] {strides = array<i32>} : memref<8x32x128xf32, #tpu.memory_space<vmem>>, vector<1x1x16xf32>,
        %get3A_1105 = vector.shape_cast %get3A_1104 : vector<1x1x16xf32> to vector<16xf32>
        %mul3A_1106 = arith.mulf %get3A_20, %get3A_1105 : vector<16xf32>
        %add3A_1107 = arith.addf %add3A_1099, %mul3A_1106 : vector<16xf32>
        %get3A_1108 = arith.constant 3 : i32
        %get3A_1109 = arith.index_cast %get3A_1108 : i32 to index
        %get3A_1110 = arith.index_cast %scan3A_608 : i32 to index
        %get3A_1111 = arith.constant 112 : index
        %get3A_1112 = tpu.vector_load %arg7[%get3A_1109, %get3A_1110, %get3A_1111] {strides = array<i32>} : memref<8x32x128xf32, #tpu.memory_space<vmem>>, vector<1x1x16xf32>,
        %get3A_1113 = vector.shape_cast %get3A_1112 : vector<1x1x16xf32> to vector<16xf32>
        %mul3A_1114 = arith.mulf %get3A_25, %get3A_1113 : vector<16xf32>
        %add3A_1115 = arith.addf %add3A_1107, %mul3A_1114 : vector<16xf32>
        %get3A_1116 = arith.constant 4 : i32
        %get3A_1117 = arith.index_cast %get3A_1116 : i32 to index
        %get3A_1118 = arith.index_cast %scan3A_608 : i32 to index
        %get3A_1119 = arith.constant 112 : index
        %get3A_1120 = tpu.vector_load %arg7[%get3A_1117, %get3A_1118, %get3A_1119] {strides = array<i32>} : memref<8x32x128xf32, #tpu.memory_space<vmem>>, vector<1x1x16xf32>,
        %get3A_1121 = vector.shape_cast %get3A_1120 : vector<1x1x16xf32> to vector<16xf32>
        %mul3A_1122 = arith.mulf %get3A_30, %get3A_1121 : vector<16xf32>
        %add3A_1123 = arith.addf %add3A_1115, %mul3A_1122 : vector<16xf32>
        %get3A_1124 = arith.constant 5 : i32
        %get3A_1125 = arith.index_cast %get3A_1124 : i32 to index
        %get3A_1126 = arith.index_cast %scan3A_608 : i32 to index
        %get3A_1127 = arith.constant 112 : index
        %get3A_1128 = tpu.vector_load %arg7[%get3A_1125, %get3A_1126, %get3A_1127] {strides = array<i32>} : memref<8x32x128xf32, #tpu.memory_space<vmem>>, vector<1x1x16xf32>,
        %get3A_1129 = vector.shape_cast %get3A_1128 : vector<1x1x16xf32> to vector<16xf32>
        %mul3A_1130 = arith.mulf %get3A_35, %get3A_1129 : vector<16xf32>
        %add3A_1131 = arith.addf %add3A_1123, %mul3A_1130 : vector<16xf32>
        %get3A_1132 = arith.constant 6 : i32
        %get3A_1133 = arith.index_cast %get3A_1132 : i32 to index
        %get3A_1134 = arith.index_cast %scan3A_608 : i32 to index
        %get3A_1135 = arith.constant 112 : index
        %get3A_1136 = tpu.vector_load %arg7[%get3A_1133, %get3A_1134, %get3A_1135] {strides = array<i32>} : memref<8x32x128xf32, #tpu.memory_space<vmem>>, vector<1x1x16xf32>,
        %get3A_1137 = vector.shape_cast %get3A_1136 : vector<1x1x16xf32> to vector<16xf32>
        %mul3A_1138 = arith.mulf %get3A_40, %get3A_1137 : vector<16xf32>
        %add3A_1139 = arith.addf %add3A_1131, %mul3A_1138 : vector<16xf32>
        %get3A_1140 = arith.constant 7 : i32
        %get3A_1141 = arith.index_cast %get3A_1140 : i32 to index
        %get3A_1142 = arith.index_cast %scan3A_608 : i32 to index
        %get3A_1143 = arith.constant 112 : index
        %get3A_1144 = tpu.vector_load %arg7[%get3A_1141, %get3A_1142, %get3A_1143] {strides = array<i32>} : memref<8x32x128xf32, #tpu.memory_space<vmem>>, vector<1x1x16xf32>,
        %get3A_1145 = vector.shape_cast %get3A_1144 : vector<1x1x16xf32> to vector<16xf32>
        %mul3A_1146 = arith.mulf %get3A_45, %get3A_1145 : vector<16xf32>
        %add3A_1147 = arith.addf %add3A_1139, %mul3A_1146 : vector<16xf32>
        %swap3A_1148 = arith.index_cast %scan3A_608 : i32 to index
        %swap3A_1149 = arith.constant 112 : index
        %swap3A_1150 = tpu.vector_load %arg8[%swap3A_1148, %swap3A_1149] {strides = array<i32>} : memref<32x128xf32, #tpu.memory_space<vmem>>, vector<1x16xf32>,
        %swap3A_1151 = vector.shape_cast %swap3A_1150 : vector<1x16xf32> to vector<16xf32>
        %swap3A_1152 = vector.shape_cast %add3A_1147 : vector<16xf32> to vector<1x16xf32>
        tpu.vector_store %arg8[%swap3A_1148, %swap3A_1149], %swap3A_1152 {strides = array<i32>} : memref<32x128xf32, #tpu.memory_space<vmem>>, vector<1x16xf32>,
        %scan3A_1153 = arith.constant 0 : i32
        scf.yield %scan3A_1153 : i32
      }
      %scan3A_603 = arith.constant 32 : i32
      %mul3A_604 = arith.constant 32 : i32
      %mul3A_605 = arith.muli %add3A_596, %mul3A_604 : i32
      %add3A_606 = arith.addi %mul3A_6, %mul3A_605 : i32
      "tpu.region"() ({
        %run_scoped3A = tpu.sem_alloc : memref<!tpu.dma_semaphore, #tpu.memory_space<semaphore_mem>>
        %dma_start3A_608 = arith.constant 0 : i32
        %dma_start3A_609 = tpu.memref_slice %arg4[%add3A_606, %dma_start3A_608] : memref<20480x128xf32, #tpu.memory_space<hbm>> -> memref<32x128xf32, #tpu.memory_space<hbm>>
        %dma_start3A_610 = arith.constant 0 : i32
        %dma_start3A_611 = tpu.memref_slice %arg4[%add3A_606, %dma_start3A_610] : memref<20480x128xf32, #tpu.memory_space<hbm>> -> memref<32x128xf32, #tpu.memory_space<hbm>>
        tpu.enqueue_dma source(%arg8 : memref<32x128xf32, #tpu.memory_space<vmem>>) target(%dma_start3A_611 : memref<32x128xf32, #tpu.memory_space<hbm>>) target_semaphore(%run_scoped3A : memref<!tpu.dma_semaphore, #tpu.memory_space<semaphore_mem>>)
        %dma_wait3A_612 = arith.constant 0 : i32
        %dma_wait3A_613 = tpu.memref_slice %arg4[%add3A_606, %dma_wait3A_612] : memref<20480x128xf32, #tpu.memory_space<hbm>> -> memref<32x128xf32, #tpu.memory_space<hbm>>
        %dma_wait3A_614 = arith.constant 0 : i32
        %dma_wait3A_615 = tpu.memref_slice %arg4[%add3A_606, %dma_wait3A_614] : memref<20480x128xf32, #tpu.memory_space<hbm>> -> memref<32x128xf32, #tpu.memory_space<hbm>>
        tpu.wait_dma2 semaphore(%run_scoped3A : memref<!tpu.dma_semaphore, #tpu.memory_space<semaphore_mem>>) src(%arg8 : memref<32x128xf32, #tpu.memory_space<vmem>>) dst(%dma_wait3A_615 : memref<32x128xf32, #tpu.memory_space<hbm>>)
        tpu.yield
      }) : () -> ()
      %scan3A_607 = arith.constant 0 : i32
      scf.yield %scan3A_607 : i32
    }
    %scan3A_180 = arith.constant 10 : i32
    return
  }
}

module attributes {stable_mosaic.version = 14 : i64} {
  func.func @_pass2_tc_kernel(%arg0: i32, %arg1: memref<8x128xf32, #tpu.memory_space<vmem>>, %arg2: memref<8x2000x128xf32, #tpu.memory_space<vmem>>, %arg3: memref<2000x128xf32, #tpu.memory_space<vmem>>) attributes {dimension_semantics = [#tpu.dimension_semantics<arbitrary>], iteration_bounds = array<i64: 15>, scalar_prefetch = 0 : i64, scratch_operands = 0 : i64, tpu.core_type = #tpu.core_type<tc>, window_params = [{pipeline_mode = #tpu.pipeline_mode<synchronous>, transform_indices = @transform_0, window_bounds = array<i64: 8, 128>}, {transform_indices = @transform_1, window_bounds = array<i64: 8, 2000, 128>}, {transform_indices = @transform_2, window_bounds = array<i64: 2000, 128>}]} {
    %get3A = arith.constant 0 : index
    %get3A_0 = arith.constant 0 : index
    %get3A_1 = vector.load %arg1[%get3A, %get3A_0] : memref<8x128xf32, #tpu.memory_space<vmem>>, vector<8x128xf32>
    %get3A_2 = arith.constant 0 : index
    %get3A_3 = arith.constant 0 : index
    %get3A_4 = arith.constant 0 : index
    %get3A_5 = vector.load %arg2[%get3A_2, %get3A_3, %get3A_4] : memref<8x2000x128xf32, #tpu.memory_space<vmem>>, vector<8x2000x128xf32>
    %slice3A = vector.extract_strided_slice %get3A_5 {offsets = [0, 0, 0], sizes = [1, 2000, 128], strides = [1, 1, 1]} : vector<8x2000x128xf32> to vector<1x2000x128xf32>
    %squeeze3A = vector.shape_cast %slice3A : vector<1x2000x128xf32> to vector<2000x128xf32>
    %slice3A_6 = vector.extract_strided_slice %get3A_1 {offsets = [0, 0], sizes = [1, 128], strides = [1, 1]} : vector<8x128xf32> to vector<1x128xf32>
    %squeeze3A_7 = vector.shape_cast %slice3A_6 : vector<1x128xf32> to vector<128xf32>
    %broadcast_in_dim3A = vector.shape_cast %squeeze3A_7 : vector<128xf32> to vector<1x128xf32>
    %mul3A = vector.broadcast %broadcast_in_dim3A : vector<1x128xf32> to vector<2000x128xf32>
    %mul3A_8 = arith.mulf %squeeze3A, %mul3A : vector<2000x128xf32>
    %slice3A_9 = vector.extract_strided_slice %get3A_5 {offsets = [1, 0, 0], sizes = [1, 2000, 128], strides = [1, 1, 1]} : vector<8x2000x128xf32> to vector<1x2000x128xf32>
    %squeeze3A_10 = vector.shape_cast %slice3A_9 : vector<1x2000x128xf32> to vector<2000x128xf32>
    %slice3A_11 = vector.extract_strided_slice %get3A_1 {offsets = [1, 0], sizes = [1, 128], strides = [1, 1]} : vector<8x128xf32> to vector<1x128xf32>
    %squeeze3A_12 = vector.shape_cast %slice3A_11 : vector<1x128xf32> to vector<128xf32>
    %broadcast_in_dim3A_13 = vector.shape_cast %squeeze3A_12 : vector<128xf32> to vector<1x128xf32>
    %mul3A_14 = vector.broadcast %broadcast_in_dim3A_13 : vector<1x128xf32> to vector<2000x128xf32>
    %mul3A_15 = arith.mulf %squeeze3A_10, %mul3A_14 : vector<2000x128xf32>
    %add3A = arith.addf %mul3A_8, %mul3A_15 : vector<2000x128xf32>
    %slice3A_16 = vector.extract_strided_slice %get3A_5 {offsets = [2, 0, 0], sizes = [1, 2000, 128], strides = [1, 1, 1]} : vector<8x2000x128xf32> to vector<1x2000x128xf32>
    %squeeze3A_17 = vector.shape_cast %slice3A_16 : vector<1x2000x128xf32> to vector<2000x128xf32>
    %slice3A_18 = vector.extract_strided_slice %get3A_1 {offsets = [2, 0], sizes = [1, 128], strides = [1, 1]} : vector<8x128xf32> to vector<1x128xf32>
    %squeeze3A_19 = vector.shape_cast %slice3A_18 : vector<1x128xf32> to vector<128xf32>
    %broadcast_in_dim3A_20 = vector.shape_cast %squeeze3A_19 : vector<128xf32> to vector<1x128xf32>
    %mul3A_21 = vector.broadcast %broadcast_in_dim3A_20 : vector<1x128xf32> to vector<2000x128xf32>
    %mul3A_22 = arith.mulf %squeeze3A_17, %mul3A_21 : vector<2000x128xf32>
    %add3A_23 = arith.addf %add3A, %mul3A_22 : vector<2000x128xf32>
    %slice3A_24 = vector.extract_strided_slice %get3A_5 {offsets = [3, 0, 0], sizes = [1, 2000, 128], strides = [1, 1, 1]} : vector<8x2000x128xf32> to vector<1x2000x128xf32>
    %squeeze3A_25 = vector.shape_cast %slice3A_24 : vector<1x2000x128xf32> to vector<2000x128xf32>
    %slice3A_26 = vector.extract_strided_slice %get3A_1 {offsets = [3, 0], sizes = [1, 128], strides = [1, 1]} : vector<8x128xf32> to vector<1x128xf32>
    %squeeze3A_27 = vector.shape_cast %slice3A_26 : vector<1x128xf32> to vector<128xf32>
    %broadcast_in_dim3A_28 = vector.shape_cast %squeeze3A_27 : vector<128xf32> to vector<1x128xf32>
    %mul3A_29 = vector.broadcast %broadcast_in_dim3A_28 : vector<1x128xf32> to vector<2000x128xf32>
    %mul3A_30 = arith.mulf %squeeze3A_25, %mul3A_29 : vector<2000x128xf32>
    %add3A_31 = arith.addf %add3A_23, %mul3A_30 : vector<2000x128xf32>
    %slice3A_32 = vector.extract_strided_slice %get3A_5 {offsets = [4, 0, 0], sizes = [1, 2000, 128], strides = [1, 1, 1]} : vector<8x2000x128xf32> to vector<1x2000x128xf32>
    %squeeze3A_33 = vector.shape_cast %slice3A_32 : vector<1x2000x128xf32> to vector<2000x128xf32>
    %slice3A_34 = vector.extract_strided_slice %get3A_1 {offsets = [4, 0], sizes = [1, 128], strides = [1, 1]} : vector<8x128xf32> to vector<1x128xf32>
    %squeeze3A_35 = vector.shape_cast %slice3A_34 : vector<1x128xf32> to vector<128xf32>
    %broadcast_in_dim3A_36 = vector.shape_cast %squeeze3A_35 : vector<128xf32> to vector<1x128xf32>
    %mul3A_37 = vector.broadcast %broadcast_in_dim3A_36 : vector<1x128xf32> to vector<2000x128xf32>
    %mul3A_38 = arith.mulf %squeeze3A_33, %mul3A_37 : vector<2000x128xf32>
    %add3A_39 = arith.addf %add3A_31, %mul3A_38 : vector<2000x128xf32>
    %slice3A_40 = vector.extract_strided_slice %get3A_5 {offsets = [5, 0, 0], sizes = [1, 2000, 128], strides = [1, 1, 1]} : vector<8x2000x128xf32> to vector<1x2000x128xf32>
    %squeeze3A_41 = vector.shape_cast %slice3A_40 : vector<1x2000x128xf32> to vector<2000x128xf32>
    %slice3A_42 = vector.extract_strided_slice %get3A_1 {offsets = [5, 0], sizes = [1, 128], strides = [1, 1]} : vector<8x128xf32> to vector<1x128xf32>
    %squeeze3A_43 = vector.shape_cast %slice3A_42 : vector<1x128xf32> to vector<128xf32>
    %broadcast_in_dim3A_44 = vector.shape_cast %squeeze3A_43 : vector<128xf32> to vector<1x128xf32>
    %mul3A_45 = vector.broadcast %broadcast_in_dim3A_44 : vector<1x128xf32> to vector<2000x128xf32>
    %mul3A_46 = arith.mulf %squeeze3A_41, %mul3A_45 : vector<2000x128xf32>
    %add3A_47 = arith.addf %add3A_39, %mul3A_46 : vector<2000x128xf32>
    %slice3A_48 = vector.extract_strided_slice %get3A_5 {offsets = [6, 0, 0], sizes = [1, 2000, 128], strides = [1, 1, 1]} : vector<8x2000x128xf32> to vector<1x2000x128xf32>
    %squeeze3A_49 = vector.shape_cast %slice3A_48 : vector<1x2000x128xf32> to vector<2000x128xf32>
    %slice3A_50 = vector.extract_strided_slice %get3A_1 {offsets = [6, 0], sizes = [1, 128], strides = [1, 1]} : vector<8x128xf32> to vector<1x128xf32>
    %squeeze3A_51 = vector.shape_cast %slice3A_50 : vector<1x128xf32> to vector<128xf32>
    %broadcast_in_dim3A_52 = vector.shape_cast %squeeze3A_51 : vector<128xf32> to vector<1x128xf32>
    %mul3A_53 = vector.broadcast %broadcast_in_dim3A_52 : vector<1x128xf32> to vector<2000x128xf32>
    %mul3A_54 = arith.mulf %squeeze3A_49, %mul3A_53 : vector<2000x128xf32>
    %add3A_55 = arith.addf %add3A_47, %mul3A_54 : vector<2000x128xf32>
    %slice3A_56 = vector.extract_strided_slice %get3A_5 {offsets = [7, 0, 0], sizes = [1, 2000, 128], strides = [1, 1, 1]} : vector<8x2000x128xf32> to vector<1x2000x128xf32>
    %squeeze3A_57 = vector.shape_cast %slice3A_56 : vector<1x2000x128xf32> to vector<2000x128xf32>
    %slice3A_58 = vector.extract_strided_slice %get3A_1 {offsets = [7, 0], sizes = [1, 128], strides = [1, 1]} : vector<8x128xf32> to vector<1x128xf32>
    %squeeze3A_59 = vector.shape_cast %slice3A_58 : vector<1x128xf32> to vector<128xf32>
    %broadcast_in_dim3A_60 = vector.shape_cast %squeeze3A_59 : vector<128xf32> to vector<1x128xf32>
    %mul3A_61 = vector.broadcast %broadcast_in_dim3A_60 : vector<1x128xf32> to vector<2000x128xf32>
    %mul3A_62 = arith.mulf %squeeze3A_57, %mul3A_61 : vector<2000x128xf32>
    %add3A_63 = arith.addf %add3A_55, %mul3A_62 : vector<2000x128xf32>
    %swap3A = arith.constant 0 : index
    %swap3A_64 = arith.constant 0 : index
    %swap3A_65 = vector.load %arg3[%swap3A, %swap3A_64] : memref<2000x128xf32, #tpu.memory_space<vmem>>, vector<2000x128xf32>
    tpu.vector_store %arg3[%swap3A, %swap3A_64], %add3A_63 {strides = array<i32>} : memref<2000x128xf32, #tpu.memory_space<vmem>>, vector<2000x128xf32>,
    return
  }
  func.func @transform_0(%arg0: i32) -> (i32, i32) {
    %c0_i32 = arith.constant 0 : i32
    %c0_i32_0 = arith.constant 0 : i32
    %c0_i32_1 = arith.constant 0 : i32
    return %c0_i32, %c0_i32_0 : i32, i32
  }
  func.func @transform_1(%arg0: i32) -> (i32, i32, i32) {
    %c0_i32 = arith.constant 0 : i32
    %c0_i32_0 = arith.constant 0 : i32
    %c0_i32_1 = arith.constant 0 : i32
    return %c0_i32, %arg0, %c0_i32_0 : i32, i32, i32
  }
  func.func @transform_2(%arg0: i32) -> (i32, i32) {
    %c0_i32 = arith.constant 0 : i32
    %c0_i32_0 = arith.constant 0 : i32
    return %arg0, %c0_i32 : i32, i32
  }
}

module attributes {stable_mosaic.version = 14 : i64} {
  func.func @_pass1_kernel(%arg0: i32, %arg1: memref<8x2000x128xf32, #tpu.memory_space<vmem>>, %arg2: memref<128x128xf32, #tpu.memory_space<vmem>>, %arg3: memref<1x128xf32, #tpu.memory_space<vmem>>, %arg4: memref<1x128xf32, #tpu.memory_space<vmem>>, %arg5: memref<8x128xf32, #tpu.memory_space<vmem>>, %arg6: memref<8x128xf32, #tpu.memory_space<vmem>>, %arg7: memref<8x128xf32, #tpu.memory_space<vmem>>, %arg8: memref<8x16000xbf16, #tpu.memory_space<vmem>>) attributes {dimension_semantics = [#tpu.dimension_semantics<arbitrary>], iteration_bounds = array<i64: 25>, scalar_prefetch = 0 : i64, scratch_operands = 3 : i64, tpu.core_type = #tpu.core_type<tc>, window_params = [{transform_indices = @transform_0, window_bounds = array<i64: 8, 2000, 128>}, {pipeline_mode = #tpu.pipeline_mode<synchronous>, transform_indices = @transform_1, window_bounds = array<i64: 128, 128>}, {pipeline_mode = #tpu.pipeline_mode<synchronous>, transform_indices = @transform_2, window_bounds = array<i64: 1, 128>}, {pipeline_mode = #tpu.pipeline_mode<synchronous>, transform_indices = @transform_3, window_bounds = array<i64: 1, 128>}, {pipeline_mode = #tpu.pipeline_mode<synchronous>, transform_indices = @transform_4, window_bounds = array<i64: 8, 128>}]} {
    %eq3A = arith.constant 0 : i32
    %eq3A_0 = arith.cmpi eq, %arg0, %eq3A : i32
    %convert_element_type3A = arith.extui %eq3A_0 : i1 to i32
    %cond3A = arith.constant 0 : i32
    %cond3A_1 = arith.cmpi ne, %convert_element_type3A, %cond3A : i32
    scf.if %cond3A_1 {
      %broadcast_in_dim3A_50 = arith.constant 0.000000e+00 : f32
      %broadcast_in_dim3A_51 = vector.broadcast %broadcast_in_dim3A_50 : f32 to vector<8x128xf32>
      %swap3A_52 = arith.constant 0 : index
      %swap3A_53 = arith.constant 0 : index
      %swap3A_54 = vector.load %arg6[%swap3A_52, %swap3A_53] : memref<8x128xf32, #tpu.memory_space<vmem>>, vector<8x128xf32>
      tpu.vector_store %arg6[%swap3A_52, %swap3A_53], %broadcast_in_dim3A_51 {strides = array<i32>} : memref<8x128xf32, #tpu.memory_space<vmem>>, vector<8x128xf32>,
      %broadcast_in_dim3A_55 = arith.constant 0.000000e+00 : f32
      %broadcast_in_dim3A_56 = vector.broadcast %broadcast_in_dim3A_55 : f32 to vector<8x128xf32>
      %swap3A_57 = arith.constant 0 : index
      %swap3A_58 = arith.constant 0 : index
      %swap3A_59 = vector.load %arg7[%swap3A_57, %swap3A_58] : memref<8x128xf32, #tpu.memory_space<vmem>>, vector<8x128xf32>
      tpu.vector_store %arg7[%swap3A_57, %swap3A_58], %broadcast_in_dim3A_56 {strides = array<i32>} : memref<8x128xf32, #tpu.memory_space<vmem>>, vector<8x128xf32>,
      %iota3A = tpu.iota {dimensions = array<i32: 0>} : vector<8x16000xi32>
      %iota3A_60 = tpu.iota {dimensions = array<i32: 1>} : vector<8x16000xi32>
      %jit3A = arith.constant 2000 : i32
      %div3A = vector.broadcast %jit3A : i32 to vector<8x16000xi32>
      %div3A_61 = arith.divsi %iota3A_60, %div3A : vector<8x16000xi32>
      %sign3A = arith.constant 0 : i32
      %sign3A_62 = vector.broadcast %sign3A : i32 to vector<8x16000xi32>
      %sign3A_63 = arith.cmpi sgt, %iota3A_60, %sign3A_62 : vector<8x16000xi32>
      %sign3A_64 = arith.extui %sign3A_63 : vector<8x16000xi1> to vector<8x16000xi32>
      %sign3A_65 = arith.constant 0 : i32
      %sign3A_66 = vector.broadcast %sign3A_65 : i32 to vector<8x16000xi32>
      %sign3A_67 = arith.cmpi slt, %iota3A_60, %sign3A_66 : vector<8x16000xi32>
      %sign3A_68 = arith.extui %sign3A_67 : vector<8x16000xi1> to vector<8x16000xi32>
      %sign3A_69 = arith.subi %sign3A_64, %sign3A_68 : vector<8x16000xi32>
      %sign3A_70 = arith.constant 0 : i32
      %sign3A_71 = arith.cmpi sgt, %jit3A, %sign3A_70 : i32
      %sign3A_72 = arith.extui %sign3A_71 : i1 to i32
      %sign3A_73 = arith.constant 0 : i32
      %sign3A_74 = arith.cmpi slt, %jit3A, %sign3A_73 : i32
      %sign3A_75 = arith.extui %sign3A_74 : i1 to i32
      %sign3A_76 = arith.subi %sign3A_72, %sign3A_75 : i32
      %ne3A = vector.broadcast %sign3A_76 : i32 to vector<8x16000xi32>
      %ne3A_77 = arith.cmpi ne, %sign3A_69, %ne3A : vector<8x16000xi32>
      %rem3A = vector.broadcast %jit3A : i32 to vector<8x16000xi32>
      %rem3A_78 = arith.remsi %iota3A_60, %rem3A : vector<8x16000xi32>
      %ne3A_79 = arith.constant 0 : i32
      %ne3A_80 = vector.broadcast %ne3A_79 : i32 to vector<8x16000xi32>
      %ne3A_81 = arith.cmpi ne, %rem3A_78, %ne3A_80 : vector<8x16000xi32>
      %and3A = arith.andi %ne3A_77, %ne3A_81 : vector<8x16000xi1>
      %sub3A_82 = arith.constant 1 : i32
      %sub3A_83 = vector.broadcast %sub3A_82 : i32 to vector<8x16000xi32>
      %sub3A_84 = arith.subi %div3A_61, %sub3A_83 : vector<8x16000xi32>
      %select_n3A = arith.select %and3A, %sub3A_84, %div3A_61 : vector<8x16000xi1>, vector<8x16000xi32>
      %eq3A_85 = arith.cmpi eq, %select_n3A, %iota3A : vector<8x16000xi32>
      %convert_element_type3A_86 = arith.extui %eq3A_85 : vector<8x16000xi1> to vector<8x16000xi32>
      %convert_element_type3A_87 = arith.sitofp %convert_element_type3A_86 : vector<8x16000xi32> to vector<8x16000xf32>
      %convert_element_type3A_88 = arith.truncf %convert_element_type3A_87 : vector<8x16000xf32> to vector<8x16000xbf16>
      %swap3A_89 = arith.constant 0 : index
      %swap3A_90 = arith.constant 0 : index
      %swap3A_91 = vector.load %arg8[%swap3A_89, %swap3A_90] : memref<8x16000xbf16, #tpu.memory_space<vmem>>, vector<8x16000xbf16>
      tpu.vector_store %arg8[%swap3A_89, %swap3A_90], %convert_element_type3A_88 {strides = array<i32>} : memref<8x16000xbf16, #tpu.memory_space<vmem>>, vector<8x16000xbf16>,
    } else {
    }
    %get3A = arith.constant 0 : index
    %get3A_2 = arith.constant 0 : index
    %get3A_3 = arith.constant 0 : index
    %get3A_4 = vector.load %arg1[%get3A, %get3A_2, %get3A_3] : memref<8x2000x128xf32, #tpu.memory_space<vmem>>, vector<8x2000x128xf32>
    %reshape3A = vector.shape_cast %get3A_4 : vector<8x2000x128xf32> to vector<16000x128xf32>
    %get3A_5 = arith.constant 0 : index
    %get3A_6 = arith.constant 0 : index
    %get3A_7 = vector.load %arg2[%get3A_5, %get3A_6] : memref<128x128xf32, #tpu.memory_space<vmem>>, vector<128x128xf32>
    %dot_general3A = arith.constant dense<0.000000e+00> : vector<16000x128xf32>
    %dot_general3A_8 = tpu.matmul %reshape3A, %get3A_7, %dot_general3A {dimension_numbers = #tpu.dot_dimension_numbers<[1], [0], [0], [1], [0, 0, 1, 1], [], []>, transpose_lhs_hint = false} : vector<16000x128xf32>, vector<128x128xf32>, vector<16000x128xf32> -> vector<16000x128xf32>
    %get3A_9 = arith.constant 0 : index
    %get3A_10 = arith.constant 0 : index
    %get3A_11 = vector.load %arg3[%get3A_9, %get3A_10] : memref<1x128xf32, #tpu.memory_space<vmem>>, vector<1x128xf32>
    %add3A = vector.broadcast %get3A_11 : vector<1x128xf32> to vector<16000x128xf32>
    %add3A_12 = arith.addf %dot_general3A_8, %add3A : vector<16000x128xf32>
    %tanh3A = math.tanh %add3A_12 : vector<16000x128xf32>
    %get3A_13 = arith.constant 0 : index
    %get3A_14 = arith.constant 0 : index
    %get3A_15 = vector.load %arg8[%get3A_13, %get3A_14] : memref<8x16000xbf16, #tpu.memory_space<vmem>>, vector<8x16000xbf16>
    %convert_element_type3A_16 = arith.truncf %tanh3A : vector<16000x128xf32> to vector<16000x128xbf16>
    %dot_general3A_17 = arith.constant dense<0.000000e+00> : vector<8x128xf32>
    %dot_general3A_18 = tpu.matmul %get3A_15, %convert_element_type3A_16, %dot_general3A_17 {dimension_numbers = #tpu.dot_dimension_numbers<[1], [0], [0], [1], [0, 0, 1, 1], [], []>, transpose_lhs_hint = false} : vector<8x16000xbf16>, vector<16000x128xbf16>, vector<8x128xf32> -> vector<8x128xf32>
    %get3A_19 = arith.constant 0 : index
    %get3A_20 = arith.constant 0 : index
    %get3A_21 = vector.load %arg4[%get3A_19, %get3A_20] : memref<1x128xf32, #tpu.memory_space<vmem>>, vector<1x128xf32>
    %convert_element_type3A_22 = arith.truncf %get3A_21 : vector<1x128xf32> to vector<1x128xbf16>
    %convert_element_type3A_23 = arith.extf %convert_element_type3A_22 : vector<1x128xbf16> to vector<1x128xf32>
    %mul3A = vector.broadcast %convert_element_type3A_23 : vector<1x128xf32> to vector<8x128xf32>
    %mul3A_24 = arith.mulf %dot_general3A_18, %mul3A : vector<8x128xf32>
    %reduce_sum3A = arith.constant dense<0.000000e+00> : vector<8xf32>
    %reduce_sum3A_25 = vector.multi_reduction <add>, %mul3A_24, %reduce_sum3A [1] : vector<8x128xf32> to vector<8xf32>
    %broadcast_in_dim3A = vector.shape_cast %reduce_sum3A_25 : vector<8xf32> to vector<8x1xf32>
    %broadcast_in_dim3A_26 = vector.shape_cast %broadcast_in_dim3A : vector<8x1xf32> to vector<8x1xf32>
    %broadcast_in_dim3A_27 = vector.broadcast %broadcast_in_dim3A_26 : vector<8x1xf32> to vector<8x128xf32>
    %get3A_28 = arith.constant 0 : index
    %get3A_29 = arith.constant 0 : index
    %get3A_30 = vector.load %arg7[%get3A_28, %get3A_29] : memref<8x128xf32, #tpu.memory_space<vmem>>, vector<8x128xf32>
    %sub3A = arith.subf %broadcast_in_dim3A_27, %get3A_30 : vector<8x128xf32>
    %get3A_31 = arith.constant 0 : index
    %get3A_32 = arith.constant 0 : index
    %get3A_33 = vector.load %arg6[%get3A_31, %get3A_32] : memref<8x128xf32, #tpu.memory_space<vmem>>, vector<8x128xf32>
    %add3A_34 = arith.addf %get3A_33, %sub3A : vector<8x128xf32>
    %get3A_35 = arith.constant 0 : index
    %get3A_36 = arith.constant 0 : index
    %get3A_37 = vector.load %arg6[%get3A_35, %get3A_36] : memref<8x128xf32, #tpu.memory_space<vmem>>, vector<8x128xf32>
    %sub3A_38 = arith.subf %add3A_34, %get3A_37 : vector<8x128xf32>
    %sub3A_39 = arith.subf %sub3A_38, %sub3A : vector<8x128xf32>
    %swap3A = arith.constant 0 : index
    %swap3A_40 = arith.constant 0 : index
    %swap3A_41 = vector.load %arg7[%swap3A, %swap3A_40] : memref<8x128xf32, #tpu.memory_space<vmem>>, vector<8x128xf32>
    tpu.vector_store %arg7[%swap3A, %swap3A_40], %sub3A_39 {strides = array<i32>} : memref<8x128xf32, #tpu.memory_space<vmem>>, vector<8x128xf32>,
    %swap3A_42 = arith.constant 0 : index
    %swap3A_43 = arith.constant 0 : index
    %swap3A_44 = vector.load %arg6[%swap3A_42, %swap3A_43] : memref<8x128xf32, #tpu.memory_space<vmem>>, vector<8x128xf32>
    tpu.vector_store %arg6[%swap3A_42, %swap3A_43], %add3A_34 {strides = array<i32>} : memref<8x128xf32, #tpu.memory_space<vmem>>, vector<8x128xf32>,
    %eq3A_45 = arith.constant 24 : i32
    %eq3A_46 = arith.cmpi eq, %arg0, %eq3A_45 : i32
    %convert_element_type3A_47 = arith.extui %eq3A_46 : i1 to i32
    %cond3A_48 = arith.constant 0 : i32
    %cond3A_49 = arith.cmpi ne, %convert_element_type3A_47, %cond3A_48 : i32
    scf.if %cond3A_49 {
      %get3A_50 = arith.constant 0 : index
      %get3A_51 = arith.constant 0 : index
      %get3A_52 = vector.load %arg6[%get3A_50, %get3A_51] : memref<8x128xf32, #tpu.memory_space<vmem>>, vector<8x128xf32>
      %mul3A_53 = arith.constant 1.250000e-01 : f32
      %mul3A_54 = vector.broadcast %mul3A_53 : f32 to vector<8x128xf32>
      %mul3A_55 = arith.mulf %get3A_52, %mul3A_54 : vector<8x128xf32>
      %reduce_max3A = arith.constant dense<0xFF800000> : vector<128xf32>
      %reduce_max3A_56 = vector.multi_reduction <maximumf>, %mul3A_55, %reduce_max3A [0] : vector<8x128xf32> to vector<128xf32>
      %broadcast_in_dim3A_57 = vector.shape_cast %reduce_max3A_56 : vector<128xf32> to vector<1x128xf32>
      %sub3A_58 = vector.broadcast %broadcast_in_dim3A_57 : vector<1x128xf32> to vector<8x128xf32>
      %sub3A_59 = arith.subf %mul3A_55, %sub3A_58 : vector<8x128xf32>
      %exp3A = math.exp %sub3A_59 : vector<8x128xf32>
      %reduce_sum3A_60 = arith.constant dense<0.000000e+00> : vector<128xf32>
      %reduce_sum3A_61 = vector.multi_reduction <add>, %exp3A, %reduce_sum3A_60 [0] : vector<8x128xf32> to vector<128xf32>
      %broadcast_in_dim3A_62 = vector.shape_cast %reduce_sum3A_61 : vector<128xf32> to vector<1x128xf32>
      %div3A = vector.broadcast %broadcast_in_dim3A_62 : vector<1x128xf32> to vector<8x128xf32>
      %div3A_63 = arith.divf %exp3A, %div3A : vector<8x128xf32>
      %swap3A_64 = arith.constant 0 : index
      %swap3A_65 = arith.constant 0 : index
      %swap3A_66 = vector.load %arg5[%swap3A_64, %swap3A_65] : memref<8x128xf32, #tpu.memory_space<vmem>>, vector<8x128xf32>
      tpu.vector_store %arg5[%swap3A_64, %swap3A_65], %div3A_63 {strides = array<i32>} : memref<8x128xf32, #tpu.memory_space<vmem>>, vector<8x128xf32>,
    } else {
    }
    return
  }
  func.func @transform_0(%arg0: i32) -> (i32, i32, i32) {
    %c0_i32 = arith.constant 0 : i32
    %c0_i32_0 = arith.constant 0 : i32
    %c0_i32_1 = arith.constant 0 : i32
    return %c0_i32, %arg0, %c0_i32_0 : i32, i32, i32
  }
  func.func @transform_1(%arg0: i32) -> (i32, i32) {
    %c0_i32 = arith.constant 0 : i32
    %c0_i32_0 = arith.constant 0 : i32
    %c0_i32_1 = arith.constant 0 : i32
    return %c0_i32, %c0_i32_0 : i32, i32
  }
  func.func @transform_2(%arg0: i32) -> (i32, i32) {
    %c0_i32 = arith.constant 0 : i32
    %c0_i32_0 = arith.constant 0 : i32
    %c0_i32_1 = arith.constant 0 : i32
    return %c0_i32, %c0_i32_0 : i32, i32
  }
  func.func @transform_3(%arg0: i32) -> (i32, i32) {
    %c0_i32 = arith.constant 0 : i32
    %c0_i32_0 = arith.constant 0 : i32
    %c0_i32_1 = arith.constant 0 : i32
    return %c0_i32, %c0_i32_0 : i32, i32
  }
  func.func @transform_4(%arg0: i32) -> (i32, i32) {
    %c0_i32 = arith.constant 0 : i32
    %c0_i32_0 = arith.constant 0 : i32
    %c0_i32_1 = arith.constant 0 : i32
    return %c0_i32, %c0_i32_0 : i32, i32
  }
}

</mosaic_0001>

<sc_bundles>
// kernel: kernel.5.cloned.1.call-start
scs
__scs_entry_jumppad:
0x0: {  	(pc) =	sbr.rel $0x88, $3  }
0x1: {  	(tag) =	ssettag $0x0;
	lr =	simm.s32 $0x1  }
0x2: {  	[smem:$0x3F9D] =	sst lr;
	_ =	strace $0xD0000000  }
0x3: {  	_ = 	snop  }
0x4: {  	_ = 	snop  }
0x5: {  	_ = 	snop  }
0x6: {  	_ = 	snop  }
0x7: {  	_ = 	snop  }
__scs_overlays_trampoline_lowered:
0x8: {  	[smem:$0x3FAC] =	sst s0  }
0x9: {  	[smem:$0x3FAD] =	sst s1  }
0xa: {  	[smem:$0x3FAE] =	sst s2  }
0xb: {  	[smem:$0x3FAF] =	sst s3  }
0xc: {  	[smem:$0x3FB0] =	sst s4  }
0xd: {  	[smem:$0x3FB1] =	sst s5  }
0xe: {  	[smem:$0x3FB2] =	sst s6  }
0xf: {  	[smem:$0x3FB3] =	sst s7  }
0x10: {  	[smem:$0x3FB4] =	sst s8  }
0x11: {  	[smem:$0x3FB5] =	sst s9;
	s0 =	simm.s32 @!p0 $0x0  }
0x12: {  	s1 =	sld [smem:$0x3F9B];
	s0 =	simm.s32 @p0 $0x1  }
0x13: {  	[smem:$0x3FB6] =	sst s0;
	s0 =	simm.s32 @!p1 $0x0  }
0x14: {  	s2 =	sld [smem:$0x3F9A];
	s0 =	simm.s32 @p1 $0x1  }
0x15: {  	[smem:$0x3FB7] =	sst s0;
	s0 =	simm.s32 @!p2 $0x0  }
0x16: {  	s3 =	sld [smem:$0x3FDB];
	s0 =	simm.s32 @p2 $0x1  }
0x17: {  	s4 =	simm.s32 $0x1BF5;
	[smem:$0x3FB9] =	sst s0  }
0x18: {  	s0 =	sld [smem:$0x3F9C];
	_ =	swait.ge [sflag:s4], $0x0  }
0x19: {  	s7 =	sld [smem:$0x3F9D]  }
0x1a: {  	s8 =	sadd.s32 $0xFFFFE003, lr  }
0x1b: {  	s9 =	sadd.s32 $0xFFFFFEF7, lr;
	s5 =	simm.s32 $0xFFFFFFFF;
	p2 =	slt.u32 s8, $0xFFFFF086  }
0x1c: {  	p1 =	slt.u32 s9, $0xF7A;
	s5 =	simm.s32 @!p2 $0x0  }
0x1d: {  	s5 =	simm.s32 @p1 $0x1;
	p0 =	seq.s32 s7, s2  }
0x1e: {  	s7 =	smul.u32 @!p0 $0xF7A, s2;
	p2 =	seq.s32 @!p0 s5, $0x0  }
0x1f: {  	s9 =	smul.u32 $0xF7A, s1;
	s8 =	simm.s32 @!p0 $0x1BF5;
	p2 =	por !p2, p0  }
0x20: {  	[sflag:s8] =	ssyncset.s32 @!p0 $0xFFFFF086;
	s6 =	sadd.s32 @!p0 s3, s7;
	s7 =	simm.s32 @!p0 $0x108  }
0x21: {  	s3 =	sadd.s32 s3, s9;
	s6 =	sadd.s32 @!p0 $0x88, s6;
	s7 =	simm.s32 @p2 $0x1082  }
0x22: {  	[simem:s7], [sflag:s8] =	dma.local @!p0 [hbm:s6], $0xF7A  }
0x23: {  	s9 =	sor.u32 $0xD0000000, s2;
	s6 =	simm.s32 $0x108;
	_ =	swait.ge @!p0 [sflag:s8], $0x0  }
0x24: {  	s3 =	sadd.s32 $0x88, s3;
	s6 =	simm.s32 @!p1 $0x1082;
	[sflag:s4] =	ssyncset.s32 $0xFFFFF086  }
0x25: {  	[simem:s6], [sflag:s4] =	dma.local [hbm:s3], $0xF7A  }
0x26: {  	[smem:$0x3F9D] =	sst s1;
	(tag) =	ssettag s2;
	_ =	strace s9  }
0x27: {  	s1 =	sld [smem:$0x3FAD]  }
0x28: {  	s2 =	sld [smem:$0x3FAE]  }
0x29: {  	s4 =	sld [smem:$0x3FB0]  }
0x2a: {  	p0 =	seq.s32 s5, $0x0;
	s5 =	sld [smem:$0x3FB1]  }
0x2b: {  	s6 =	sld [smem:$0x3FB2]  }
0x2c: {  	s7 =	sld [smem:$0x3FB3]  }
0x2d: {  	s3 =	simm.s32 $0x108;
	s8 =	sld [smem:$0x3FB4]  }
0x2e: {  	s3 =	simm.s32 @!p0 $0x1082;
	s9 =	sld [smem:$0x3FB5]  }
0x2f: {  	lr =	sadd.s32 s0, s3;
	s0 =	sld [smem:$0x3FAC]  }
0x30: {  	s3 =	sld [smem:$0x3FAF]  }
0x31: {  	[smem:$0x3FB8] =	sst s10  }
0x32: {  	s10 =	sld [smem:$0x3FB6];
	_ =	sdelay $0x3  }
0x33: {  	p0 =	seq.s32 s10, $0x1;
	s10 =	sld [smem:$0x3FB8];
	_ =	sdelay $0x3  }
0x34: {  	[smem:$0x3FB8] =	sst s10  }
0x35: {  	s10 =	sld [smem:$0x3FB7];
	_ =	sdelay $0x3  }
0x36: {  	p1 =	seq.s32 s10, $0x1;
	s10 =	sld [smem:$0x3FB8];
	_ =	sdelay $0x3  }
0x37: {  	[smem:$0x3FB8] =	sst s10  }
0x38: {  	s10 =	sld [smem:$0x3FB9]  }
0x39: {  	_ = 	snop;
	(pc) =	sbr.ind lr, $3  }
0x3a: {  	_ = 	snop  }
0x3b: {  	_ = 	snop  }
0x3c: {  	p2 =	seq.s32 s10, $0x1;
	s10 =	sld [smem:$0x3FB8]  }
0x3d: {  	_ =	shalt  }
0x3e: {  	_ =	shalt  }
0x3f: {  	_ =	shalt  }
0x40: {  	_ =	shalt  }
0x41: {  	_ =	shalt  }
0x42: {  	_ =	shalt  }
0x43: {  	_ =	shalt  }
0x44: {  	_ =	shalt  }
0x45: {  	_ =	shalt  }
0x46: {  	_ =	shalt  }
0x47: {  	_ =	shalt  }
0x48: {  	_ =	shalt  }
0x49: {  	_ =	shalt  }
0x4a: {  	_ =	shalt  }
0x4b: {  	_ =	shalt  }
0x4c: {  	_ =	shalt  }
0x4d: {  	_ =	shalt  }
0x4e: {  	_ =	shalt  }
0x4f: {  	_ =	shalt  }
0x50: {  	_ =	shalt  }
0x51: {  	_ =	shalt  }
0x52: {  	_ =	shalt  }
0x53: {  	_ =	shalt  }
0x54: {  	_ =	shalt  }
0x55: {  	_ =	shalt  }
0x56: {  	_ =	shalt  }
0x57: {  	_ =	shalt  }
0x58: {  	_ =	shalt  }
0x59: {  	_ =	shalt  }
0x5a: {  	_ =	shalt  }
0x5b: {  	_ =	shalt  }
0x5c: {  	_ =	shalt  }
0x5d: {  	_ =	shalt  }
0x5e: {  	_ =	shalt  }
0x5f: {  	_ =	shalt  }
0x60: {  	_ =	shalt  }
0x61: {  	_ =	shalt  }
0x62: {  	_ =	shalt  }
0x63: {  	_ =	shalt  }
0x64: {  	_ =	shalt  }
0x65: {  	_ =	shalt  }
0x66: {  	_ =	shalt  }
0x67: {  	_ =	shalt  }
0x68: {  	_ =	shalt  }
0x69: {  	_ =	shalt  }
0x6a: {  	_ =	shalt  }
0x6b: {  	_ =	shalt  }
0x6c: {  	_ =	shalt  }
0x6d: {  	_ =	shalt  }
0x6e: {  	_ =	shalt  }
0x6f: {  	_ =	shalt  }
0x70: {  	_ =	shalt  }
0x71: {  	_ =	shalt  }
0x72: {  	_ =	shalt  }
0x73: {  	_ =	shalt  }
0x74: {  	_ =	shalt  }
0x75: {  	_ =	shalt  }
0x76: {  	_ =	shalt  }
0x77: {  	_ =	shalt  }
0x78: {  	_ =	shalt  }
0x79: {  	_ =	shalt  }
0x7a: {  	_ =	shalt  }
0x7b: {  	_ =	shalt  }
0x7c: {  	_ =	shalt  }
0x7d: {  	_ =	shalt  }
0x7e: {  	_ =	shalt  }
0x7f: {  	_ =	shalt  }
0x80: {  	_ =	shalt  }
0x81: {  	_ =	shalt  }
0x82: {  	_ =	shalt  }
0x83: {  	_ =	shalt  }
0x84: {  	_ =	shalt  }
0x85: {  	_ =	shalt  }
0x86: {  	_ =	shalt  }
0x87: {  	_ =	shalt  }
.Lfunc_end0:
.L_simem_size_0:
called_computation_lowered:
.L_overlay_start_0:
0x88: {  	s2 =	sld [smem:$0x3FD9]  }
0x89: {  	s3 =	sld [smem:$0x3FFE];
	_ =	sdelay $0x1  }
0x8a: {  	s1 =	srdreg.scid  }
0x8b: {  	s0 =	sand.u32 $0x1, s1  }
0x8c: {  	s17 =	sshll.u32 s0, $0xA;
	s2 =	sadd.s32 s3, s2  }
0x8d: {  	s2 =	sadd.s32 s2, s17  }
0x8e: {  	[smem:$0x3FC4] =	sst s2  }
0x8f: {  	_ = 	snop  }
0x90: {  	s2 =	sld [smem:$0x3FC9];
	(tm) =	ssettm $0x1  }
0x91: {  	s18 =	sld [smem:$0x3FFB];
	_ =	sdelay $0x3  }
0x92: {  	_ =	strace s18  }
0x93: {  	s3 =	sld [smem:$0x3FFC];
	_ =	sdelay $0x3  }
0x94: {  	_ =	strace s3  }
0x95: {  	s3 =	sld [smem:$0x3FFD];
	_ =	sdelay $0x3  }
0x96: {  	_ =	strace s3  }
0x97: {  	_ =	strace $0x8FFFFFFF  }
0x98: {  	s19 =	sld [smem:$0x3FDB];
	_ =	sdelay $0x1  }
0x99: {  	s4 =	simm.s32 $_scs_section_size  }
0x9a: {  	s5 =	simm.s32 $_size__tile_overlayer_lowered;
	s6 =	simm.s32 $_tile_overlayer_lowered  }
0x9b: {  	s22 =	simm.s32 $0x1BFF;
	s21 =	sshll.u32 s6, $0x1;
	s3 =	sadd.s32 s4, s19  }
0x9c: {  	s7 =	simm.s32 $0x0;
	s20 =	sshll.u32 s5, $0x1;
	s5 =	sadd.s32 s21, s3  }
0x9d: {  	[timem:s7], [sflag:s22] =	dma.local [hbm:s5], s20  }
0x9e: {  	_ =	swait.ge [sflag:s22], s20  }
0x9f: {  	s4 =	ssub.s32 $0x0, s20;
	[sflag:s22] =	ssyncset.done $0x0  }
0xa0: {  	[sflag:s22] =	ssyncadd.s32 s4;
	_ =	sdelay $0x1  }
0xa1: {  	s23 =	simm.s32 $0x1B8B  }
0xa2: {  	_ =	swait.ge [sflag:s23], $0x1  }
0xa3: {  	[sflag:s23] =	ssyncset.done $0x0  }
0xa4: {  	s25 =	simm.s32 $0x1B8E;
	s24 =	sld [smem:$0x3FFE];
	[sflag:s23] =	ssyncadd.s32 $0xFFFFFFFF  }
0xa5: {  	s26 =	simm.s32 $execute0_lowered;
	[smem:$0x3FD2] =	sst s25  }
0xa6: {  	s5 =	sshll.u32 s26, $0x1;
	_ =	strace $0x80000046;
	[dreg:$0x1] =	wrdreg $0xFFFFFFFF  }
0xa7: {  	s28 =	simm.s32 $_size_execute0_lowered;
	s3 =	sadd.s32 s3, s5;
	[dreg:$0x0] =	wrdreg $0x0  }
0xa8: {  	s5 =	sshll.u32 s28, $0x1;
	[dreg:$0x2] =	wrdreg s3  }
0xa9: {  	[dreg:$0x3] =	wrdreg s5  }
0xaa: {  	[dreg:$0x4] =	wrdreg $0xC0  }
0xab: {  	_ =	task [dreg:s7], $0x5FFFF  }
0xac: {  	[dreg:$0x1] =	wrdreg $0xFFFFFFFF  }
0xad: {  	[dreg:$0x0] =	wrdreg $0x60  }
0xae: {  	[dreg:$0x2] =	wrdreg s2  }
0xaf: {  	[dreg:$0x3] =	wrdreg s24  }
0xb0: {  	[dreg:$0x4] =	wrdreg $0x9  }
0xb1: {  	_ =	task.clear_ibuf [dreg:s7], $0x5FFFF;
	_ =	strace $0x90000046  }
0xb2: {  	s29 =	simm.s32 $0x9;
	_ =	strace $0x80000048  }
0xb3: {  	_ =	swait.ge [sflag:s29], $0x1  }
0xb4: {  	[sflag:s29] =	ssyncadd.s32 $0xFFFFFFFF  }
0xb5: {  	_ =	strace $0x90000048  }
0xb6: {  	_ =	sfence  }
0xb7: {  	s30 =	sld [smem:$0x0];
	_ =	sdelay $0x2  }
0xb8: {  	s31 =	sshll.u32 s1, $0xD;
	s1 =	sshrl.u32 s1, $0x2  }
0xb9: {  	s3 =	sand.u32 $0x4000, s31;
	s1 =	sadd.s32 s1, s30  }
0xba: {  	s0 =	sor.u32 s3, s0;
	s1 =	sshll.u32 s1, $0x11  }
0xbb: {  	s0 =	sor.u32 s1, s0  }
0xbc: {  	s0 =	sadd.s32 $0x8F2B, s0  }
0xbd: {  	[sflag:s0] =	ssyncadd.remote.s32 $0x1  }
0xbe: {  	_ =	sfence.sel $0xFFFF  }
0xbf: {  	[dreg:$0x0] =	wrdreg $0xFFFFFFFF;
	(pc) =	sbr.abs _section_cstart, $3  }
0xc0: {  	[dreg:$0x1] =	wrdreg $0xFFFFFFFF  }
0xc1: {  	_ =	task.clear_ibuf [dreg:s7], $0x2FFFF;
	_ =	strace $0x9FFFFFFF  }
0xc2: {  	(tm) =	ssettm $0x7FFFFFFF  }
0xc3: {  	_ =	shalt  }
tec
execute0_lowered:
.L_overlay_start_1:
0x0: {  	(tag) =	ssettag $0x1  }
0x1: {  	s0 =	srdreg.scid;
	s2 =	rddreg [dreg:$0x0]  }
0x2: {  	s1 =	stileid.u32;
	s6 =	rddreg [dreg:$0x1];
	s4 =	simm.s32 $0x0  }
0x3: {  	s19 =	simm.s32 $0x3;
	s29 =	simm.s32 $0x8400;
	s30 =	simm.s32 $0x9400  }
0x4: {  	s31 =	simm.s32 $0xA400;
	s20 =	simm.s32 $0xD400;
	s21 =	simm.s32 $0xE400  }
0x5: {  	s0 =	sand.u32 $0x1, s0;
	s1 =	sshll.u32 s1, $0x1;
	[smem:$0x7FF] =	sst s4  }
0x6: {  	s9 =	sadd.s32 $0xE00, s6;
	s1 =	sor.u32 s0, s1;
	_ =	strace $0x80000047  }
0x7: {  	[dreg:$0x3] =	wrdreg s9;
	s0 =	ssub.s32 $0x2, s0;
	s3 =	smul.u32 $0x280, s1  }
0x8: {  	s23 =	sshrl.u32 s0, $0x1;
	s16 =	smul.u32 $0x14000, s1;
	s1 =	simm.s32 $0xB400  }
0x9: {  	s0 =	ssub.s32 s0, s23;
	s23 =	simm.s32 $0x1;
	s5 =	sadd.s32 $0x7350, s3  }
0xa: {  	s18 =	smax.u32 s0, $0x1;
	s8 =	sshll.u32 s5, $0x7;
	s26 =	sshll.u32 s5, $0x4  }
0xb: {  	s0 =	simm.s32 $0xC400;
	s7 =	sshrl.u32 s8, $0x3;
	s13 =	sadd.s32 s2, s26  }
0xc: {  	s17 =	sadd.s32 $0x2000, s8;
	s26 =	simm.s32 $0x0;
	s22 =	sadd.s32 s2, s7  }
0xd: {  	s7 =	sadd.s32 $0x1000, s6;
	s10 =	sadd.s32 $0xC3500, s22;
	s24 =	sadd.s32 $0x186A00, s22  }
0xe: {  	s25 =	sadd.s32 $0x249F00, s22;
	s28 =	sadd.s32 $0x30D400, s22;
	[dreg:$0x4] =	wrdreg s10  }
0xf: {  	s12 =	sadd.s32 $0x3D0900, s22;
	s14 =	sadd.s32 $0x493E00, s22;
	[dreg:$0x5] =	wrdreg s24  }
0x10: {  	s15 =	sadd.s32 $0x557300, s22;
	s22 =	simm.s32 $0xF400;
	[dreg:$0x6] =	wrdreg s25  }
0x11: {  	[dreg:$0x7] =	wrdreg s28;
	s24 =	simm.s32 $0x10400;
	s25 =	simm.s32 $0x2  }
.LBB2_1:
0x12: {  	s6 =	rddreg [dreg:$0x3]  }
0x13: {  	[tilespmem:s4], [sflag:$0x3] =	stream.linear.gather [hbm4b:s6+s4], $0x400, $0x38;
	[tilespmem:$0x11400] =	vst v63  }
0x14: {  	_ =	swait.ge [sflag:s19], $0x400  }
0x15: {  	[sflag:s19] =	ssyncset.done $0x0  }
0x16: {  	[sflag:s19] =	ssyncadd.s32 $0xFFFFFC00  }
0x17: {  	v0 =	vld [tilespmem:$0x0]  }
0x18: {  	v1 =	vld [tilespmem:$0x80]  }
0x19: {  	v2 =	vld [tilespmem:$0x100]  }
0x1a: {  	v3 =	vld [tilespmem:$0x180]  }
0x1b: {  	v4 =	vld [tilespmem:$0x200]  }
0x1c: {  	v5 =	vld [tilespmem:$0x280]  }
0x1d: {  	s8 =	simm.s32 $0x400;
	v6 =	vld [tilespmem:$0x300]  }
0x1e: {  	v7 =	vld [tilespmem:$0x380];
	[tilespmem:s8], [sflag:$0x1] =	stream.linear.gather [hbm4b:s13+s4], $0x1000, $0x38  }
0x1f: {  	s9 =	rddreg [dreg:$0x4];
	s8 =	simm.s32 $0x1400  }
0x20: {  	[tilespmem:s8], [sflag:$0x1] =	stream.linear.gather [hbm4b:s9+s4], $0x1000, $0x38;
	[tilespmem:$0x11400] =	vst v63  }
0x21: {  	s11 =	simm.s32 $0x2400;
	s10 =	rddreg [dreg:$0x5]  }
0x22: {  	[tilespmem:s11], [sflag:$0x1] =	stream.linear.gather [hbm4b:s10+s4], $0x1000, $0x38;
	[tilespmem:$0x11400] =	vst v63  }
0x23: {  	s8 =	rddreg [dreg:$0x6];
	s9 =	simm.s32 $0x3400  }
0x24: {  	[tilespmem:s9], [sflag:$0x1] =	stream.linear.gather [hbm4b:s8+s4], $0x1000, $0x38;
	[tilespmem:$0x11400] =	vst v63  }
0x25: {  	s10 =	rddreg [dreg:$0x7];
	s11 =	simm.s32 $0x4400  }
0x26: {  	[tilespmem:s11], [sflag:$0x1] =	stream.linear.gather [hbm4b:s10+s4], $0x1000, $0x38;
	[tilespmem:$0x11400] =	vst v63  }
0x27: {  	s9 =	simm.s32 $0x5400  }
0x28: {  	[tilespmem:s9], [sflag:$0x1] =	stream.linear.gather [hbm4b:s12+s4], $0x1000, $0x38;
	[tilespmem:$0x11400] =	vst v63  }
0x29: {  	s10 =	simm.s32 $0x6400  }
0x2a: {  	[tilespmem:s10], [sflag:$0x1] =	stream.linear.gather [hbm4b:s14+s4], $0x1000, $0x38;
	[tilespmem:$0x11400] =	vst v63  }
0x2b: {  	s28 =	simm.s32 $0x0;
	s11 =	simm.s32 $0x7400  }
0x2c: {  	[tilespmem:s11], [sflag:$0x1] =	stream.linear.gather [hbm4b:s15+s4], $0x1000, $0x38;
	[tilespmem:$0x11400] =	vst v63  }
.LBB2_2:
0x2d: {  	s6 =	sshll.u32 s28, $0x6  }
0x2e: {  	s6 =	sor.u32 $0x20, s6  }
0x2f: {  	s8 =	sadd.s32 s5, s6  }
0x30: {  	s8 =	sshll.u32 s8, $0x4  }
0x31: {  	s10 =	simm.s32 $0x0;
	s9 =	sadd.s32 s2, s8;
	s8 =	sand.u32 $0x1FFFFFF0, s8  }
0x32: {  	[tilespmem:s29], [sflag:$0x2] =	stream.linear.gather [hbm4b:s9+s10], $0x1000, $0x38;
	[tilespmem:$0x11400] =	vst v63  }
0x33: {  	s8 =	sadd.s32 s2, s8  }
0x34: {  	s11 =	sadd.s32 $0xC3500, s8  }
0x35: {  	[tilespmem:s30], [sflag:$0x2] =	stream.linear.gather [hbm4b:s11+s10], $0x1000, $0x38;
	[tilespmem:$0x11400] =	vst v63  }
0x36: {  	s11 =	sadd.s32 $0x186A00, s8  }
0x37: {  	[tilespmem:s31], [sflag:$0x2] =	stream.linear.gather [hbm4b:s11+s10], $0x1000, $0x38;
	[tilespmem:$0x11400] =	vst v63  }
0x38: {  	s11 =	sadd.s32 $0x249F00, s8  }
0x39: {  	[tilespmem:s1], [sflag:$0x2] =	stream.linear.gather [hbm4b:s11+s10], $0x1000, $0x38;
	[tilespmem:$0x11400] =	vst v63  }
0x3a: {  	s11 =	sadd.s32 $0x30D400, s8  }
0x3b: {  	[tilespmem:s0], [sflag:$0x2] =	stream.linear.gather [hbm4b:s11+s10], $0x1000, $0x38;
	[tilespmem:$0x11400] =	vst v63  }
0x3c: {  	s11 =	sadd.s32 $0x3D0900, s8  }
0x3d: {  	[tilespmem:s20], [sflag:$0x2] =	stream.linear.gather [hbm4b:s11+s10], $0x1000, $0x38;
	[tilespmem:$0x11400] =	vst v63  }
0x3e: {  	s11 =	sadd.s32 $0x493E00, s8  }
0x3f: {  	[tilespmem:s21], [sflag:$0x2] =	stream.linear.gather [hbm4b:s11+s10], $0x1000, $0x38;
	[tilespmem:$0x11400] =	vst v63  }
0x40: {  	s8 =	sadd.s32 $0x557300, s8  }
0x41: {  	[tilespmem:s22], [sflag:$0x2] =	stream.linear.gather [hbm4b:s8+s10], $0x1000, $0x38;
	[tilespmem:$0x11400] =	vst v63  }
0x42: {  	_ =	swait.ge [sflag:s23], $0x1000  }
0x43: {  	[sflag:s23] =	ssyncset.done $0x0  }
0x44: {  	[sflag:s23] =	ssyncadd.s32 $0xFFFFF000  }
0x45: {  	_ =	swait.ge [sflag:s23], $0x1000  }
0x46: {  	[sflag:s23] =	ssyncset.done $0x0  }
0x47: {  	[sflag:s23] =	ssyncadd.s32 $0xFFFFF000  }
0x48: {  	_ =	swait.ge [sflag:s23], $0x1000  }
0x49: {  	[sflag:s23] =	ssyncset.done $0x0  }
0x4a: {  	[sflag:s23] =	ssyncadd.s32 $0xFFFFF000  }
0x4b: {  	_ =	swait.ge [sflag:s23], $0x1000  }
0x4c: {  	[sflag:s23] =	ssyncset.done $0x0  }
0x4d: {  	[sflag:s23] =	ssyncadd.s32 $0xFFFFF000  }
0x4e: {  	_ =	swait.ge [sflag:s23], $0x1000  }
0x4f: {  	[sflag:s23] =	ssyncset.done $0x0  }
0x50: {  	[sflag:s23] =	ssyncadd.s32 $0xFFFFF000  }
0x51: {  	_ =	swait.ge [sflag:s23], $0x1000  }
0x52: {  	[sflag:s23] =	ssyncset.done $0x0  }
0x53: {  	[sflag:s23] =	ssyncadd.s32 $0xFFFFF000  }
0x54: {  	_ =	swait.ge [sflag:s23], $0x1000  }
0x55: {  	[sflag:s23] =	ssyncset.done $0x0  }
0x56: {  	[sflag:s23] =	ssyncadd.s32 $0xFFFFF000  }
0x57: {  	_ =	swait.ge [sflag:s23], $0x1000  }
0x58: {  	[sflag:s23] =	ssyncset.done $0x0  }
0x59: {  	s8 =	simm.s32 $0x0;
	[sflag:s23] =	ssyncadd.s32 $0xFFFFF000  }
0x5a: {  	v8 =	vld [tilespmem:s8+$0x470]  }
0x5b: {  	v9 =	vld [tilespmem:s8+$0x1470]  }
0x5c: {  	v10 =	vld [tilespmem:s8+$0x400]  }
0x5d: {  	v11 =	vld [tilespmem:s8+$0x2470]  }
0x5e: {  	v12 =	vld [tilespmem:s8+$0x1400]  }
0x5f: {  	v13 =	vld [tilespmem:s8+$0x3470]  }
0x60: {  	v14 =	vld [tilespmem:s8+$0x410]  }
0x61: {  	v15 =	vld [tilespmem:s8+$0x4470]  }
0x62: {  	v16 =	vld [tilespmem:s8+$0x1410]  }
0x63: {  	v17 =	vld [tilespmem:s8+$0x420]  }
0x64: {  	v18 =	vld [tilespmem:s8+$0x1420]  }
0x65: {  	v19 =	vld [tilespmem:s8+$0x430]  }
0x66: {  	v20 =	vld [tilespmem:s8+$0x440]  }
0x67: {  	v21 =	vld [tilespmem:s8+$0x450]  }
0x68: {  	v22 =	vld [tilespmem:s8+$0x460]  }
0x69: {  	v23 =	vld [tilespmem:s8+$0x2400]  }
0x6a: {  	v24 =	vld [tilespmem:s8+$0x2420]  }
0x6b: {  	v25 =	vld [tilespmem:s8+$0x2430]  }
0x6c: {  	v26 =	vld [tilespmem:s8+$0x2440]  }
0x6d: {  	v27 =	vld [tilespmem:s8+$0x2450];
	v8 =	vmul.f32 v8, v0;
	v9 =	vmul.f32 v9, v1  }
0x6e: {  	v28 =	vld [tilespmem:s8+$0x2460]  }
0x6f: {  	v29 =	vld [tilespmem:s8+$0x3400];
	v8 =	vadd.f32 v9, v8;
	v9 =	vmul.f32 v11, v2  }
0x70: {  	v11 =	vld [tilespmem:s8+$0x5470]  }
0x71: {  	v30 =	vld [tilespmem:s8+$0x3410];
	v8 =	vadd.f32 v9, v8;
	v9 =	vmul.f32 v13, v3  }
0x72: {  	v13 =	vld [tilespmem:s8+$0x6470]  }
0x73: {  	v31 =	vld [tilespmem:s8+$0x3420];
	v8 =	vadd.f32 v9, v8;
	v9 =	vmul.f32 v15, v4  }
0x74: {  	v15 =	vld [tilespmem:s8+$0x7470]  }
0x75: {  	v32 =	vld [tilespmem:s8+$0x3430];
	v8 =	vadd.f32 v9, v8;
	v9 =	vmul.f32 v11, v5  }
0x76: {  	v33 =	vld [tilespmem:s8+$0x3440]  }
0x77: {  	v34 =	vld [tilespmem:s8+$0x3450];
	v8 =	vadd.f32 v9, v8;
	v9 =	vmul.f32 v13, v6  }
0x78: {  	v35 =	vld [tilespmem:s8+$0x3460]  }
0x79: {  	v52 =	vld [tilespmem:s8+$0x4460];
	v8 =	vadd.f32 v9, v8;
	v9 =	vmul.f32 v15, v7  }
0x7a: {  	v10 =	vmul.f32 v10, v0;
	v12 =	vmul.f32 v12, v1;
	v13 =	vld [tilespmem:s8+$0x1440]  }
0x7b: {  	v14 =	vmul.f32 v14, v0;
	v16 =	vmul.f32 v16, v1;
	v11 =	vld [tilespmem:s8+$0x1430];
	v8 =	vadd.f32 v9, v8  }
0x7c: {  	v17 =	vmul.f32 v17, v0;
	v18 =	vmul.f32 v18, v1;
	v15 =	vld [tilespmem:s8+$0x1450]  }
0x7d: {  	v19 =	vmul.f32 v19, v0;
	v51 =	vmul.f32 v27, v2;
	[tilespmem:s8+$0x10470] =	vst v8;
	v8 =	vld [tilespmem:s8+$0x2410]  }
0x7e: {  	v54 =	vmul.f32 v30, v3;
	v56 =	vmul.f32 v33, v3;
	v10 =	vadd.f32 v12, v10;
	v9 =	vld [tilespmem:s8+$0x1460]  }
0x7f: {  	v53 =	vld [tilespmem:s8+$0x5410];
	v12 =	vmul.f32 v20, v0;
	v14 =	vadd.f32 v16, v14;
	v13 =	vmul.f32 v13, v1  }
0x80: {  	v55 =	vld [tilespmem:s8+$0x5420];
	v16 =	vmul.f32 v21, v0;
	v17 =	vadd.f32 v18, v17;
	v11 =	vmul.f32 v11, v1  }
0x81: {  	v57 =	vld [tilespmem:s8+$0x5430];
	v18 =	vmul.f32 v22, v0;
	v12 =	vadd.f32 v13, v12;
	v13 =	vmul.f32 v23, v2  }
0x82: {  	v20 =	vld [tilespmem:s8+$0x4400];
	v11 =	vadd.f32 v11, v19;
	v15 =	vmul.f32 v15, v1;
	v8 =	vmul.f32 v8, v2  }
0x83: {  	v58 =	vld [tilespmem:s8+$0x5440];
	v9 =	vmul.f32 v9, v1;
	v10 =	vadd.f32 v13, v10;
	v13 =	vmul.f32 v24, v2  }
0x84: {  	v21 =	vld [tilespmem:s8+$0x4410];
	v15 =	vadd.f32 v15, v16;
	v8 =	vadd.f32 v8, v14;
	v14 =	vmul.f32 v26, v2  }
0x85: {  	v19 =	vld [tilespmem:s8+$0x4430];
	v9 =	vadd.f32 v9, v18;
	v13 =	vadd.f32 v13, v17;
	v17 =	vmul.f32 v28, v2  }
0x86: {  	v16 =	vld [tilespmem:s8+$0x4440];
	v18 =	vmul.f32 v25, v2;
	v12 =	vadd.f32 v14, v12;
	v14 =	vmul.f32 v29, v3  }
0x87: {  	v22 =	vld [tilespmem:s8+$0x4420];
	v20 =	vmul.f32 v20, v4;
	v9 =	vadd.f32 v17, v9;
	v17 =	vmul.f32 v31, v3  }
0x88: {  	v11 =	vadd.f32 v18, v11;
	v18 =	vld [tilespmem:s8+$0x5400];
	v10 =	vadd.f32 v14, v10;
	v14 =	vmul.f32 v32, v3  }
0x89: {  	v23 =	vld [tilespmem:s8+$0x4450];
	v15 =	vadd.f32 v51, v15;
	v13 =	vadd.f32 v17, v13;
	v17 =	vmul.f32 v34, v3  }
0x8a: {  	v59 =	vld [tilespmem:s8+$0x5450];
	v19 =	vmul.f32 v19, v4;
	v11 =	vadd.f32 v14, v11;
	v14 =	vmul.f32 v35, v3  }
0x8b: {  	v60 =	vld [tilespmem:s8+$0x6440];
	v16 =	vmul.f32 v16, v4;
	v8 =	vadd.f32 v54, v8;
	v15 =	vadd.f32 v17, v15  }
0x8c: {  	v61 =	vld [tilespmem:s8+$0x7400];
	v17 =	vmul.f32 v21, v4;
	v9 =	vadd.f32 v14, v9;
	v14 =	vmul.f32 v22, v4  }
0x8d: {  	v12 =	vadd.f32 v56, v12;
	v21 =	vld [tilespmem:s8+$0x5460];
	v18 =	vmul.f32 v18, v5;
	v10 =	vadd.f32 v20, v10  }
0x8e: {  	v8 =	vadd.f32 v17, v8;
	v17 =	vld [tilespmem:s8+$0x6410];
	v13 =	vadd.f32 v14, v13;
	v14 =	vmul.f32 v23, v4  }
0x8f: {  	v12 =	vadd.f32 v16, v12;
	v16 =	vmul.f32 v52, v4;
	v22 =	vld [tilespmem:s8+$0x6400];
	v11 =	vadd.f32 v19, v11  }
0x90: {  	v19 =	vld [tilespmem:s8+$0x6420];
	v10 =	vadd.f32 v18, v10;
	v14 =	vadd.f32 v14, v15;
	v15 =	vmul.f32 v53, v5  }
0x91: {  	v20 =	vld [tilespmem:s8+$0x6430];
	v23 =	vmul.f32 v55, v5;
	v9 =	vadd.f32 v16, v9;
	v16 =	vmul.f32 v57, v5  }
0x92: {  	v18 =	vld [tilespmem:s8+$0x6450];
	v21 =	vmul.f32 v21, v5;
	v8 =	vadd.f32 v15, v8;
	v15 =	vmul.f32 v58, v5  }
0x93: {  	v13 =	vadd.f32 v23, v13;
	v23 =	vld [tilespmem:s8+$0x6460];
	v11 =	vadd.f32 v16, v11;
	v16 =	vmul.f32 v59, v5  }
0x94: {  	v26 =	vadd.f32 v15, v12;
	v12 =	vmul.f32 v22, v6;
	v15 =	vmul.f32 v17, v6;
	v22 =	vld [tilespmem:s8+$0x7410]  }
0x95: {  	v63 =	vld [tilespmem:s8+$0x7420];
	v9 =	vadd.f32 v21, v9;
	v62 =	vadd.f32 v16, v14;
	v16 =	vmul.f32 v19, v6  }
0x96: {  	v17 =	vld [tilespmem:s8+$0x7430];
	v21 =	vadd.f32 v12, v10;
	v14 =	vadd.f32 v15, v8;
	v8 =	vmul.f32 v20, v6  }
0x97: {  	v12 =	vadd.f32 v16, v13;
	v10 =	vmul.f32 v60, v6;
	v13 =	vmul.f32 v18, v6;
	v15 =	vld [tilespmem:s8+$0x7440]  }
0x98: {  	v20 =	vmul.f32 v23, v6;
	v23 =	vmul.f32 v61, v7;
	v16 =	vld [tilespmem:s8+$0x7450];
	v11 =	vadd.f32 v8, v11  }
0x99: {  	s9 =	simm.s32 $0x80;
	v18 =	vld [tilespmem:s8+$0x7460];
	v10 =	vadd.f32 v10, v26;
	v8 =	vadd.f32 v13, v62;
	v19 =	vmul.f32 v22, v7  }
0x9a: {  	s10 =	simm.s32 $0x400;
	v9 =	vadd.f32 v20, v9;
	v13 =	vld [tilespmem:s9+$0x470];
	v21 =	vadd.f32 v23, v21;
	v20 =	vmul.f32 v63, v7  }
.LBB2_3:
0x9b: {  	p0 =	sne.s32 s10, $0x3E00;
	v22 =	vld [tilespmem:s9+$0x1470];
	v14 =	vadd.f32 v19, v14;
	v17 =	vmul.f32 v17, v7  }
0x9c: {  	v19 =	vld [tilespmem:s9+$0x400];
	[tilespmem:s8+$0x10400] =	vst v21;
	v12 =	vadd.f32 v20, v12;
	v15 =	vmul.f32 v15, v7  }
0x9d: {  	v20 =	vld [tilespmem:s9+$0x2470];
	[tilespmem:s8+$0x10410] =	vst v14;
	v11 =	vadd.f32 v17, v11;
	v14 =	vmul.f32 v16, v7  }
0x9e: {  	v16 =	vld [tilespmem:s9+$0x1400];
	[tilespmem:s8+$0x10420] =	vst v12;
	v10 =	vadd.f32 v15, v10;
	v12 =	vmul.f32 v18, v7  }
0x9f: {  	v15 =	vld [tilespmem:s9+$0x3470];
	[tilespmem:s8+$0x10430] =	vst v11;
	v8 =	vadd.f32 v14, v8  }
0xa0: {  	v13 =	vmul.f32 v13, v0;
	v11 =	vld [tilespmem:s9+$0x410];
	v14 =	vmul.f32 v22, v1;
	[tilespmem:s8+$0x10440] =	vst v10;
	v9 =	vadd.f32 v12, v9  }
0xa1: {  	v10 =	vmul.f32 v19, v0;
	v12 =	vld [tilespmem:s9+$0x4470];
	[tilespmem:s8+$0x10450] =	vst v8  }
0xa2: {  	v8 =	vld [tilespmem:s9+$0x1410];
	v13 =	vadd.f32 v14, v13;
	v14 =	vmul.f32 v20, v2;
	[tilespmem:s8+$0x10460] =	vst v9;
	s8 =	smov.u32 s9  }
0xa3: {  	v9 =	vmul.f32 v16, v1;
	v16 =	vld [tilespmem:s8+$0x5470]  }
0xa4: {  	v17 =	vld [tilespmem:s8+$0x420];
	v13 =	vadd.f32 v14, v13;
	v14 =	vmul.f32 v15, v3  }
0xa5: {  	v9 =	vadd.f32 v9, v10;
	v10 =	vmul.f32 v11, v0;
	v11 =	vld [tilespmem:s8+$0x6470]  }
0xa6: {  	v15 =	vld [tilespmem:s8+$0x1420];
	v13 =	vadd.f32 v14, v13;
	v12 =	vmul.f32 v12, v4  }
0xa7: {  	v8 =	vmul.f32 v8, v1;
	v14 =	vld [tilespmem:s8+$0x7470]  }
0xa8: {  	v18 =	vld [tilespmem:s8+$0x430];
	v12 =	vadd.f32 v12, v13;
	v13 =	vmul.f32 v16, v5  }
0xa9: {  	v8 =	vadd.f32 v8, v10;
	v10 =	vmul.f32 v17, v0;
	v16 =	vld [tilespmem:s8+$0x1430]  }
0xaa: {  	v17 =	vld [tilespmem:s8+$0x440];
	v12 =	vadd.f32 v13, v12;
	v11 =	vmul.f32 v11, v6  }
0xab: {  	v13 =	vmul.f32 v15, v1;
	v15 =	vld [tilespmem:s8+$0x1440]  }
0xac: {  	v19 =	vld [tilespmem:s8+$0x450];
	v11 =	vadd.f32 v11, v12;
	v12 =	vmul.f32 v14, v7  }
0xad: {  	v10 =	vadd.f32 v13, v10;
	v13 =	vmul.f32 v18, v0;
	v14 =	vld [tilespmem:s8+$0x1450]  }
0xae: {  	v16 =	vmul.f32 v16, v1;
	v18 =	vld [tilespmem:s8+$0x460];
	v11 =	vadd.f32 v12, v11  }
0xaf: {  	v12 =	vmul.f32 v17, v0;
	v17 =	vld [tilespmem:s8+$0x1460]  }
0xb0: {  	v20 =	vld [tilespmem:s8+$0x2400];
	v13 =	vadd.f32 v16, v13;
	v15 =	vmul.f32 v15, v1;
	[tilespmem:s8+$0x10470] =	vst v11  }
0xb1: {  	v11 =	vld [tilespmem:s8+$0x2410];
	v16 =	vmul.f32 v19, v0  }
0xb2: {  	v19 =	vld [tilespmem:s8+$0x2420];
	v12 =	vadd.f32 v15, v12;
	v14 =	vmul.f32 v14, v1  }
0xb3: {  	v15 =	vld [tilespmem:s8+$0x2430];
	v18 =	vmul.f32 v18, v0  }
0xb4: {  	v21 =	vld [tilespmem:s8+$0x2440];
	v14 =	vadd.f32 v14, v16;
	v16 =	vmul.f32 v17, v1  }
0xb5: {  	v17 =	vmul.f32 v20, v2;
	v20 =	vld [tilespmem:s8+$0x2450]  }
0xb6: {  	v11 =	vmul.f32 v11, v2;
	v16 =	vadd.f32 v16, v18;
	v18 =	vld [tilespmem:s8+$0x2460]  }
0xb7: {  	v9 =	vadd.f32 v17, v9;
	v17 =	vld [tilespmem:s8+$0x3400];
	v19 =	vmul.f32 v19, v2  }
0xb8: {  	v8 =	vadd.f32 v11, v8;
	v11 =	vld [tilespmem:s8+$0x3410];
	v15 =	vmul.f32 v15, v2  }
0xb9: {  	v10 =	vadd.f32 v19, v10;
	v19 =	vld [tilespmem:s8+$0x3420];
	v21 =	vmul.f32 v21, v2  }
0xba: {  	v13 =	vadd.f32 v15, v13;
	v15 =	vld [tilespmem:s8+$0x3430];
	v20 =	vmul.f32 v20, v2  }
0xbb: {  	v12 =	vadd.f32 v21, v12;
	v21 =	vld [tilespmem:s8+$0x3440];
	v18 =	vmul.f32 v18, v2  }
0xbc: {  	v17 =	vmul.f32 v17, v3;
	v14 =	vadd.f32 v20, v14;
	v20 =	vld [tilespmem:s8+$0x3450]  }
0xbd: {  	v11 =	vmul.f32 v11, v3;
	v16 =	vadd.f32 v18, v16;
	v18 =	vld [tilespmem:s8+$0x3460]  }
0xbe: {  	v9 =	vadd.f32 v17, v9;
	v17 =	vld [tilespmem:s8+$0x4400];
	v19 =	vmul.f32 v19, v3  }
0xbf: {  	v8 =	vadd.f32 v11, v8;
	v11 =	vld [tilespmem:s8+$0x4410];
	v15 =	vmul.f32 v15, v3  }
0xc0: {  	v10 =	vadd.f32 v19, v10;
	v19 =	vld [tilespmem:s8+$0x4420];
	v21 =	vmul.f32 v21, v3  }
0xc1: {  	v13 =	vadd.f32 v15, v13;
	v15 =	vld [tilespmem:s8+$0x4430];
	v20 =	vmul.f32 v20, v3  }
0xc2: {  	v12 =	vadd.f32 v21, v12;
	v21 =	vld [tilespmem:s8+$0x4440];
	v18 =	vmul.f32 v18, v3  }
0xc3: {  	v17 =	vmul.f32 v17, v4;
	v14 =	vadd.f32 v20, v14;
	v20 =	vld [tilespmem:s8+$0x4450]  }
0xc4: {  	v11 =	vmul.f32 v11, v4;
	v16 =	vadd.f32 v18, v16;
	v18 =	vld [tilespmem:s8+$0x4460]  }
0xc5: {  	v9 =	vadd.f32 v17, v9;
	v17 =	vld [tilespmem:s8+$0x5400];
	v19 =	vmul.f32 v19, v4  }
0xc6: {  	v8 =	vadd.f32 v11, v8;
	v11 =	vld [tilespmem:s8+$0x5410];
	v15 =	vmul.f32 v15, v4  }
0xc7: {  	v10 =	vadd.f32 v19, v10;
	v19 =	vld [tilespmem:s8+$0x5420];
	v21 =	vmul.f32 v21, v4  }
0xc8: {  	v13 =	vadd.f32 v15, v13;
	v15 =	vld [tilespmem:s8+$0x5430];
	v20 =	vmul.f32 v20, v4  }
0xc9: {  	v12 =	vadd.f32 v21, v12;
	v21 =	vld [tilespmem:s8+$0x5440];
	v18 =	vmul.f32 v18, v4  }
0xca: {  	v17 =	vmul.f32 v17, v5;
	v14 =	vadd.f32 v20, v14;
	v20 =	vld [tilespmem:s8+$0x5450]  }
0xcb: {  	v11 =	vmul.f32 v11, v5;
	v16 =	vadd.f32 v18, v16;
	v18 =	vld [tilespmem:s8+$0x5460]  }
0xcc: {  	v9 =	vadd.f32 v17, v9;
	v17 =	vld [tilespmem:s8+$0x6400];
	v19 =	vmul.f32 v19, v5  }
0xcd: {  	v8 =	vadd.f32 v11, v8;
	v11 =	vld [tilespmem:s8+$0x6410];
	v15 =	vmul.f32 v15, v5  }
0xce: {  	v10 =	vadd.f32 v19, v10;
	v19 =	vld [tilespmem:s8+$0x6420];
	v21 =	vmul.f32 v21, v5  }
0xcf: {  	v13 =	vadd.f32 v15, v13;
	v15 =	vld [tilespmem:s8+$0x6430];
	v20 =	vmul.f32 v20, v5  }
0xd0: {  	v21 =	vadd.f32 v21, v12;
	v22 =	vld [tilespmem:s8+$0x6440];
	v12 =	vmul.f32 v18, v5  }
0xd1: {  	v17 =	vmul.f32 v17, v6;
	v18 =	vadd.f32 v20, v14;
	v20 =	vld [tilespmem:s8+$0x6450]  }
0xd2: {  	v11 =	vmul.f32 v11, v6;
	v23 =	vadd.f32 v12, v16;
	v16 =	vld [tilespmem:s8+$0x6460]  }
0xd3: {  	v24 =	vadd.f32 v17, v9;
	v9 =	vld [tilespmem:s8+$0x7400];
	v12 =	vmul.f32 v19, v6  }
0xd4: {  	v14 =	vadd.f32 v11, v8;
	v19 =	vld [tilespmem:s8+$0x7410];
	v8 =	vmul.f32 v15, v6  }
0xd5: {  	v12 =	vadd.f32 v12, v10;
	v25 =	vld [tilespmem:s8+$0x7420];
	v10 =	vmul.f32 v22, v6  }
.Ltmp0:
0xd6: {  	v11 =	vadd.f32 v8, v13;
	v17 =	vld [tilespmem:s8+$0x7430];
	v8 =	vmul.f32 v20, v6;
	(pc) =	sbr.rel @p0 .LBB2_3-.Ltmp0, $4  }
0xd7: {  	v10 =	vadd.f32 v10, v21;
	v15 =	vld [tilespmem:s8+$0x7440];
	v13 =	vmul.f32 v16, v6  }
0xd8: {  	v20 =	vmul.f32 v9, v7;
	v8 =	vadd.f32 v8, v18;
	v16 =	vld [tilespmem:s8+$0x7450]  }
0xd9: {  	s9 =	sshra.s32 s10, $0x2;
	v19 =	vmul.f32 v19, v7;
	v9 =	vadd.f32 v13, v23;
	v18 =	vld [tilespmem:s8+$0x7460]  }
0xda: {  	s10 =	sadd.s32 $0x200, s10;
	v13 =	vld [tilespmem:s9+$0x470];
	v21 =	vadd.f32 v20, v24;
	v20 =	vmul.f32 v25, v7  }
0xdb: {  	v22 =	vld [tilespmem:s9+$0x1470];
	v14 =	vadd.f32 v19, v14;
	v17 =	vmul.f32 v17, v7  }
0xdc: {  	v23 =	vld [tilespmem:s9+$0x400];
	[tilespmem:s8+$0x10400] =	vst v21;
	v12 =	vadd.f32 v20, v12;
	v15 =	vmul.f32 v15, v7  }
0xdd: {  	v19 =	vld [tilespmem:s9+$0x2470];
	[tilespmem:s8+$0x10410] =	vst v14;
	v11 =	vadd.f32 v17, v11;
	v16 =	vmul.f32 v16, v7  }
0xde: {  	v14 =	vld [tilespmem:s9+$0x1400];
	[tilespmem:s8+$0x10420] =	vst v12;
	v10 =	vadd.f32 v15, v10;
	v15 =	vmul.f32 v18, v7  }
0xdf: {  	v12 =	vld [tilespmem:s9+$0x3470];
	[tilespmem:s8+$0x10430] =	vst v11;
	v8 =	vadd.f32 v16, v8  }
0xe0: {  	v11 =	vld [tilespmem:s9+$0x410];
	[tilespmem:s8+$0x10440] =	vst v10;
	v9 =	vadd.f32 v15, v9  }
0xe1: {  	v10 =	vld [tilespmem:s9+$0x4470];
	[tilespmem:s8+$0x10450] =	vst v8;
	v8 =	vmul.f32 v13, v0;
	v13 =	vmul.f32 v22, v1  }
0xe2: {  	v15 =	vld [tilespmem:s9+$0x1410];
	[tilespmem:s8+$0x10460] =	vst v9  }
0xe3: {  	v8 =	vadd.f32 v13, v8;
	v13 =	vld [tilespmem:s9+$0x5470]  }
0xe4: {  	v16 =	vld [tilespmem:s9+$0x420]  }
0xe5: {  	v17 =	vld [tilespmem:s9+$0x1420]  }
0xe6: {  	v18 =	vld [tilespmem:s9+$0x430]  }
0xe7: {  	v9 =	vmul.f32 v19, v2;
	v19 =	vld [tilespmem:s9+$0x440]  }
0xe8: {  	v20 =	vld [tilespmem:s9+$0x450]  }
0xe9: {  	v21 =	vld [tilespmem:s9+$0x460]  }
0xea: {  	v22 =	vld [tilespmem:s9+$0x2400]  }
0xeb: {  	v24 =	vld [tilespmem:s9+$0x2420]  }
0xec: {  	v25 =	vld [tilespmem:s9+$0x2430]  }
0xed: {  	v26 =	vld [tilespmem:s9+$0x2440]  }
0xee: {  	v27 =	vld [tilespmem:s9+$0x2450]  }
0xef: {  	v28 =	vld [tilespmem:s9+$0x2460]  }
0xf0: {  	v29 =	vld [tilespmem:s9+$0x3400]  }
0xf1: {  	v30 =	vld [tilespmem:s9+$0x3410]  }
0xf2: {  	v31 =	vld [tilespmem:s9+$0x3420];
	v8 =	vadd.f32 v9, v8;
	v9 =	vmul.f32 v12, v3  }
0xf3: {  	v12 =	vld [tilespmem:s9+$0x6470]  }
0xf4: {  	v32 =	vld [tilespmem:s9+$0x3430];
	v8 =	vadd.f32 v9, v8;
	v9 =	vmul.f32 v10, v4  }
0xf5: {  	v10 =	vld [tilespmem:s9+$0x7470]  }
0xf6: {  	v33 =	vld [tilespmem:s9+$0x3440];
	v8 =	vadd.f32 v9, v8;
	v9 =	vmul.f32 v13, v5  }
0xf7: {  	v23 =	vmul.f32 v23, v0;
	v14 =	vmul.f32 v14, v1;
	v34 =	vld [tilespmem:s9+$0x3450]  }
0xf8: {  	v35 =	vld [tilespmem:s9+$0x3460];
	v8 =	vadd.f32 v9, v8;
	v9 =	vmul.f32 v12, v6  }
0xf9: {  	v14 =	vadd.f32 v14, v23;
	v23 =	vld [tilespmem:s9+$0x4410]  }
0xfa: {  	v13 =	vld [tilespmem:s9+$0x1430];
	v8 =	vadd.f32 v9, v8;
	v9 =	vmul.f32 v10, v7  }
0xfb: {  	v11 =	vmul.f32 v11, v0;
	v15 =	vmul.f32 v15, v1;
	v12 =	vld [tilespmem:s9+$0x1440]  }
0xfc: {  	v16 =	vmul.f32 v16, v0;
	v17 =	vmul.f32 v17, v1;
	v10 =	vld [tilespmem:s9+$0x1450];
	v8 =	vadd.f32 v9, v8  }
0xfd: {  	v18 =	vmul.f32 v18, v0;
	v19 =	vmul.f32 v19, v0;
	v9 =	vld [tilespmem:s9+$0x1460]  }
0xfe: {  	v58 =	vmul.f32 v28, v2;
	v61 =	vmul.f32 v32, v3;
	[tilespmem:s9+$0x10470] =	vst v8;
	v8 =	vld [tilespmem:s9+$0x2410]  }
0xff: {  	v36 =	vld [tilespmem:s9+$0x4400];
	v63 =	vmul.f32 v34, v3;
	v11 =	vadd.f32 v15, v11;
	v15 =	vmul.f32 v20, v0  }
0x100: {  	v57 =	vld [tilespmem:s9+$0x5400];
	v16 =	vadd.f32 v17, v16;
	v17 =	vmul.f32 v21, v0;
	v13 =	vmul.f32 v13, v1  }
0x101: {  	v59 =	vld [tilespmem:s9+$0x5410];
	v23 =	vmul.f32 v23, v4;
	v12 =	vmul.f32 v12, v1  }
0x102: {  	v60 =	vld [tilespmem:s9+$0x5430];
	v13 =	vadd.f32 v13, v18;
	v18 =	vmul.f32 v22, v2;
	v9 =	vmul.f32 v9, v1  }
0x103: {  	v62 =	vld [tilespmem:s9+$0x5440];
	v10 =	vmul.f32 v10, v1;
	v8 =	vmul.f32 v8, v2  }
0x104: {  	v38 =	vld [tilespmem:s9+$0x7420];
	v12 =	vadd.f32 v12, v19;
	v9 =	vadd.f32 v9, v17;
	v17 =	vmul.f32 v24, v2  }
0x105: {  	v34 =	vld [tilespmem:s9+$0x5460];
	v19 =	vmul.f32 v26, v2;
	v8 =	vadd.f32 v8, v11;
	v11 =	vmul.f32 v25, v2  }
0x106: {  	v10 =	vadd.f32 v10, v15;
	v15 =	vld [tilespmem:s9+$0x4450];
	v16 =	vadd.f32 v17, v16;
	v17 =	vmul.f32 v27, v2  }
0x107: {  	v20 =	vld [tilespmem:s9+$0x4420];
	v14 =	vadd.f32 v18, v14;
	v11 =	vadd.f32 v11, v13;
	v13 =	vmul.f32 v29, v3  }
0x108: {  	v21 =	vld [tilespmem:s9+$0x4430];
	v12 =	vadd.f32 v19, v12;
	v10 =	vadd.f32 v17, v10;
	v17 =	vmul.f32 v30, v3  }
0x109: {  	v22 =	vld [tilespmem:s9+$0x4440];
	v9 =	vadd.f32 v58, v9;
	v13 =	vadd.f32 v13, v14;
	v14 =	vmul.f32 v31, v3  }
0x10a: {  	v18 =	vld [tilespmem:s9+$0x4460];
	v8 =	vadd.f32 v17, v8;
	v17 =	vmul.f32 v33, v3;
	v11 =	vadd.f32 v61, v11  }
0x10b: {  	v19 =	vld [tilespmem:s9+$0x5420];
	v15 =	vmul.f32 v15, v4;
	v10 =	vadd.f32 v63, v10;
	v14 =	vadd.f32 v14, v16  }
0x10c: {  	v33 =	vld [tilespmem:s9+$0x5450];
	v16 =	vmul.f32 v35, v3;
	v12 =	vadd.f32 v17, v12;
	v17 =	vmul.f32 v36, v4  }
0x10d: {  	v35 =	vld [tilespmem:s9+$0x6400];
	v8 =	vadd.f32 v23, v8;
	v10 =	vadd.f32 v15, v10;
	v15 =	vmul.f32 v59, v5  }
0x10e: {  	v23 =	vld [tilespmem:s9+$0x6450];
	v9 =	vadd.f32 v16, v9;
	v13 =	vadd.f32 v17, v13;
	v17 =	vmul.f32 v21, v4  }
0x10f: {  	v16 =	vmul.f32 v20, v4;
	v20 =	vld [tilespmem:s9+$0x6410];
	v21 =	vmul.f32 v22, v4;
	v8 =	vadd.f32 v15, v8  }
0x110: {  	v22 =	vld [tilespmem:s9+$0x6420];
	v15 =	vmul.f32 v62, v5;
	v11 =	vadd.f32 v17, v11;
	v17 =	vmul.f32 v18, v4  }
0x111: {  	v14 =	vadd.f32 v16, v14;
	v16 =	vld [tilespmem:s9+$0x6430];
	v12 =	vadd.f32 v21, v12;
	v21 =	vmul.f32 v57, v5  }
0x112: {  	v18 =	vld [tilespmem:s9+$0x6440];
	v9 =	vadd.f32 v17, v9;
	v17 =	vmul.f32 v19, v5;
	v19 =	vmul.f32 v60, v5  }
0x113: {  	v13 =	vadd.f32 v21, v13;
	v21 =	vld [tilespmem:s9+$0x7400];
	v12 =	vadd.f32 v15, v12;
	v15 =	vmul.f32 v34, v5  }
0x114: {  	v14 =	vadd.f32 v17, v14;
	v11 =	vadd.f32 v19, v11;
	v17 =	vmul.f32 v33, v5;
	v19 =	vld [tilespmem:s9+$0x7410]  }
0x115: {  	v36 =	vld [tilespmem:s9+$0x6460];
	v37 =	vmul.f32 v35, v6;
	v9 =	vadd.f32 v15, v9  }
0x116: {  	v10 =	vadd.f32 v17, v10;
	v17 =	vmul.f32 v20, v6;
	v20 =	vmul.f32 v22, v6;
	v22 =	vld [tilespmem:s9+$0x7430]  }
0x117: {  	v13 =	vadd.f32 v37, v13;
	v15 =	vmul.f32 v16, v6;
	v16 =	vld [tilespmem:s9+$0x7440];
	v18 =	vmul.f32 v18, v6  }
0x118: {  	v8 =	vadd.f32 v17, v8;
	v14 =	vadd.f32 v20, v14;
	v17 =	vmul.f32 v21, v7;
	v20 =	vld [tilespmem:s9+$0x7450]  }
0x119: {  	v11 =	vadd.f32 v15, v11;
	v15 =	vmul.f32 v19, v7;
	v19 =	vld [tilespmem:s9+$0x7460]  }
0x11a: {  	v12 =	vadd.f32 v18, v12;
	v13 =	vadd.f32 v17, v13;
	v17 =	vmul.f32 v38, v7  }
0x11b: {  	v21 =	vmul.f32 v23, v6;
	v8 =	vadd.f32 v15, v8;
	v15 =	vmul.f32 v22, v7  }
0x11c: {  	v18 =	vmul.f32 v36, v6;
	[tilespmem:s9+$0x10400] =	vst v13;
	v13 =	vadd.f32 v17, v14;
	v14 =	vmul.f32 v16, v7  }
0x11d: {  	v10 =	vadd.f32 v21, v10;
	[tilespmem:s9+$0x10410] =	vst v8;
	v8 =	vadd.f32 v15, v11;
	v11 =	vmul.f32 v20, v7  }
0x11e: {  	v9 =	vadd.f32 v18, v9;
	[tilespmem:s9+$0x10420] =	vst v13;
	v12 =	vadd.f32 v14, v12;
	v13 =	vmul.f32 v19, v7  }
0x11f: {  	s8 =	sshll.u32 s28, $0xD;
	[tilespmem:s9+$0x10430] =	vst v8;
	v8 =	vadd.f32 v11, v10  }
0x120: {  	s10 =	sadd.s32 s16, s8;
	[tilespmem:s9+$0x10440] =	vst v12;
	v9 =	vadd.f32 v13, v9  }
0x121: {  	p0 =	seq.s32 s28, $0x9;
	s10 =	sshrl.u32 s10, $0x3;
	[tilespmem:s9+$0x10450] =	vst v8  }
0x122: {  	s8 =	sadd.s32 @!p0 s8, s17;
	s11 =	sadd.s32 s7, s10;
	[tilespmem:s9+$0x10460] =	vst v9  }
0x123: {  	[hbm4b:s11+s4] =	stream.linear.scatter [tilespmem:s24], [sflag:$0x3], $0x1000, $0x38;
	[tilespmem:$0x11400] =	vst v63  }
0x124: {  	s8 =	sshrl.u32 @!p0 s8, $0x3;
	_ =	swait.ge [sflag:s19], $0x1000  }
0x125: {  	s8 =	sadd.s32 @!p0 s2, s8;
	[sflag:s19] =	ssyncset.done $0x0  }
0x126: {  	s10 =	simm.s32 @!p0 $0x400;
	s9 =	simm.s32 @!p0 $0x0;
	[sflag:s19] =	ssyncadd.s32 $0xFFFFF000  }
0x127: {  	[tilespmem:s10], [sflag:$0x1] =	stream.linear.gather @!p0 [hbm4b:s8+s9], $0x1000, $0x38;
	[tilespmem:$0x11400] =	vst v63  }
0x128: {  	s11 =	simm.s32 @!p0 $0x1400;
	s10 =	sadd.s32 @!p0 $0xC3500, s8  }
0x129: {  	[tilespmem:s11], [sflag:$0x1] =	stream.linear.gather @!p0 [hbm4b:s10+s9], $0x1000, $0x38;
	[tilespmem:$0x11400] =	vst v63  }
0x12a: {  	s10 =	sadd.s32 @!p0 $0x186A00, s8;
	s11 =	simm.s32 @!p0 $0x2400  }
0x12b: {  	[tilespmem:s11], [sflag:$0x1] =	stream.linear.gather @!p0 [hbm4b:s10+s9], $0x1000, $0x38;
	[tilespmem:$0x11400] =	vst v63  }
0x12c: {  	s10 =	sadd.s32 @!p0 $0x249F00, s8;
	s11 =	simm.s32 @!p0 $0x3400  }
0x12d: {  	[tilespmem:s11], [sflag:$0x1] =	stream.linear.gather @!p0 [hbm4b:s10+s9], $0x1000, $0x38;
	[tilespmem:$0x11400] =	vst v63  }
0x12e: {  	s10 =	sadd.s32 @!p0 $0x30D400, s8;
	s11 =	simm.s32 @!p0 $0x4400  }
0x12f: {  	[tilespmem:s11], [sflag:$0x1] =	stream.linear.gather @!p0 [hbm4b:s10+s9], $0x1000, $0x38;
	[tilespmem:$0x11400] =	vst v63  }
0x130: {  	s10 =	sadd.s32 @!p0 $0x3D0900, s8;
	s11 =	simm.s32 @!p0 $0x5400  }
0x131: {  	[tilespmem:s11], [sflag:$0x1] =	stream.linear.gather @!p0 [hbm4b:s10+s9], $0x1000, $0x38;
	[tilespmem:$0x11400] =	vst v63  }
0x132: {  	s10 =	sadd.s32 @!p0 $0x493E00, s8;
	s11 =	simm.s32 @!p0 $0x6400  }
0x133: {  	[tilespmem:s11], [sflag:$0x1] =	stream.linear.gather @!p0 [hbm4b:s10+s9], $0x1000, $0x38;
	[tilespmem:$0x11400] =	vst v63  }
0x134: {  	s8 =	sadd.s32 @!p0 $0x557300, s8;
	s10 =	simm.s32 @!p0 $0x7400  }
0x135: {  	[tilespmem:s10], [sflag:$0x1] =	stream.linear.gather @!p0 [hbm4b:s8+s9], $0x1000, $0x38;
	[tilespmem:$0x11400] =	vst v63  }
0x136: {  	_ =	swait.ge [sflag:s25], $0x1000  }
0x137: {  	[sflag:s25] =	ssyncset.done $0x0  }
0x138: {  	[sflag:s25] =	ssyncadd.s32 $0xFFFFF000  }
0x139: {  	_ =	swait.ge [sflag:s25], $0x1000  }
0x13a: {  	[sflag:s25] =	ssyncset.done $0x0  }
0x13b: {  	[sflag:s25] =	ssyncadd.s32 $0xFFFFF000  }
0x13c: {  	_ =	swait.ge [sflag:s25], $0x1000  }
0x13d: {  	[sflag:s25] =	ssyncset.done $0x0  }
0x13e: {  	[sflag:s25] =	ssyncadd.s32 $0xFFFFF000  }
0x13f: {  	_ =	swait.ge [sflag:s25], $0x1000  }
0x140: {  	[sflag:s25] =	ssyncset.done $0x0  }
0x141: {  	[sflag:s25] =	ssyncadd.s32 $0xFFFFF000  }
0x142: {  	_ =	swait.ge [sflag:s25], $0x1000  }
0x143: {  	[sflag:s25] =	ssyncset.done $0x0  }
0x144: {  	[sflag:s25] =	ssyncadd.s32 $0xFFFFF000  }
0x145: {  	_ =	swait.ge [sflag:s25], $0x1000  }
0x146: {  	[sflag:s25] =	ssyncset.done $0x0  }
0x147: {  	[sflag:s25] =	ssyncadd.s32 $0xFFFFF000  }
0x148: {  	_ =	swait.ge [sflag:s25], $0x1000  }
0x149: {  	[sflag:s25] =	ssyncset.done $0x0  }
0x14a: {  	[sflag:s25] =	ssyncadd.s32 $0xFFFFF000  }
0x14b: {  	_ =	swait.ge [sflag:s25], $0x1000  }
0x14c: {  	[sflag:s25] =	ssyncset.done $0x0  }
0x14d: {  	s8 =	simm.s32 $0x0;
	[sflag:s25] =	ssyncadd.s32 $0xFFFFF000  }
0x14e: {  	v8 =	vld [tilespmem:s8+$0x8470]  }
0x14f: {  	v9 =	vld [tilespmem:s8+$0x9470]  }
0x150: {  	v10 =	vld [tilespmem:s8+$0x8400]  }
0x151: {  	v11 =	vld [tilespmem:s8+$0xA470]  }
0x152: {  	v12 =	vld [tilespmem:s8+$0x9400]  }
0x153: {  	v13 =	vld [tilespmem:s8+$0xB470]  }
0x154: {  	v14 =	vld [tilespmem:s8+$0x8410]  }
0x155: {  	v15 =	vld [tilespmem:s8+$0xC470]  }
0x156: {  	v16 =	vld [tilespmem:s8+$0x9410]  }
0x157: {  	v17 =	vld [tilespmem:s8+$0x8420]  }
0x158: {  	v18 =	vld [tilespmem:s8+$0x9420]  }
0x159: {  	v19 =	vld [tilespmem:s8+$0x8430]  }
0x15a: {  	v20 =	vld [tilespmem:s8+$0x8440]  }
0x15b: {  	v21 =	vld [tilespmem:s8+$0x8450]  }
0x15c: {  	v22 =	vld [tilespmem:s8+$0x8460]  }
0x15d: {  	v23 =	vld [tilespmem:s8+$0xA400]  }
0x15e: {  	v39 =	vld [tilespmem:s8+$0xA420]  }
0x15f: {  	v40 =	vld [tilespmem:s8+$0xA430]  }
0x160: {  	v41 =	vld [tilespmem:s8+$0xA440]  }
0x161: {  	v42 =	vld [tilespmem:s8+$0xA450];
	v8 =	vmul.f32 v8, v0;
	v9 =	vmul.f32 v9, v1  }
0x162: {  	v43 =	vld [tilespmem:s8+$0xA460]  }
0x163: {  	v44 =	vld [tilespmem:s8+$0xB400];
	v8 =	vadd.f32 v9, v8;
	v9 =	vmul.f32 v11, v2  }
0x164: {  	v11 =	vld [tilespmem:s8+$0xD470]  }
0x165: {  	v45 =	vld [tilespmem:s8+$0xB410];
	v8 =	vadd.f32 v9, v8;
	v9 =	vmul.f32 v13, v3  }
0x166: {  	v13 =	vld [tilespmem:s8+$0xE470]  }
0x167: {  	v46 =	vld [tilespmem:s8+$0xB420];
	v8 =	vadd.f32 v9, v8;
	v9 =	vmul.f32 v15, v4  }
0x168: {  	v15 =	vld [tilespmem:s8+$0xF470]  }
0x169: {  	v47 =	vld [tilespmem:s8+$0xB430];
	v8 =	vadd.f32 v9, v8;
	v9 =	vmul.f32 v11, v5  }
0x16a: {  	v48 =	vld [tilespmem:s8+$0xB440]  }
0x16b: {  	v49 =	vld [tilespmem:s8+$0xB450];
	v8 =	vadd.f32 v9, v8;
	v9 =	vmul.f32 v13, v6  }
0x16c: {  	v50 =	vld [tilespmem:s8+$0xB460]  }
0x16d: {  	v52 =	vld [tilespmem:s8+$0xC460];
	v8 =	vadd.f32 v9, v8;
	v9 =	vmul.f32 v15, v7  }
0x16e: {  	v10 =	vmul.f32 v10, v0;
	v12 =	vmul.f32 v12, v1;
	v13 =	vld [tilespmem:s8+$0x9440]  }
0x16f: {  	v14 =	vmul.f32 v14, v0;
	v16 =	vmul.f32 v16, v1;
	v11 =	vld [tilespmem:s8+$0x9430];
	v8 =	vadd.f32 v9, v8  }
0x170: {  	v17 =	vmul.f32 v17, v0;
	v18 =	vmul.f32 v18, v1;
	v15 =	vld [tilespmem:s8+$0x9450]  }
0x171: {  	v19 =	vmul.f32 v19, v0;
	v51 =	vmul.f32 v42, v2;
	[tilespmem:s8+$0x10470] =	vst v8;
	v8 =	vld [tilespmem:s8+$0xA410]  }
0x172: {  	v54 =	vmul.f32 v45, v3;
	v56 =	vmul.f32 v48, v3;
	v10 =	vadd.f32 v12, v10;
	v9 =	vld [tilespmem:s8+$0x9460]  }
0x173: {  	v53 =	vld [tilespmem:s8+$0xD410];
	v12 =	vmul.f32 v20, v0;
	v14 =	vadd.f32 v16, v14;
	v13 =	vmul.f32 v13, v1  }
0x174: {  	v55 =	vld [tilespmem:s8+$0xD420];
	v16 =	vmul.f32 v21, v0;
	v17 =	vadd.f32 v18, v17;
	v11 =	vmul.f32 v11, v1  }
0x175: {  	v57 =	vld [tilespmem:s8+$0xD430];
	v18 =	vmul.f32 v22, v0;
	v12 =	vadd.f32 v13, v12;
	v13 =	vmul.f32 v23, v2  }
0x176: {  	v20 =	vld [tilespmem:s8+$0xC400];
	v11 =	vadd.f32 v11, v19;
	v15 =	vmul.f32 v15, v1;
	v8 =	vmul.f32 v8, v2  }
0x177: {  	v58 =	vld [tilespmem:s8+$0xD440];
	v9 =	vmul.f32 v9, v1;
	v10 =	vadd.f32 v13, v10;
	v13 =	vmul.f32 v39, v2  }
0x178: {  	v21 =	vld [tilespmem:s8+$0xC410];
	v15 =	vadd.f32 v15, v16;
	v8 =	vadd.f32 v8, v14;
	v14 =	vmul.f32 v41, v2  }
0x179: {  	v19 =	vld [tilespmem:s8+$0xC430];
	v9 =	vadd.f32 v9, v18;
	v13 =	vadd.f32 v13, v17;
	v17 =	vmul.f32 v43, v2  }
0x17a: {  	v16 =	vld [tilespmem:s8+$0xC440];
	v18 =	vmul.f32 v40, v2;
	v12 =	vadd.f32 v14, v12;
	v14 =	vmul.f32 v44, v3  }
0x17b: {  	v22 =	vld [tilespmem:s8+$0xC420];
	v20 =	vmul.f32 v20, v4;
	v9 =	vadd.f32 v17, v9;
	v17 =	vmul.f32 v46, v3  }
0x17c: {  	v11 =	vadd.f32 v18, v11;
	v18 =	vld [tilespmem:s8+$0xD400];
	v10 =	vadd.f32 v14, v10;
	v14 =	vmul.f32 v47, v3  }
0x17d: {  	v23 =	vld [tilespmem:s8+$0xC450];
	v15 =	vadd.f32 v51, v15;
	v13 =	vadd.f32 v17, v13;
	v17 =	vmul.f32 v49, v3  }
0x17e: {  	v59 =	vld [tilespmem:s8+$0xD450];
	v19 =	vmul.f32 v19, v4;
	v11 =	vadd.f32 v14, v11;
	v14 =	vmul.f32 v50, v3  }
0x17f: {  	v60 =	vld [tilespmem:s8+$0xE440];
	v16 =	vmul.f32 v16, v4;
	v8 =	vadd.f32 v54, v8;
	v15 =	vadd.f32 v17, v15  }
0x180: {  	v61 =	vld [tilespmem:s8+$0xF400];
	v17 =	vmul.f32 v21, v4;
	v9 =	vadd.f32 v14, v9;
	v14 =	vmul.f32 v22, v4  }
0x181: {  	v12 =	vadd.f32 v56, v12;
	v21 =	vld [tilespmem:s8+$0xD460];
	v18 =	vmul.f32 v18, v5;
	v10 =	vadd.f32 v20, v10  }
0x182: {  	v8 =	vadd.f32 v17, v8;
	v17 =	vld [tilespmem:s8+$0xE410];
	v13 =	vadd.f32 v14, v13;
	v14 =	vmul.f32 v23, v4  }
0x183: {  	v12 =	vadd.f32 v16, v12;
	v16 =	vmul.f32 v52, v4;
	v22 =	vld [tilespmem:s8+$0xE400];
	v11 =	vadd.f32 v19, v11  }
0x184: {  	v19 =	vld [tilespmem:s8+$0xE420];
	v10 =	vadd.f32 v18, v10;
	v14 =	vadd.f32 v14, v15;
	v15 =	vmul.f32 v53, v5  }
0x185: {  	v20 =	vld [tilespmem:s8+$0xE430];
	v23 =	vmul.f32 v55, v5;
	v9 =	vadd.f32 v16, v9;
	v16 =	vmul.f32 v57, v5  }
0x186: {  	v18 =	vld [tilespmem:s8+$0xE450];
	v21 =	vmul.f32 v21, v5;
	v8 =	vadd.f32 v15, v8;
	v15 =	vmul.f32 v58, v5  }
0x187: {  	v13 =	vadd.f32 v23, v13;
	v23 =	vld [tilespmem:s8+$0xE460];
	v11 =	vadd.f32 v16, v11;
	v16 =	vmul.f32 v59, v5  }
0x188: {  	v26 =	vadd.f32 v15, v12;
	v12 =	vmul.f32 v22, v6;
	v15 =	vmul.f32 v17, v6;
	v22 =	vld [tilespmem:s8+$0xF410]  }
0x189: {  	v63 =	vld [tilespmem:s8+$0xF420];
	v9 =	vadd.f32 v21, v9;
	v62 =	vadd.f32 v16, v14;
	v16 =	vmul.f32 v19, v6  }
0x18a: {  	v17 =	vld [tilespmem:s8+$0xF430];
	v21 =	vadd.f32 v12, v10;
	v14 =	vadd.f32 v15, v8;
	v8 =	vmul.f32 v20, v6  }
0x18b: {  	v12 =	vadd.f32 v16, v13;
	v10 =	vmul.f32 v60, v6;
	v13 =	vmul.f32 v18, v6;
	v15 =	vld [tilespmem:s8+$0xF440]  }
0x18c: {  	v20 =	vmul.f32 v23, v6;
	v23 =	vmul.f32 v61, v7;
	v16 =	vld [tilespmem:s8+$0xF450];
	v11 =	vadd.f32 v8, v11  }
0x18d: {  	s9 =	simm.s32 $0x80;
	v18 =	vld [tilespmem:s8+$0xF460];
	v10 =	vadd.f32 v10, v26;
	v8 =	vadd.f32 v13, v62;
	v19 =	vmul.f32 v22, v7  }
0x18e: {  	s10 =	simm.s32 $0x400;
	v9 =	vadd.f32 v20, v9;
	v13 =	vld [tilespmem:s9+$0x8470];
	v21 =	vadd.f32 v23, v21;
	v20 =	vmul.f32 v63, v7  }
.LBB2_5:
0x18f: {  	p0 =	sne.s32 s10, $0x3E00;
	v22 =	vld [tilespmem:s9+$0x9470];
	v14 =	vadd.f32 v19, v14;
	v17 =	vmul.f32 v17, v7  }
0x190: {  	v19 =	vld [tilespmem:s9+$0x8400];
	[tilespmem:s8+$0x10400] =	vst v21;
	v12 =	vadd.f32 v20, v12;
	v15 =	vmul.f32 v15, v7  }
0x191: {  	v20 =	vld [tilespmem:s9+$0xA470];
	[tilespmem:s8+$0x10410] =	vst v14;
	v11 =	vadd.f32 v17, v11;
	v14 =	vmul.f32 v16, v7  }
0x192: {  	v16 =	vld [tilespmem:s9+$0x9400];
	[tilespmem:s8+$0x10420] =	vst v12;
	v10 =	vadd.f32 v15, v10;
	v12 =	vmul.f32 v18, v7  }
0x193: {  	v15 =	vld [tilespmem:s9+$0xB470];
	[tilespmem:s8+$0x10430] =	vst v11;
	v8 =	vadd.f32 v14, v8  }
0x194: {  	v13 =	vmul.f32 v13, v0;
	v11 =	vld [tilespmem:s9+$0x8410];
	v14 =	vmul.f32 v22, v1;
	[tilespmem:s8+$0x10440] =	vst v10;
	v9 =	vadd.f32 v12, v9  }
0x195: {  	v10 =	vmul.f32 v19, v0;
	v12 =	vld [tilespmem:s9+$0xC470];
	[tilespmem:s8+$0x10450] =	vst v8  }
0x196: {  	v8 =	vld [tilespmem:s9+$0x9410];
	v13 =	vadd.f32 v14, v13;
	v14 =	vmul.f32 v20, v2;
	[tilespmem:s8+$0x10460] =	vst v9;
	s8 =	smov.u32 s9  }
0x197: {  	v9 =	vmul.f32 v16, v1;
	v16 =	vld [tilespmem:s8+$0xD470]  }
0x198: {  	v17 =	vld [tilespmem:s8+$0x8420];
	v13 =	vadd.f32 v14, v13;
	v14 =	vmul.f32 v15, v3  }
0x199: {  	v9 =	vadd.f32 v9, v10;
	v10 =	vmul.f32 v11, v0;
	v11 =	vld [tilespmem:s8+$0xE470]  }
0x19a: {  	v15 =	vld [tilespmem:s8+$0x9420];
	v13 =	vadd.f32 v14, v13;
	v12 =	vmul.f32 v12, v4  }
0x19b: {  	v8 =	vmul.f32 v8, v1;
	v14 =	vld [tilespmem:s8+$0xF470]  }
0x19c: {  	v18 =	vld [tilespmem:s8+$0x8430];
	v12 =	vadd.f32 v12, v13;
	v13 =	vmul.f32 v16, v5  }
0x19d: {  	v8 =	vadd.f32 v8, v10;
	v10 =	vmul.f32 v17, v0;
	v16 =	vld [tilespmem:s8+$0x9430]  }
0x19e: {  	v17 =	vld [tilespmem:s8+$0x8440];
	v12 =	vadd.f32 v13, v12;
	v11 =	vmul.f32 v11, v6  }
0x19f: {  	v13 =	vmul.f32 v15, v1;
	v15 =	vld [tilespmem:s8+$0x9440]  }
0x1a0: {  	v19 =	vld [tilespmem:s8+$0x8450];
	v11 =	vadd.f32 v11, v12;
	v12 =	vmul.f32 v14, v7  }
0x1a1: {  	v10 =	vadd.f32 v13, v10;
	v13 =	vmul.f32 v18, v0;
	v14 =	vld [tilespmem:s8+$0x9450]  }
0x1a2: {  	v16 =	vmul.f32 v16, v1;
	v18 =	vld [tilespmem:s8+$0x8460];
	v11 =	vadd.f32 v12, v11  }
0x1a3: {  	v12 =	vmul.f32 v17, v0;
	v17 =	vld [tilespmem:s8+$0x9460]  }
0x1a4: {  	v20 =	vld [tilespmem:s8+$0xA400];
	v13 =	vadd.f32 v16, v13;
	v15 =	vmul.f32 v15, v1;
	[tilespmem:s8+$0x10470] =	vst v11  }
0x1a5: {  	v11 =	vld [tilespmem:s8+$0xA410];
	v16 =	vmul.f32 v19, v0  }
0x1a6: {  	v19 =	vld [tilespmem:s8+$0xA420];
	v12 =	vadd.f32 v15, v12;
	v14 =	vmul.f32 v14, v1  }
0x1a7: {  	v15 =	vld [tilespmem:s8+$0xA430];
	v18 =	vmul.f32 v18, v0  }
0x1a8: {  	v21 =	vld [tilespmem:s8+$0xA440];
	v14 =	vadd.f32 v14, v16;
	v16 =	vmul.f32 v17, v1  }
0x1a9: {  	v17 =	vmul.f32 v20, v2;
	v20 =	vld [tilespmem:s8+$0xA450]  }
0x1aa: {  	v11 =	vmul.f32 v11, v2;
	v16 =	vadd.f32 v16, v18;
	v18 =	vld [tilespmem:s8+$0xA460]  }
0x1ab: {  	v9 =	vadd.f32 v17, v9;
	v17 =	vld [tilespmem:s8+$0xB400];
	v19 =	vmul.f32 v19, v2  }
0x1ac: {  	v8 =	vadd.f32 v11, v8;
	v11 =	vld [tilespmem:s8+$0xB410];
	v15 =	vmul.f32 v15, v2  }
0x1ad: {  	v10 =	vadd.f32 v19, v10;
	v19 =	vld [tilespmem:s8+$0xB420];
	v21 =	vmul.f32 v21, v2  }
0x1ae: {  	v13 =	vadd.f32 v15, v13;
	v15 =	vld [tilespmem:s8+$0xB430];
	v20 =	vmul.f32 v20, v2  }
0x1af: {  	v12 =	vadd.f32 v21, v12;
	v21 =	vld [tilespmem:s8+$0xB440];
	v18 =	vmul.f32 v18, v2  }
0x1b0: {  	v17 =	vmul.f32 v17, v3;
	v14 =	vadd.f32 v20, v14;
	v20 =	vld [tilespmem:s8+$0xB450]  }
0x1b1: {  	v11 =	vmul.f32 v11, v3;
	v16 =	vadd.f32 v18, v16;
	v18 =	vld [tilespmem:s8+$0xB460]  }
0x1b2: {  	v9 =	vadd.f32 v17, v9;
	v17 =	vld [tilespmem:s8+$0xC400];
	v19 =	vmul.f32 v19, v3  }
0x1b3: {  	v8 =	vadd.f32 v11, v8;
	v11 =	vld [tilespmem:s8+$0xC410];
	v15 =	vmul.f32 v15, v3  }
0x1b4: {  	v10 =	vadd.f32 v19, v10;
	v19 =	vld [tilespmem:s8+$0xC420];
	v21 =	vmul.f32 v21, v3  }
0x1b5: {  	v13 =	vadd.f32 v15, v13;
	v15 =	vld [tilespmem:s8+$0xC430];
	v20 =	vmul.f32 v20, v3  }
0x1b6: {  	v12 =	vadd.f32 v21, v12;
	v21 =	vld [tilespmem:s8+$0xC440];
	v18 =	vmul.f32 v18, v3  }
0x1b7: {  	v17 =	vmul.f32 v17, v4;
	v14 =	vadd.f32 v20, v14;
	v20 =	vld [tilespmem:s8+$0xC450]  }
0x1b8: {  	v11 =	vmul.f32 v11, v4;
	v16 =	vadd.f32 v18, v16;
	v18 =	vld [tilespmem:s8+$0xC460]  }
0x1b9: {  	v9 =	vadd.f32 v17, v9;
	v17 =	vld [tilespmem:s8+$0xD400];
	v19 =	vmul.f32 v19, v4  }
0x1ba: {  	v8 =	vadd.f32 v11, v8;
	v11 =	vld [tilespmem:s8+$0xD410];
	v15 =	vmul.f32 v15, v4  }
0x1bb: {  	v10 =	vadd.f32 v19, v10;
	v19 =	vld [tilespmem:s8+$0xD420];
	v21 =	vmul.f32 v21, v4  }
0x1bc: {  	v13 =	vadd.f32 v15, v13;
	v15 =	vld [tilespmem:s8+$0xD430];
	v20 =	vmul.f32 v20, v4  }
0x1bd: {  	v12 =	vadd.f32 v21, v12;
	v21 =	vld [tilespmem:s8+$0xD440];
	v18 =	vmul.f32 v18, v4  }
0x1be: {  	v17 =	vmul.f32 v17, v5;
	v14 =	vadd.f32 v20, v14;
	v20 =	vld [tilespmem:s8+$0xD450]  }
0x1bf: {  	v11 =	vmul.f32 v11, v5;
	v16 =	vadd.f32 v18, v16;
	v18 =	vld [tilespmem:s8+$0xD460]  }
0x1c0: {  	v9 =	vadd.f32 v17, v9;
	v17 =	vld [tilespmem:s8+$0xE400];
	v19 =	vmul.f32 v19, v5  }
0x1c1: {  	v8 =	vadd.f32 v11, v8;
	v11 =	vld [tilespmem:s8+$0xE410];
	v15 =	vmul.f32 v15, v5  }
0x1c2: {  	v10 =	vadd.f32 v19, v10;
	v19 =	vld [tilespmem:s8+$0xE420];
	v21 =	vmul.f32 v21, v5  }
0x1c3: {  	v13 =	vadd.f32 v15, v13;
	v15 =	vld [tilespmem:s8+$0xE430];
	v20 =	vmul.f32 v20, v5  }
0x1c4: {  	v21 =	vadd.f32 v21, v12;
	v22 =	vld [tilespmem:s8+$0xE440];
	v12 =	vmul.f32 v18, v5  }
0x1c5: {  	v17 =	vmul.f32 v17, v6;
	v18 =	vadd.f32 v20, v14;
	v20 =	vld [tilespmem:s8+$0xE450]  }
0x1c6: {  	v11 =	vmul.f32 v11, v6;
	v23 =	vadd.f32 v12, v16;
	v16 =	vld [tilespmem:s8+$0xE460]  }
0x1c7: {  	v24 =	vadd.f32 v17, v9;
	v9 =	vld [tilespmem:s8+$0xF400];
	v12 =	vmul.f32 v19, v6  }
0x1c8: {  	v14 =	vadd.f32 v11, v8;
	v19 =	vld [tilespmem:s8+$0xF410];
	v8 =	vmul.f32 v15, v6  }
0x1c9: {  	v12 =	vadd.f32 v12, v10;
	v25 =	vld [tilespmem:s8+$0xF420];
	v10 =	vmul.f32 v22, v6  }
.Ltmp1:
0x1ca: {  	v11 =	vadd.f32 v8, v13;
	v17 =	vld [tilespmem:s8+$0xF430];
	v8 =	vmul.f32 v20, v6;
	(pc) =	sbr.rel @p0 .LBB2_5-.Ltmp1, $4  }
0x1cb: {  	v10 =	vadd.f32 v10, v21;
	v15 =	vld [tilespmem:s8+$0xF440];
	v13 =	vmul.f32 v16, v6  }
0x1cc: {  	v20 =	vmul.f32 v9, v7;
	v8 =	vadd.f32 v8, v18;
	v16 =	vld [tilespmem:s8+$0xF450]  }
0x1cd: {  	s9 =	sshra.s32 s10, $0x2;
	v19 =	vmul.f32 v19, v7;
	v9 =	vadd.f32 v13, v23;
	v18 =	vld [tilespmem:s8+$0xF460]  }
0x1ce: {  	s10 =	sadd.s32 $0x200, s10;
	v13 =	vld [tilespmem:s9+$0x8470];
	v21 =	vadd.f32 v20, v24;
	v20 =	vmul.f32 v25, v7  }
0x1cf: {  	v22 =	vld [tilespmem:s9+$0x9470];
	v14 =	vadd.f32 v19, v14;
	v17 =	vmul.f32 v17, v7  }
0x1d0: {  	v23 =	vld [tilespmem:s9+$0x8400];
	[tilespmem:s8+$0x10400] =	vst v21;
	v12 =	vadd.f32 v20, v12;
	v15 =	vmul.f32 v15, v7  }
0x1d1: {  	v35 =	vld [tilespmem:s9+$0xA470];
	[tilespmem:s8+$0x10410] =	vst v14;
	v11 =	vadd.f32 v17, v11;
	v16 =	vmul.f32 v16, v7  }
0x1d2: {  	v14 =	vld [tilespmem:s9+$0x9400];
	[tilespmem:s8+$0x10420] =	vst v12;
	v10 =	vadd.f32 v15, v10;
	v36 =	vmul.f32 v18, v7  }
0x1d3: {  	v12 =	vld [tilespmem:s9+$0xB470];
	[tilespmem:s8+$0x10430] =	vst v11;
	v8 =	vadd.f32 v16, v8  }
0x1d4: {  	v11 =	vld [tilespmem:s9+$0x8410];
	[tilespmem:s8+$0x10440] =	vst v10;
	v9 =	vadd.f32 v36, v9  }
0x1d5: {  	v10 =	vld [tilespmem:s9+$0xC470];
	[tilespmem:s8+$0x10450] =	vst v8  }
0x1d6: {  	v38 =	vld [tilespmem:s9+$0x9410];
	[tilespmem:s8+$0x10460] =	vst v9  }
0x1d7: {  	v40 =	vld [tilespmem:s9+$0xD470]  }
0x1d8: {  	v41 =	vld [tilespmem:s9+$0x8420]  }
0x1d9: {  	v43 =	vld [tilespmem:s9+$0xE470]  }
0x1da: {  	v44 =	vld [tilespmem:s9+$0x9420]  }
0x1db: {  	v46 =	vld [tilespmem:s9+$0xF470]  }
0x1dc: {  	v47 =	vld [tilespmem:s9+$0x8430]  }
0x1dd: {  	v49 =	vld [tilespmem:s9+$0x9430]  }
0x1de: {  	v50 =	vld [tilespmem:s9+$0x8440]  }
0x1df: {  	v52 =	vld [tilespmem:s9+$0x9440]  }
0x1e0: {  	v53 =	vld [tilespmem:s9+$0x8450]  }
0x1e1: {  	v55 =	vld [tilespmem:s9+$0x9450]  }
0x1e2: {  	v21 =	vld [tilespmem:s9+$0x8460]  }
0x1e3: {  	v56 =	vld [tilespmem:s9+$0x9460]  }
0x1e4: {  	v57 =	vld [tilespmem:s9+$0xA400]  }
0x1e5: {  	v24 =	vld [tilespmem:s9+$0xA420]  }
0x1e6: {  	v25 =	vld [tilespmem:s9+$0xA430]  }
0x1e7: {  	v26 =	vld [tilespmem:s9+$0xA440]  }
0x1e8: {  	v37 =	vmul.f32 v22, v1;
	v23 =	vmul.f32 v23, v0;
	v27 =	vld [tilespmem:s9+$0xA450]  }
0x1e9: {  	v8 =	vmul.f32 v13, v0;
	v39 =	vmul.f32 v35, v2;
	v28 =	vld [tilespmem:s9+$0xA460]  }
0x1ea: {  	v29 =	vld [tilespmem:s9+$0xB400];
	v14 =	vmul.f32 v14, v1;
	v42 =	vmul.f32 v12, v3  }
0x1eb: {  	v30 =	vld [tilespmem:s9+$0xB410];
	v11 =	vmul.f32 v11, v0;
	v45 =	vmul.f32 v10, v4  }
0x1ec: {  	v31 =	vld [tilespmem:s9+$0xB420];
	v15 =	vmul.f32 v38, v1;
	v48 =	vmul.f32 v40, v5  }
0x1ed: {  	v32 =	vld [tilespmem:s9+$0xB430];
	v51 =	vmul.f32 v43, v6;
	v54 =	vmul.f32 v46, v7  }
0x1ee: {  	v33 =	vld [tilespmem:s9+$0xB440];
	v16 =	vmul.f32 v41, v0;
	v17 =	vmul.f32 v44, v1  }
0x1ef: {  	v34 =	vld [tilespmem:s9+$0xB450];
	v58 =	vmul.f32 v47, v0;
	v13 =	vmul.f32 v49, v1  }
0x1f0: {  	v35 =	vld [tilespmem:s9+$0xB460];
	v59 =	vmul.f32 v50, v0;
	v12 =	vmul.f32 v52, v1  }
0x1f1: {  	v8 =	vadd.f32 v37, v8;
	v18 =	vld [tilespmem:s9+$0xC410];
	v61 =	vmul.f32 v53, v0;
	v10 =	vmul.f32 v55, v1  }
0x1f2: {  	v60 =	vld [tilespmem:s9+$0xC420];
	v62 =	vmul.f32 v21, v0;
	v9 =	vmul.f32 v56, v1  }
0x1f3: {  	v20 =	vld [tilespmem:s9+$0xC430];
	v8 =	vadd.f32 v39, v8;
	v63 =	vmul.f32 v57, v2;
	v37 =	vmul.f32 v24, v2  }
0x1f4: {  	v36 =	vld [tilespmem:s9+$0xC450];
	v14 =	vadd.f32 v14, v23;
	v38 =	vmul.f32 v25, v2;
	v40 =	vmul.f32 v26, v2  }
0x1f5: {  	v23 =	vld [tilespmem:s9+$0xC400];
	v8 =	vadd.f32 v42, v8;
	v42 =	vmul.f32 v27, v2;
	v44 =	vmul.f32 v28, v2  }
0x1f6: {  	v39 =	vld [tilespmem:s9+$0xC460];
	v47 =	vmul.f32 v30, v3;
	v53 =	vmul.f32 v33, v3  }
0x1f7: {  	v21 =	vld [tilespmem:s9+$0xC440];
	v55 =	vmul.f32 v34, v3;
	v56 =	vmul.f32 v35, v3;
	v8 =	vadd.f32 v45, v8  }
0x1f8: {  	v41 =	vld [tilespmem:s9+$0xD400];
	v18 =	vmul.f32 v18, v4;
	v11 =	vadd.f32 v15, v11;
	v16 =	vadd.f32 v17, v16  }
0x1f9: {  	v43 =	vld [tilespmem:s9+$0xD410];
	v60 =	vmul.f32 v60, v4;
	v13 =	vadd.f32 v13, v58;
	v8 =	vadd.f32 v48, v8  }
0x1fa: {  	v46 =	vld [tilespmem:s9+$0xD420];
	v45 =	vmul.f32 v29, v3;
	v12 =	vadd.f32 v12, v59;
	v10 =	vadd.f32 v10, v61  }
0x1fb: {  	v52 =	vld [tilespmem:s9+$0xD440];
	v9 =	vadd.f32 v9, v62;
	v58 =	vmul.f32 v23, v4;
	v8 =	vadd.f32 v51, v8  }
0x1fc: {  	v57 =	vld [tilespmem:s9+$0xD460];
	v14 =	vadd.f32 v63, v14;
	v62 =	vmul.f32 v20, v4;
	v34 =	vmul.f32 v39, v4  }
0x1fd: {  	v59 =	vld [tilespmem:s9+$0xE400];
	v48 =	vmul.f32 v31, v3;
	v16 =	vadd.f32 v37, v16;
	v8 =	vadd.f32 v54, v8  }
0x1fe: {  	v61 =	vld [tilespmem:s9+$0xE410];
	v13 =	vadd.f32 v38, v13;
	v10 =	vadd.f32 v42, v10;
	v51 =	vmul.f32 v32, v3  }
0x1ff: {  	v9 =	vadd.f32 v44, v9;
	v30 =	vmul.f32 v21, v4;
	v32 =	vmul.f32 v36, v4;
	[tilespmem:s9+$0x10470] =	vst v8;
	v8 =	vld [tilespmem:s9+$0xA410]  }
0x200: {  	v39 =	vld [tilespmem:s9+$0xE460];
	v50 =	vadd.f32 v45, v14;
	v15 =	vmul.f32 v41, v5;
	v36 =	vmul.f32 v43, v5  }
0x201: {  	v33 =	vld [tilespmem:s9+$0xE430];
	v38 =	vmul.f32 v46, v5;
	v41 =	vmul.f32 v52, v5;
	v9 =	vadd.f32 v56, v9  }
0x202: {  	v44 =	vmul.f32 v57, v5;
	v16 =	vadd.f32 v48, v16;
	v10 =	vadd.f32 v55, v10;
	v54 =	vld [tilespmem:s9+$0xD450]  }
0x203: {  	v45 =	vld [tilespmem:s9+$0xF410];
	v13 =	vadd.f32 v51, v13;
	v46 =	vmul.f32 v59, v6;
	v9 =	vadd.f32 v34, v9  }
0x204: {  	v49 =	vld [tilespmem:s9+$0xD430];
	v48 =	vmul.f32 v61, v6;
	v14 =	vadd.f32 v60, v16;
	v8 =	vmul.f32 v8, v2  }
0x205: {  	v63 =	vld [tilespmem:s9+$0xE420];
	v17 =	vmul.f32 v39, v6;
	v10 =	vadd.f32 v32, v10;
	v9 =	vadd.f32 v44, v9  }
0x206: {  	v37 =	vld [tilespmem:s9+$0xE450];
	v51 =	vmul.f32 v33, v6;
	v13 =	vadd.f32 v62, v13;
	v8 =	vadd.f32 v8, v11  }
0x207: {  	v57 =	vld [tilespmem:s9+$0xF460];
	v14 =	vadd.f32 v38, v14;
	v43 =	vmul.f32 v54, v5;
	v9 =	vadd.f32 v17, v9  }
0x208: {  	v42 =	vld [tilespmem:s9+$0xF400];
	v56 =	vmul.f32 v45, v7;
	v11 =	vadd.f32 v40, v12;
	v8 =	vadd.f32 v47, v8  }
0x209: {  	v35 =	vld [tilespmem:s9+$0xE440];
	v10 =	vadd.f32 v43, v10;
	v12 =	vadd.f32 v58, v50;
	v40 =	vmul.f32 v49, v5  }
0x20a: {  	v50 =	vmul.f32 v63, v6;
	v11 =	vadd.f32 v53, v11;
	v47 =	vld [tilespmem:s9+$0xF420];
	v8 =	vadd.f32 v18, v8  }
0x20b: {  	v20 =	vmul.f32 v37, v6;
	v49 =	vld [tilespmem:s9+$0xF430];
	v12 =	vadd.f32 v15, v12;
	v13 =	vadd.f32 v40, v13  }
0x20c: {  	v52 =	vld [tilespmem:s9+$0xF440];
	v63 =	vmul.f32 v57, v7;
	v14 =	vadd.f32 v50, v14;
	v8 =	vadd.f32 v36, v8  }
0x20d: {  	v55 =	vld [tilespmem:s9+$0xF450];
	v54 =	vmul.f32 v42, v7;
	v11 =	vadd.f32 v30, v11;
	v12 =	vadd.f32 v46, v12  }
0x20e: {  	v53 =	vmul.f32 v35, v6;
	v9 =	vadd.f32 v63, v9;
	v8 =	vadd.f32 v48, v8  }
0x20f: {  	v11 =	vadd.f32 v41, v11;
	v12 =	vadd.f32 v54, v12;
	v58 =	vmul.f32 v47, v7  }
0x210: {  	v13 =	vadd.f32 v51, v13;
	[tilespmem:s9+$0x10460] =	vst v9;
	v59 =	vmul.f32 v49, v7;
	v8 =	vadd.f32 v56, v8  }
0x211: {  	v61 =	vmul.f32 v52, v7;
	v11 =	vadd.f32 v53, v11;
	[tilespmem:s9+$0x10400] =	vst v12;
	v60 =	vadd.f32 v58, v14  }
0x212: {  	v62 =	vmul.f32 v55, v7;
	v10 =	vadd.f32 v20, v10;
	[tilespmem:s9+$0x10410] =	vst v8;
	v8 =	vadd.f32 v59, v13  }
0x213: {  	v11 =	vadd.f32 v61, v11;
	[tilespmem:s9+$0x10420] =	vst v60  }
0x214: {  	s6 =	sadd.s32 s3, s6;
	s28 =	sadd.s32 $0x1, s28;
	[tilespmem:s9+$0x10430] =	vst v8;
	v8 =	vadd.f32 v62, v10  }
0x215: {  	s6 =	sshll.u32 s6, $0x4;
	p0 =	sne.s32 s28, $0xA;
	[tilespmem:s9+$0x10440] =	vst v11  }
.Ltmp2:
0x216: {  	s6 =	sadd.s32 s7, s6;
	[tilespmem:s9+$0x10450] =	vst v8;
	(pc) =	sbr.rel @p0 .LBB2_2-.Ltmp2, $4  }
0x217: {  	[hbm4b:s6+s4] =	stream.linear.scatter [tilespmem:s24], [sflag:$0x3], $0x1000, $0x38;
	[tilespmem:$0x11400] =	vst v63  }
0x218: {  	_ =	swait.ge [sflag:s19], $0x1000  }
0x219: {  	[sflag:s19] =	ssyncset.done $0x0  }
0x21a: {  	[sflag:s19] =	ssyncadd.s32 $0xFFFFF000  }
0x21b: {  	s26 =	sadd.s32 $0x1, s26  }
0x21c: {  	p0 =	sne.s32 s26, s18  }
.Ltmp3:
0x21d: {  	_ = 	snop;
	(pc) =	sbr.rel @p0 .LBB2_1-.Ltmp3, $1  }
0x21e: {  	_ =	sdelay $0x3  }
0x21f: {  	_ =	sfence.sel $0x180000  }
0x220: {  	[bflag:$0x0] =	sbarrier.arrive $0xFFFF  }
0x221: {  	_ =	strace $0x90000047  }
0x222: {  	s0 =	stileid.u32;
	[bflag:$0x2] =	sbarrier.arrive $0xFFFF  }
0x223: {  	p0 =	sne.s32 s0, $0x0;
	s0 =	rddreg [dreg:$0x2]  }
0x224: {  	s0 =	sadd.s32 @!p0 $0x100000, s0  }
0x225: {  	[sflag:s0] =	ssyncadd.tile.s32 @!p0 $0x1;
	_ =	shalt  }
.Lfunc_end2:
_tile_overlayer_lowered:
.L_overlay_start_2:
0x226: {  	(tag) =	ssettag $0x2  }
0x227: {  	s0 =	rddreg [dreg:$0x0];
	s2 =	stileid.u32  }
0x228: {  	s1 =	rddreg [dreg:$0x1];
	p0 =	sne.s32 s2, $0x0  }
0x229: {  	s3 =	rddreg [dreg:$0x2];
	[bflag:$0x3] =	sbarrier.arrive $0xFFFF;
	s2 =	simm.s32 @!p0 $0x1C03  }
0x22a: {  	[timem:s3], [sflag:s2] =	dma.local @!p0 [hbm:s0], s1  }
0x22b: {  	s0 =	simm.s32 @!p0 $0x3  }
0x22c: {  	_ =	swait.ge @!p0 [sflag:s0], s1  }
0x22d: {  	s1 =	ssub.s32 @!p0 $0x0, s1;
	[sflag:s0] =	ssyncset.done @!p0 $0x0  }
0x22e: {  	[sflag:s0] =	ssyncadd.s32 @!p0 s1  }
0x22f: {  	[bflag:$0x3] =	sbarrier.arrive $0xFFFF  }
0x230: {  	_ =	shalt  }

</sc_bundles>
